<compile_context>
chip_gen: v7x
topology: tpu7x:2x2x1
jax: 0.10.2.dev20260603
libtpu: 0.0.44.dev20260713+nightly
codegen_flags: <defaults>
</compile_context>

<pallas_src>
import functools

import jax
import jax.numpy as jnp
from jax import lax
from jax.experimental import pallas as pl
from jax.experimental.pallas import tpu as pltpu
from jax.experimental.pallas import tpu_sc as plsc

_B, _L, _V, _H = 4096, 200, 1000000, 64
_NC, _NS = 2, 16
_NW = _NC * _NS
_BPW = _B // _NW
_C0 = 128
_C1 = _L - _C0
_LP = 208
_HALF = 1 << 19
_TCOLS = 2048
_TGRID = _HALF // _TCOLS

_mesh = plsc.VectorSubcoreMesh(core_axis_name="c", subcore_axis_name="s")


def _relayout_body(a_ref, b_ref, out_ref):
    out_ref[:, 0:_H] = a_ref[...].T
    out_ref[:, _H:2 * _H] = b_ref[...].T


_relayout = pl.pallas_call(
    _relayout_body,
    grid=(_TGRID,),
    in_specs=[pl.BlockSpec((_H, _TCOLS), lambda i: (0, i)),
              pl.BlockSpec((_H, _TCOLS),
                           lambda i: (0, jnp.minimum(i + _TGRID,
                                                     _V // _TCOLS)))],
    out_specs=pl.BlockSpec((_TCOLS, 2 * _H), lambda i: (i, 0)),
    out_shape=jax.ShapeDtypeStruct((_HALF, 2 * _H), jnp.float32),
)


@functools.partial(
    pl.kernel,
    out_type=jax.ShapeDtypeStruct((_B, _H), jnp.float32),
    mesh=_mesh,
    scratch_types=[
        pltpu.VMEM((_BPW, _L), jnp.int32),
        pltpu.VMEM((3, _LP), jnp.int32),
        pltpu.VMEM((3, _L, _H), jnp.float32),
        pltpu.VMEM((_BPW, _H), jnp.float32),
        pltpu.SemaphoreType.DMA,
        pltpu.SemaphoreType.DMA,
        pltpu.SemaphoreType.DMA,
    ],
    compiler_params=pltpu.CompilerParams(use_tc_tiling_on_sc=False),
)
def _pair_gather_sc(x_hbm, tbl3_hbm, out_hbm,
                    xr_v, idx3_v, rows_v, acc_v, s0, s1, s2):
    wid = lax.axis_index("s") * _NC + lax.axis_index("c")
    base = wid * _BPW
    sems = (s0, s1, s2)
    zero = jnp.zeros((16,), jnp.float32)
    pltpu.sync_copy(x_hbm.at[pl.ds(base, _BPW), :], xr_v)

    def fire(b, rslot):
        sem = sems[rslot]

        @pl.loop(0, 13)
        def _mk(c):
            o = jnp.minimum(c * 16, _L - 16)
            xv = xr_v[b, pl.ds(o, 16)]
            idx3_v[rslot, pl.ds(o, 16)] = jnp.bitwise_or(
                lax.shift_left(jnp.bitwise_and(xv, _HALF - 1), 1),
                lax.shift_right_logical(xv, 19))

        pltpu.async_copy(tbl3_hbm.at[idx3_v.at[rslot, pl.ds(0, _C0)]],
                         rows_v.at[rslot, pl.ds(0, _C0), :], sem)
        pltpu.async_copy(tbl3_hbm.at[idx3_v.at[rslot, pl.ds(_C0, _C1)]],
                         rows_v.at[rslot, pl.ds(_C0, _C1), :], sem)

    def drain(rslot):
        pltpu.make_async_copy(tbl3_hbm.at[pl.ds(0, _L), :],
                              rows_v.at[rslot], sems[rslot]).wait()

    def accum_store(aslot, arow):
        def body(l, accs):
            a0, a1, a2, a3 = accs
            return (a0 + rows_v[aslot, l, pl.ds(0, 16)],
                    a1 + rows_v[aslot, l, pl.ds(16, 16)],
                    a2 + rows_v[aslot, l, pl.ds(32, 16)],
                    a3 + rows_v[aslot, l, pl.ds(48, 16)])

        a0, a1, a2, a3 = lax.fori_loop(0, _L, body, (zero,) * 4, unroll=8)
        acc_v[arow, pl.ds(0, 16)] = a0
        acc_v[arow, pl.ds(16, 16)] = a1
        acc_v[arow, pl.ds(32, 16)] = a2
        acc_v[arow, pl.ds(48, 16)] = a3

    fire(0, 0)
    fire(1, 1)

    @pl.loop(0, _BPW - 2, step=3)
    def _trip(b):
        drain(0)
        fire(b + 2, 2)
        accum_store(0, b)
        drain(1)
        fire(b + 3, 0)
        accum_store(1, b + 1)
        drain(2)
        fire(b + 4, 1)
        accum_store(2, b + 2)

    drain(0)
    accum_store(0, _BPW - 2)
    drain(1)
    accum_store(1, _BPW - 1)
    pltpu.sync_copy(acc_v, out_hbm.at[pl.ds(base, _BPW), :])


def _bn_relu(h, g, be, eps=1e-5):
    mu = jnp.mean(h, axis=0, keepdims=True)
    var = jnp.mean((h - mu) * (h - mu), axis=0, keepdims=True)
    return jnp.maximum(g * (h - mu) / jnp.sqrt(var + eps) + be, 0.0)


def _mlp_body(bow_ref, t_ref, W1, b1, g1, be1, W2, b2, g2, be2,
              W3, b3, g3, be3, Wout, bout, loss_ref, logits_ref):
    bow = bow_ref[...] * (1.0 / _L)
    h = jnp.dot(bow, W1[...], preferred_element_type=jnp.float32) + b1[...]
    h = _bn_relu(h, g1[...], be1[...])
    h = jnp.dot(h, W2[...], preferred_element_type=jnp.float32) + b2[...]
    h = _bn_relu(h, g2[...], be2[...])
    h = jnp.dot(h, W3[...], preferred_element_type=jnp.float32) + b3[...]
    h = _bn_relu(h, g3[...], be3[...])
    logits = jnp.dot(h, Wout[...], preferred_element_type=jnp.float32) + bout[...]
    logits_ref[...] = logits
    t = t_ref[...]
    per = (jnp.maximum(logits, 0.0) - logits * t
           + jnp.log1p(jnp.exp(-jnp.abs(logits))))
    loss_ref[...] = jnp.mean(per).reshape(1, 1)


_mlp = pl.pallas_call(
    _mlp_body,
    out_shape=(jax.ShapeDtypeStruct((1, 1), jnp.float32),
               jax.ShapeDtypeStruct((_B, 1), jnp.float32)),
)


def kernel(x, t, table, W1, b1, g1, be1, W2, b2, g2, be2,
           W3, b3, g3, be3, Wout, bout):
    xi = x.astype(jnp.int32)
    tt = table.T
    tbl2 = _relayout(tt, tt)
    bow_sum = _pair_gather_sc(xi, tbl2.reshape(2 * _HALF, _H))
    loss2, logits2 = _mlp(
        bow_sum, t.reshape(_B, 1),
        W1, b1.reshape(1, _H), g1.reshape(1, _H), be1.reshape(1, _H),
        W2, b2.reshape(1, _H), g2.reshape(1, _H), be2.reshape(1, _H),
        W3, b3.reshape(1, _H), g3.reshape(1, _H), be3.reshape(1, _H),
        Wout, bout.reshape(1, 1))
    return loss2[0, 0], logits2[:, 0]

# --- scband reference (transcript-rebuilt; emitter-appended) ---
"""Pipeline reference for scband-bow-model2-5798205849946 (READ-ONLY COPY).

The authoritative reference and input builder live on the scoring server;
editing this copy changes nothing except your own understanding.
"""

import jax, jax.numpy as jnp
import numpy as np

B, L, V, H = 4096, 200, 1000000, 64


def _lin(k, fan_in, fan_out):
    k1, k2 = jax.random.split(k)
    W = jax.random.normal(k1, (fan_in, fan_out), dtype=jnp.float32) / np.sqrt(fan_in)
    b = jax.random.normal(k2, (fan_out,), dtype=jnp.float32) * 0.01
    return W, b


def setup_inputs(seed: int = 0) -> dict:
    key = jax.random.key(seed)
    ks = jax.random.split(key, 10)
    x = jax.random.randint(ks[0], (B, L), 0, V, dtype=jnp.int64)
    t = jax.random.uniform(ks[1], (B,), dtype=jnp.float32)
    table = jax.random.normal(ks[2], (V, H), dtype=jnp.float32) * 0.02
    W1, b1 = _lin(ks[3], H, H)
    W2, b2 = _lin(ks[4], H, H)
    W3, b3 = _lin(ks[5], H, H)
    Wout, bout = _lin(ks[6], H, 1)
    g1 = jnp.ones((H,), jnp.float32); be1 = jnp.zeros((H,), jnp.float32)
    g2 = jnp.ones((H,), jnp.float32); be2 = jnp.zeros((H,), jnp.float32)
    g3 = jnp.ones((H,), jnp.float32); be3 = jnp.zeros((H,), jnp.float32)
    return {"x": x, "t": t, "table": table,
            "W1": W1, "b1": b1, "g1": g1, "be1": be1,
            "W2": W2, "b2": b2, "g2": g2, "be2": be2,
            "W3": W3, "b3": b3, "g3": g3, "be3": be3,
            "Wout": Wout, "bout": bout}


def _batchnorm(h, g, b, eps=1e-5):
    # training-mode forward: batch statistics (biased variance, matching torch)
    mu = jnp.mean(h, axis=0)
    var = jnp.var(h, axis=0)
    return g * (h - mu) / jnp.sqrt(var + eps) + b


def reference(x, t, table, W1, b1, g1, be1, W2, b2, g2, be2, W3, b3, g3, be3, Wout, bout):
    # bag-of-words embedding: gather then mean over sequence dim
    emb = jnp.take(table, x, axis=0)          # [B, L, H]
    bow = jnp.mean(emb, axis=1)               # [B, H]
    h = jax.nn.relu(_batchnorm(bow @ W1 + b1, g1, be1))
    h = jax.nn.relu(_batchnorm(h @ W2 + b2, g2, be2))
    h = jax.nn.relu(_batchnorm(h @ W3 + b3, g3, be3))
    # dropout: identity (eval / deterministic reference)
    logits = (h @ Wout + bout)[:, 0]           # [B]
    # BCEWithLogitsLoss (mean reduction), numerically stable
    loss = jnp.mean(jnp.maximum(logits, 0.0) - logits * t + jnp.log1p(jnp.exp(-jnp.abs(logits))))
    return loss, logits

if __name__ == "__main__":
    import jax
    _d = setup_inputs()
    print(jax.jit(kernel)(*tuple(_d.values())))

</pallas_src>

<mosaic_0001>
#map = affine_map<(d0, d1) -> (0, 0)>
module attributes {stable_mosaic.version = 14 : i64} {
  func.func @_pair_gather_sc(%arg0: i32, %arg1: i32, %arg2: memref<4096x200xi32, #tpu.memory_space<hbm>>, %arg3: memref<1048576x64xf32, #tpu.memory_space<hbm>>, %arg4: memref<4096x64xf32, #tpu.memory_space<hbm>>, %arg5: memref<128x200xi32, #tpu.memory_space<vmem>>, %arg6: memref<3x208xi32, #tpu.memory_space<vmem>>, %arg7: memref<3x200x64xf32, #tpu.memory_space<vmem>>, %arg8: memref<128x64xf32, #tpu.memory_space<vmem>>, %arg9: memref<!tpu.dma_semaphore, #tpu.memory_space<semaphore_mem>>, %arg10: memref<!tpu.dma_semaphore, #tpu.memory_space<semaphore_mem>>, %arg11: memref<!tpu.dma_semaphore, #tpu.memory_space<semaphore_mem>>) attributes {dimension_semantics = [#tpu.dimension_semantics<core_parallel>, #tpu.dimension_semantics<subcore_parallel>], iteration_bounds = array<i64: 2, 16>, scalar_prefetch = 0 : i64, scratch_operands = 7 : i64, tpu.core_type = #tpu.core_type<sc_vector_subcore>, window_params = [{transform_indices = #map}, {transform_indices = #map}, {transform_indices = #map}]} {
    %mul3A = arith.constant 2 : i32
    %mul3A_0 = arith.muli %arg1, %mul3A : i32
    %add3A = arith.addi %mul3A_0, %arg0 : i32
    %mul3A_1 = arith.constant 128 : i32
    %mul3A_2 = arith.muli %add3A, %mul3A_1 : i32
    %broadcast_in_dim3A = arith.constant 0.000000e+00 : f32
    %broadcast_in_dim3A_3 = vector.broadcast %broadcast_in_dim3A : f32 to vector<16xf32>
    "tpu.region"() ({
      %run_scoped3A = tpu.sem_alloc : memref<!tpu.dma_semaphore, #tpu.memory_space<semaphore_mem>>
      %dma_start3A_153 = arith.constant 0 : i32
      %dma_start3A_154 = tpu.memref_slice %arg2[%mul3A_2, %dma_start3A_153] : memref<4096x200xi32, #tpu.memory_space<hbm>> -> memref<128x200xi32, #tpu.memory_space<hbm>>
      %dma_start3A_155 = arith.constant 0 : i32
      %dma_start3A_156 = tpu.memref_slice %arg2[%mul3A_2, %dma_start3A_155] : memref<4096x200xi32, #tpu.memory_space<hbm>> -> memref<128x200xi32, #tpu.memory_space<hbm>>
      tpu.enqueue_dma source(%dma_start3A_156 : memref<128x200xi32, #tpu.memory_space<hbm>>) target(%arg5 : memref<128x200xi32, #tpu.memory_space<vmem>>) target_semaphore(%run_scoped3A : memref<!tpu.dma_semaphore, #tpu.memory_space<semaphore_mem>>)
      %dma_wait3A_157 = arith.constant 0 : i32
      %dma_wait3A_158 = tpu.memref_slice %arg2[%mul3A_2, %dma_wait3A_157] : memref<4096x200xi32, #tpu.memory_space<hbm>> -> memref<128x200xi32, #tpu.memory_space<hbm>>
      %dma_wait3A_159 = arith.constant 0 : i32
      %dma_wait3A_160 = tpu.memref_slice %arg2[%mul3A_2, %dma_wait3A_159] : memref<4096x200xi32, #tpu.memory_space<hbm>> -> memref<128x200xi32, #tpu.memory_space<hbm>>
      tpu.wait_dma2 semaphore(%run_scoped3A : memref<!tpu.dma_semaphore, #tpu.memory_space<semaphore_mem>>) src(%dma_wait3A_160 : memref<128x200xi32, #tpu.memory_space<hbm>>) dst(%arg5 : memref<128x200xi32, #tpu.memory_space<vmem>>)
      tpu.yield
    }) : () -> ()
    %scan3A = arith.constant 0 : i32
    %scan3A_4 = arith.constant 13 : i32
    %scan3A_5 = arith.addi %scan3A, %scan3A_4 : i32
    %scan3A_6 = arith.constant 1 : i32
    scf.for %scan3A_153 = %scan3A to %scan3A_5 step %scan3A_6  : i32 {
      %mul3A_154 = arith.constant 1 : i32
      %mul3A_155 = arith.muli %scan3A_153, %mul3A_154 : i32
      %add3A_156 = arith.constant 0 : i32
      %add3A_157 = arith.addi %add3A_156, %mul3A_155 : i32
      %mul3A_158 = arith.constant 16 : i32
      %mul3A_159 = arith.muli %add3A_157, %mul3A_158 : i32
      %min3A = arith.constant 184 : i32
      %min3A_160 = arith.minsi %mul3A_159, %min3A : i32
      %get3A = arith.constant 0 : i32
      %get3A_161 = arith.index_cast %get3A : i32 to index
      %get3A_162 = arith.index_cast %min3A_160 : i32 to index
      %get3A_163 = tpu.vector_load %arg5[%get3A_161, %get3A_162] {strides = array<i32>} : memref<128x200xi32, #tpu.memory_space<vmem>>, vector<1x16xi32>,
      %get3A_164 = vector.shape_cast %get3A_163 : vector<1x16xi32> to vector<16xi32>
      %and3A = arith.constant 524287 : i32
      %and3A_165 = vector.broadcast %and3A : i32 to vector<16xi32>
      %and3A_166 = arith.andi %get3A_164, %and3A_165 : vector<16xi32>
      %shift_left3A = arith.constant 1 : i32
      %shift_left3A_167 = vector.broadcast %shift_left3A : i32 to vector<16xi32>
      %shift_left3A_168 = arith.shli %and3A_166, %shift_left3A_167 : vector<16xi32>
      %shift_right_logical3A = arith.constant 19 : i32
      %shift_right_logical3A_169 = vector.broadcast %shift_right_logical3A : i32 to vector<16xi32>
      %shift_right_logical3A_170 = arith.shrui %get3A_164, %shift_right_logical3A_169 : vector<16xi32>
      %or3A = arith.ori %shift_left3A_168, %shift_right_logical3A_170 : vector<16xi32>
      %swap3A_171 = arith.constant 0 : i32
      %swap3A_172 = arith.index_cast %swap3A_171 : i32 to index
      %swap3A_173 = arith.index_cast %min3A_160 : i32 to index
      %swap3A_174 = tpu.vector_load %arg6[%swap3A_172, %swap3A_173] {strides = array<i32>} : memref<3x208xi32, #tpu.memory_space<vmem>>, vector<1x16xi32>,
      %swap3A_175 = vector.shape_cast %swap3A_174 : vector<1x16xi32> to vector<16xi32>
      %swap3A_176 = vector.shape_cast %or3A : vector<16xi32> to vector<1x16xi32>
      tpu.vector_store %arg6[%swap3A_172, %swap3A_173], %swap3A_176 {strides = array<i32>} : memref<3x208xi32, #tpu.memory_space<vmem>>, vector<1x16xi32>,
    }
    %scan3A_7 = arith.constant 13 : i32
    %dma_start3A = arith.constant 0 : i32
    %dma_start3A_8 = arith.constant 0 : i32
    %dma_start3A_9 = arith.constant 0 : i32
    %dma_start3A_10 = arith.constant 0 : i32
    %dma_start3A_11 = tpu.memref_slice %arg7[%dma_start3A_8, %dma_start3A_9, %dma_start3A_10] : memref<3x200x64xf32, #tpu.memory_space<vmem>> -> memref<1x128x64xf32, #tpu.memory_space<vmem>>
    %dma_start3A_12 = tpu.memref_squeeze %dma_start3A_11 : memref<1x128x64xf32, #tpu.memory_space<vmem>> -> memref<128x64xf32, #tpu.memory_space<vmem>>
    %dma_start3A_13 = arith.constant 0 : i32
    %dma_start3A_14 = tpu.memref_slice %arg6[%dma_start3A, %dma_start3A_13] : memref<3x208xi32, #tpu.memory_space<vmem>> -> memref<1x128xi32, #tpu.memory_space<vmem>>
    %dma_start3A_15 = tpu.memref_squeeze %dma_start3A_14 : memref<1x128xi32, #tpu.memory_space<vmem>> -> memref<128xi32, #tpu.memory_space<vmem>>
    %dma_start3A_16 = arith.constant 0 : i32
    %dma_start3A_17 = arith.constant 0 : i32
    %dma_start3A_18 = tpu.memref_slice %arg3[%dma_start3A_16, %dma_start3A_17] : memref<1048576x64xf32, #tpu.memory_space<hbm>> -> memref<1048576x64xf32, #tpu.memory_space<hbm>>
    tpu.enqueue_indirect_dma source(%dma_start3A_18 : memref<1048576x64xf32, #tpu.memory_space<hbm>>) target(%dma_start3A_12 : memref<128x64xf32, #tpu.memory_space<vmem>>) offsets(%dma_start3A_15 : memref<128xi32, #tpu.memory_space<vmem>>) semaphore(%arg9 : memref<!tpu.dma_semaphore, #tpu.memory_space<semaphore_mem>>)
    %dma_start3A_19 = arith.constant 0 : i32
    %dma_start3A_20 = arith.constant 0 : i32
    %dma_start3A_21 = arith.constant 128 : i32
    %dma_start3A_22 = arith.constant 0 : i32
    %dma_start3A_23 = tpu.memref_slice %arg7[%dma_start3A_20, %dma_start3A_21, %dma_start3A_22] : memref<3x200x64xf32, #tpu.memory_space<vmem>> -> memref<1x72x64xf32, #tpu.memory_space<vmem>>
    %dma_start3A_24 = tpu.memref_squeeze %dma_start3A_23 : memref<1x72x64xf32, #tpu.memory_space<vmem>> -> memref<72x64xf32, #tpu.memory_space<vmem>>
    %dma_start3A_25 = arith.constant 128 : i32
    %dma_start3A_26 = tpu.memref_slice %arg6[%dma_start3A_19, %dma_start3A_25] : memref<3x208xi32, #tpu.memory_space<vmem>> -> memref<1x72xi32, #tpu.memory_space<vmem>>
    %dma_start3A_27 = tpu.memref_squeeze %dma_start3A_26 : memref<1x72xi32, #tpu.memory_space<vmem>> -> memref<72xi32, #tpu.memory_space<vmem>>
    %dma_start3A_28 = arith.constant 0 : i32
    %dma_start3A_29 = arith.constant 0 : i32
    %dma_start3A_30 = tpu.memref_slice %arg3[%dma_start3A_28, %dma_start3A_29] : memref<1048576x64xf32, #tpu.memory_space<hbm>> -> memref<1048576x64xf32, #tpu.memory_space<hbm>>
    tpu.enqueue_indirect_dma source(%dma_start3A_30 : memref<1048576x64xf32, #tpu.memory_space<hbm>>) target(%dma_start3A_24 : memref<72x64xf32, #tpu.memory_space<vmem>>) offsets(%dma_start3A_27 : memref<72xi32, #tpu.memory_space<vmem>>) semaphore(%arg9 : memref<!tpu.dma_semaphore, #tpu.memory_space<semaphore_mem>>)
    %scan3A_31 = arith.constant 0 : i32
    %scan3A_32 = arith.constant 13 : i32
    %scan3A_33 = arith.addi %scan3A_31, %scan3A_32 : i32
    %scan3A_34 = arith.constant 1 : i32
    scf.for %scan3A_153 = %scan3A_31 to %scan3A_33 step %scan3A_34  : i32 {
      %mul3A_154 = arith.constant 1 : i32
      %mul3A_155 = arith.muli %scan3A_153, %mul3A_154 : i32
      %add3A_156 = arith.constant 0 : i32
      %add3A_157 = arith.addi %add3A_156, %mul3A_155 : i32
      %mul3A_158 = arith.constant 16 : i32
      %mul3A_159 = arith.muli %add3A_157, %mul3A_158 : i32
      %min3A = arith.constant 184 : i32
      %min3A_160 = arith.minsi %mul3A_159, %min3A : i32
      %get3A = arith.constant 1 : i32
      %get3A_161 = arith.index_cast %get3A : i32 to index
      %get3A_162 = arith.index_cast %min3A_160 : i32 to index
      %get3A_163 = tpu.vector_load %arg5[%get3A_161, %get3A_162] {strides = array<i32>} : memref<128x200xi32, #tpu.memory_space<vmem>>, vector<1x16xi32>,
      %get3A_164 = vector.shape_cast %get3A_163 : vector<1x16xi32> to vector<16xi32>
      %and3A = arith.constant 524287 : i32
      %and3A_165 = vector.broadcast %and3A : i32 to vector<16xi32>
      %and3A_166 = arith.andi %get3A_164, %and3A_165 : vector<16xi32>
      %shift_left3A = arith.constant 1 : i32
      %shift_left3A_167 = vector.broadcast %shift_left3A : i32 to vector<16xi32>
      %shift_left3A_168 = arith.shli %and3A_166, %shift_left3A_167 : vector<16xi32>
      %shift_right_logical3A = arith.constant 19 : i32
      %shift_right_logical3A_169 = vector.broadcast %shift_right_logical3A : i32 to vector<16xi32>
      %shift_right_logical3A_170 = arith.shrui %get3A_164, %shift_right_logical3A_169 : vector<16xi32>
      %or3A = arith.ori %shift_left3A_168, %shift_right_logical3A_170 : vector<16xi32>
      %swap3A_171 = arith.constant 1 : i32
      %swap3A_172 = arith.index_cast %swap3A_171 : i32 to index
      %swap3A_173 = arith.index_cast %min3A_160 : i32 to index
      %swap3A_174 = tpu.vector_load %arg6[%swap3A_172, %swap3A_173] {strides = array<i32>} : memref<3x208xi32, #tpu.memory_space<vmem>>, vector<1x16xi32>,
      %swap3A_175 = vector.shape_cast %swap3A_174 : vector<1x16xi32> to vector<16xi32>
      %swap3A_176 = vector.shape_cast %or3A : vector<16xi32> to vector<1x16xi32>
      tpu.vector_store %arg6[%swap3A_172, %swap3A_173], %swap3A_176 {strides = array<i32>} : memref<3x208xi32, #tpu.memory_space<vmem>>, vector<1x16xi32>,
    }
    %scan3A_35 = arith.constant 13 : i32
    %dma_start3A_36 = arith.constant 1 : i32
    %dma_start3A_37 = arith.constant 1 : i32
    %dma_start3A_38 = arith.constant 0 : i32
    %dma_start3A_39 = arith.constant 0 : i32
    %dma_start3A_40 = tpu.memref_slice %arg7[%dma_start3A_37, %dma_start3A_38, %dma_start3A_39] : memref<3x200x64xf32, #tpu.memory_space<vmem>> -> memref<1x128x64xf32, #tpu.memory_space<vmem>>
    %dma_start3A_41 = tpu.memref_squeeze %dma_start3A_40 : memref<1x128x64xf32, #tpu.memory_space<vmem>> -> memref<128x64xf32, #tpu.memory_space<vmem>>
    %dma_start3A_42 = arith.constant 0 : i32
    %dma_start3A_43 = tpu.memref_slice %arg6[%dma_start3A_36, %dma_start3A_42] : memref<3x208xi32, #tpu.memory_space<vmem>> -> memref<1x128xi32, #tpu.memory_space<vmem>>
    %dma_start3A_44 = tpu.memref_squeeze %dma_start3A_43 : memref<1x128xi32, #tpu.memory_space<vmem>> -> memref<128xi32, #tpu.memory_space<vmem>>
    %dma_start3A_45 = arith.constant 0 : i32
    %dma_start3A_46 = arith.constant 0 : i32
    %dma_start3A_47 = tpu.memref_slice %arg3[%dma_start3A_45, %dma_start3A_46] : memref<1048576x64xf32, #tpu.memory_space<hbm>> -> memref<1048576x64xf32, #tpu.memory_space<hbm>>
    tpu.enqueue_indirect_dma source(%dma_start3A_47 : memref<1048576x64xf32, #tpu.memory_space<hbm>>) target(%dma_start3A_41 : memref<128x64xf32, #tpu.memory_space<vmem>>) offsets(%dma_start3A_44 : memref<128xi32, #tpu.memory_space<vmem>>) semaphore(%arg10 : memref<!tpu.dma_semaphore, #tpu.memory_space<semaphore_mem>>)
    %dma_start3A_48 = arith.constant 1 : i32
    %dma_start3A_49 = arith.constant 1 : i32
    %dma_start3A_50 = arith.constant 128 : i32
    %dma_start3A_51 = arith.constant 0 : i32
    %dma_start3A_52 = tpu.memref_slice %arg7[%dma_start3A_49, %dma_start3A_50, %dma_start3A_51] : memref<3x200x64xf32, #tpu.memory_space<vmem>> -> memref<1x72x64xf32, #tpu.memory_space<vmem>>
    %dma_start3A_53 = tpu.memref_squeeze %dma_start3A_52 : memref<1x72x64xf32, #tpu.memory_space<vmem>> -> memref<72x64xf32, #tpu.memory_space<vmem>>
    %dma_start3A_54 = arith.constant 128 : i32
    %dma_start3A_55 = tpu.memref_slice %arg6[%dma_start3A_48, %dma_start3A_54] : memref<3x208xi32, #tpu.memory_space<vmem>> -> memref<1x72xi32, #tpu.memory_space<vmem>>
    %dma_start3A_56 = tpu.memref_squeeze %dma_start3A_55 : memref<1x72xi32, #tpu.memory_space<vmem>> -> memref<72xi32, #tpu.memory_space<vmem>>
    %dma_start3A_57 = arith.constant 0 : i32
    %dma_start3A_58 = arith.constant 0 : i32
    %dma_start3A_59 = tpu.memref_slice %arg3[%dma_start3A_57, %dma_start3A_58] : memref<1048576x64xf32, #tpu.memory_space<hbm>> -> memref<1048576x64xf32, #tpu.memory_space<hbm>>
    tpu.enqueue_indirect_dma source(%dma_start3A_59 : memref<1048576x64xf32, #tpu.memory_space<hbm>>) target(%dma_start3A_53 : memref<72x64xf32, #tpu.memory_space<vmem>>) offsets(%dma_start3A_56 : memref<72xi32, #tpu.memory_space<vmem>>) semaphore(%arg10 : memref<!tpu.dma_semaphore, #tpu.memory_space<semaphore_mem>>)
    %scan3A_60 = arith.constant 0 : i32
    %scan3A_61 = arith.constant 42 : i32
    %scan3A_62 = arith.addi %scan3A_60, %scan3A_61 : i32
    %scan3A_63 = arith.constant 1 : i32
    scf.for %scan3A_153 = %scan3A_60 to %scan3A_62 step %scan3A_63  : i32 {
      %mul3A_154 = arith.constant 3 : i32
      %mul3A_155 = arith.muli %scan3A_153, %mul3A_154 : i32
      %add3A_156 = arith.constant 0 : i32
      %add3A_157 = arith.addi %add3A_156, %mul3A_155 : i32
      %dma_wait3A_158 = arith.constant 0 : i32
      %dma_wait3A_159 = arith.constant 0 : i32
      %dma_wait3A_160 = arith.constant 0 : i32
      %dma_wait3A_161 = tpu.memref_slice %arg7[%dma_wait3A_158, %dma_wait3A_159, %dma_wait3A_160] : memref<3x200x64xf32, #tpu.memory_space<vmem>> -> memref<1x200x64xf32, #tpu.memory_space<vmem>>
      %dma_wait3A_162 = tpu.memref_squeeze %dma_wait3A_161 : memref<1x200x64xf32, #tpu.memory_space<vmem>> -> memref<200x64xf32, #tpu.memory_space<vmem>>
      %dma_wait3A_163 = arith.constant 0 : i32
      %dma_wait3A_164 = arith.constant 0 : i32
      %dma_wait3A_165 = tpu.memref_slice %arg3[%dma_wait3A_163, %dma_wait3A_164] : memref<1048576x64xf32, #tpu.memory_space<hbm>> -> memref<200x64xf32, #tpu.memory_space<hbm>>
      %dma_wait3A_166 = arith.constant 0 : i32
      %dma_wait3A_167 = arith.constant 0 : i32
      %dma_wait3A_168 = tpu.memref_slice %arg7[%dma_wait3A_158, %dma_wait3A_166, %dma_wait3A_167] : memref<3x200x64xf32, #tpu.memory_space<vmem>> -> memref<1x200x64xf32, #tpu.memory_space<vmem>>
      %dma_wait3A_169 = tpu.memref_squeeze %dma_wait3A_168 : memref<1x200x64xf32, #tpu.memory_space<vmem>> -> memref<200x64xf32, #tpu.memory_space<vmem>>
      %dma_wait3A_170 = arith.constant 0 : i32
      %dma_wait3A_171 = arith.constant 0 : i32
      %dma_wait3A_172 = tpu.memref_slice %arg3[%dma_wait3A_170, %dma_wait3A_171] : memref<1048576x64xf32, #tpu.memory_space<hbm>> -> memref<200x64xf32, #tpu.memory_space<hbm>>
      tpu.wait_dma2 semaphore(%arg9 : memref<!tpu.dma_semaphore, #tpu.memory_space<semaphore_mem>>) src(%dma_wait3A_172 : memref<200x64xf32, #tpu.memory_space<hbm>>) dst(%dma_wait3A_169 : memref<200x64xf32, #tpu.memory_space<vmem>>)
      %add3A_173 = arith.constant 2 : i32
      %add3A_174 = arith.addi %add3A_157, %add3A_173 : i32
      %scan3A_175 = arith.constant 0 : i32
      %scan3A_176 = arith.constant 13 : i32
      %scan3A_177 = arith.addi %scan3A_175, %scan3A_176 : i32
      %scan3A_178 = arith.constant 1 : i32
      scf.for %scan3A_378 = %scan3A_175 to %scan3A_177 step %scan3A_178  : i32 {
        %mul3A_379 = arith.constant 1 : i32
        %mul3A_380 = arith.muli %scan3A_378, %mul3A_379 : i32
        %add3A_381 = arith.constant 0 : i32
        %add3A_382 = arith.addi %add3A_381, %mul3A_380 : i32
        %mul3A_383 = arith.constant 16 : i32
        %mul3A_384 = arith.muli %add3A_382, %mul3A_383 : i32
        %min3A = arith.constant 184 : i32
        %min3A_385 = arith.minsi %mul3A_384, %min3A : i32
        %get3A = arith.index_cast %add3A_174 : i32 to index
        %get3A_386 = arith.index_cast %min3A_385 : i32 to index
        %get3A_387 = tpu.vector_load %arg5[%get3A, %get3A_386] {strides = array<i32>} : memref<128x200xi32, #tpu.memory_space<vmem>>, vector<1x16xi32>,
        %get3A_388 = vector.shape_cast %get3A_387 : vector<1x16xi32> to vector<16xi32>
        %and3A = arith.constant 524287 : i32
        %and3A_389 = vector.broadcast %and3A : i32 to vector<16xi32>
        %and3A_390 = arith.andi %get3A_388, %and3A_389 : vector<16xi32>
        %shift_left3A = arith.constant 1 : i32
        %shift_left3A_391 = vector.broadcast %shift_left3A : i32 to vector<16xi32>
        %shift_left3A_392 = arith.shli %and3A_390, %shift_left3A_391 : vector<16xi32>
        %shift_right_logical3A = arith.constant 19 : i32
        %shift_right_logical3A_393 = vector.broadcast %shift_right_logical3A : i32 to vector<16xi32>
        %shift_right_logical3A_394 = arith.shrui %get3A_388, %shift_right_logical3A_393 : vector<16xi32>
        %or3A = arith.ori %shift_left3A_392, %shift_right_logical3A_394 : vector<16xi32>
        %swap3A_395 = arith.constant 2 : i32
        %swap3A_396 = arith.index_cast %swap3A_395 : i32 to index
        %swap3A_397 = arith.index_cast %min3A_385 : i32 to index
        %swap3A_398 = tpu.vector_load %arg6[%swap3A_396, %swap3A_397] {strides = array<i32>} : memref<3x208xi32, #tpu.memory_space<vmem>>, vector<1x16xi32>,
        %swap3A_399 = vector.shape_cast %swap3A_398 : vector<1x16xi32> to vector<16xi32>
        %swap3A_400 = vector.shape_cast %or3A : vector<16xi32> to vector<1x16xi32>
        tpu.vector_store %arg6[%swap3A_396, %swap3A_397], %swap3A_400 {strides = array<i32>} : memref<3x208xi32, #tpu.memory_space<vmem>>, vector<1x16xi32>,
      }
      %scan3A_179 = arith.constant 13 : i32
      %dma_start3A_180 = arith.constant 2 : i32
      %dma_start3A_181 = arith.constant 2 : i32
      %dma_start3A_182 = arith.constant 0 : i32
      %dma_start3A_183 = arith.constant 0 : i32
      %dma_start3A_184 = tpu.memref_slice %arg7[%dma_start3A_181, %dma_start3A_182, %dma_start3A_183] : memref<3x200x64xf32, #tpu.memory_space<vmem>> -> memref<1x128x64xf32, #tpu.memory_space<vmem>>
      %dma_start3A_185 = tpu.memref_squeeze %dma_start3A_184 : memref<1x128x64xf32, #tpu.memory_space<vmem>> -> memref<128x64xf32, #tpu.memory_space<vmem>>
      %dma_start3A_186 = arith.constant 0 : i32
      %dma_start3A_187 = tpu.memref_slice %arg6[%dma_start3A_180, %dma_start3A_186] : memref<3x208xi32, #tpu.memory_space<vmem>> -> memref<1x128xi32, #tpu.memory_space<vmem>>
      %dma_start3A_188 = tpu.memref_squeeze %dma_start3A_187 : memref<1x128xi32, #tpu.memory_space<vmem>> -> memref<128xi32, #tpu.memory_space<vmem>>
      %dma_start3A_189 = arith.constant 0 : i32
      %dma_start3A_190 = arith.constant 0 : i32
      %dma_start3A_191 = tpu.memref_slice %arg3[%dma_start3A_189, %dma_start3A_190] : memref<1048576x64xf32, #tpu.memory_space<hbm>> -> memref<1048576x64xf32, #tpu.memory_space<hbm>>
      tpu.enqueue_indirect_dma source(%dma_start3A_191 : memref<1048576x64xf32, #tpu.memory_space<hbm>>) target(%dma_start3A_185 : memref<128x64xf32, #tpu.memory_space<vmem>>) offsets(%dma_start3A_188 : memref<128xi32, #tpu.memory_space<vmem>>) semaphore(%arg11 : memref<!tpu.dma_semaphore, #tpu.memory_space<semaphore_mem>>)
      %dma_start3A_192 = arith.constant 2 : i32
      %dma_start3A_193 = arith.constant 2 : i32
      %dma_start3A_194 = arith.constant 128 : i32
      %dma_start3A_195 = arith.constant 0 : i32
      %dma_start3A_196 = tpu.memref_slice %arg7[%dma_start3A_193, %dma_start3A_194, %dma_start3A_195] : memref<3x200x64xf32, #tpu.memory_space<vmem>> -> memref<1x72x64xf32, #tpu.memory_space<vmem>>
      %dma_start3A_197 = tpu.memref_squeeze %dma_start3A_196 : memref<1x72x64xf32, #tpu.memory_space<vmem>> -> memref<72x64xf32, #tpu.memory_space<vmem>>
      %dma_start3A_198 = arith.constant 128 : i32
      %dma_start3A_199 = tpu.memref_slice %arg6[%dma_start3A_192, %dma_start3A_198] : memref<3x208xi32, #tpu.memory_space<vmem>> -> memref<1x72xi32, #tpu.memory_space<vmem>>
      %dma_start3A_200 = tpu.memref_squeeze %dma_start3A_199 : memref<1x72xi32, #tpu.memory_space<vmem>> -> memref<72xi32, #tpu.memory_space<vmem>>
      %dma_start3A_201 = arith.constant 0 : i32
      %dma_start3A_202 = arith.constant 0 : i32
      %dma_start3A_203 = tpu.memref_slice %arg3[%dma_start3A_201, %dma_start3A_202] : memref<1048576x64xf32, #tpu.memory_space<hbm>> -> memref<1048576x64xf32, #tpu.memory_space<hbm>>
      tpu.enqueue_indirect_dma source(%dma_start3A_203 : memref<1048576x64xf32, #tpu.memory_space<hbm>>) target(%dma_start3A_197 : memref<72x64xf32, #tpu.memory_space<vmem>>) offsets(%dma_start3A_200 : memref<72xi32, #tpu.memory_space<vmem>>) semaphore(%arg11 : memref<!tpu.dma_semaphore, #tpu.memory_space<semaphore_mem>>)
      %scan3A_204 = arith.constant 0 : i32
      %scan3A_205 = arith.constant 200 : i32
      %scan3A_206 = arith.addi %scan3A_204, %scan3A_205 : i32
      %scan3A_207 = arith.constant 8 : i32
      %scan3A_208:4 = scf.for %scan3A_378 = %scan3A_204 to %scan3A_206 step %scan3A_207 iter_args(%scan3A_379 = %broadcast_in_dim3A_3, %scan3A_380 = %broadcast_in_dim3A_3, %scan3A_381 = %broadcast_in_dim3A_3, %scan3A_382 = %broadcast_in_dim3A_3) -> (vector<16xf32>, vector<16xf32>, vector<16xf32>, vector<16xf32>)  : i32 {
        %get3A = arith.constant 0 : i32
        %get3A_383 = arith.index_cast %get3A : i32 to index
        %get3A_384 = arith.index_cast %scan3A_378 : i32 to index
        %get3A_385 = arith.constant 0 : index
        %get3A_386 = tpu.vector_load %arg7[%get3A_383, %get3A_384, %get3A_385] {strides = array<i32>} : memref<3x200x64xf32, #tpu.memory_space<vmem>>, vector<1x1x16xf32>,
        %get3A_387 = vector.shape_cast %get3A_386 : vector<1x1x16xf32> to vector<16xf32>
        %add3A_388 = arith.addf %scan3A_379, %get3A_387 : vector<16xf32>
        %get3A_389 = arith.constant 0 : i32
        %get3A_390 = arith.index_cast %get3A_389 : i32 to index
        %get3A_391 = arith.index_cast %scan3A_378 : i32 to index
        %get3A_392 = arith.constant 16 : index
        %get3A_393 = tpu.vector_load %arg7[%get3A_390, %get3A_391, %get3A_392] {strides = array<i32>} : memref<3x200x64xf32, #tpu.memory_space<vmem>>, vector<1x1x16xf32>,
        %get3A_394 = vector.shape_cast %get3A_393 : vector<1x1x16xf32> to vector<16xf32>
        %add3A_395 = arith.addf %scan3A_380, %get3A_394 : vector<16xf32>
        %get3A_396 = arith.constant 0 : i32
        %get3A_397 = arith.index_cast %get3A_396 : i32 to index
        %get3A_398 = arith.index_cast %scan3A_378 : i32 to index
        %get3A_399 = arith.constant 32 : index
        %get3A_400 = tpu.vector_load %arg7[%get3A_397, %get3A_398, %get3A_399] {strides = array<i32>} : memref<3x200x64xf32, #tpu.memory_space<vmem>>, vector<1x1x16xf32>,
        %get3A_401 = vector.shape_cast %get3A_400 : vector<1x1x16xf32> to vector<16xf32>
        %add3A_402 = arith.addf %scan3A_381, %get3A_401 : vector<16xf32>
        %get3A_403 = arith.constant 0 : i32
        %get3A_404 = arith.index_cast %get3A_403 : i32 to index
        %get3A_405 = arith.index_cast %scan3A_378 : i32 to index
        %get3A_406 = arith.constant 48 : index
        %get3A_407 = tpu.vector_load %arg7[%get3A_404, %get3A_405, %get3A_406] {strides = array<i32>} : memref<3x200x64xf32, #tpu.memory_space<vmem>>, vector<1x1x16xf32>,
        %get3A_408 = vector.shape_cast %get3A_407 : vector<1x1x16xf32> to vector<16xf32>
        %add3A_409 = arith.addf %scan3A_382, %get3A_408 : vector<16xf32>
        %scan3A_410 = arith.constant 1 : i32
        %scan3A_411 = arith.addi %scan3A_378, %scan3A_410 : i32
        %get3A_412 = arith.constant 0 : i32
        %get3A_413 = arith.index_cast %get3A_412 : i32 to index
        %get3A_414 = arith.index_cast %scan3A_411 : i32 to index
        %get3A_415 = arith.constant 0 : index
        %get3A_416 = tpu.vector_load %arg7[%get3A_413, %get3A_414, %get3A_415] {strides = array<i32>} : memref<3x200x64xf32, #tpu.memory_space<vmem>>, vector<1x1x16xf32>,
        %get3A_417 = vector.shape_cast %get3A_416 : vector<1x1x16xf32> to vector<16xf32>
        %add3A_418 = arith.addf %add3A_388, %get3A_417 : vector<16xf32>
        %get3A_419 = arith.constant 0 : i32
        %get3A_420 = arith.index_cast %get3A_419 : i32 to index
        %get3A_421 = arith.index_cast %scan3A_411 : i32 to index
        %get3A_422 = arith.constant 16 : index
        %get3A_423 = tpu.vector_load %arg7[%get3A_420, %get3A_421, %get3A_422] {strides = array<i32>} : memref<3x200x64xf32, #tpu.memory_space<vmem>>, vector<1x1x16xf32>,
        %get3A_424 = vector.shape_cast %get3A_423 : vector<1x1x16xf32> to vector<16xf32>
        %add3A_425 = arith.addf %add3A_395, %get3A_424 : vector<16xf32>
        %get3A_426 = arith.constant 0 : i32
        %get3A_427 = arith.index_cast %get3A_426 : i32 to index
        %get3A_428 = arith.index_cast %scan3A_411 : i32 to index
        %get3A_429 = arith.constant 32 : index
        %get3A_430 = tpu.vector_load %arg7[%get3A_427, %get3A_428, %get3A_429] {strides = array<i32>} : memref<3x200x64xf32, #tpu.memory_space<vmem>>, vector<1x1x16xf32>,
        %get3A_431 = vector.shape_cast %get3A_430 : vector<1x1x16xf32> to vector<16xf32>
        %add3A_432 = arith.addf %add3A_402, %get3A_431 : vector<16xf32>
        %get3A_433 = arith.constant 0 : i32
        %get3A_434 = arith.index_cast %get3A_433 : i32 to index
        %get3A_435 = arith.index_cast %scan3A_411 : i32 to index
        %get3A_436 = arith.constant 48 : index
        %get3A_437 = tpu.vector_load %arg7[%get3A_434, %get3A_435, %get3A_436] {strides = array<i32>} : memref<3x200x64xf32, #tpu.memory_space<vmem>>, vector<1x1x16xf32>,
        %get3A_438 = vector.shape_cast %get3A_437 : vector<1x1x16xf32> to vector<16xf32>
        %add3A_439 = arith.addf %add3A_409, %get3A_438 : vector<16xf32>
        %scan3A_440 = arith.constant 2 : i32
        %scan3A_441 = arith.addi %scan3A_378, %scan3A_440 : i32
        %get3A_442 = arith.constant 0 : i32
        %get3A_443 = arith.index_cast %get3A_442 : i32 to index
        %get3A_444 = arith.index_cast %scan3A_441 : i32 to index
        %get3A_445 = arith.constant 0 : index
        %get3A_446 = tpu.vector_load %arg7[%get3A_443, %get3A_444, %get3A_445] {strides = array<i32>} : memref<3x200x64xf32, #tpu.memory_space<vmem>>, vector<1x1x16xf32>,
        %get3A_447 = vector.shape_cast %get3A_446 : vector<1x1x16xf32> to vector<16xf32>
        %add3A_448 = arith.addf %add3A_418, %get3A_447 : vector<16xf32>
        %get3A_449 = arith.constant 0 : i32
        %get3A_450 = arith.index_cast %get3A_449 : i32 to index
        %get3A_451 = arith.index_cast %scan3A_441 : i32 to index
        %get3A_452 = arith.constant 16 : index
        %get3A_453 = tpu.vector_load %arg7[%get3A_450, %get3A_451, %get3A_452] {strides = array<i32>} : memref<3x200x64xf32, #tpu.memory_space<vmem>>, vector<1x1x16xf32>,
        %get3A_454 = vector.shape_cast %get3A_453 : vector<1x1x16xf32> to vector<16xf32>
        %add3A_455 = arith.addf %add3A_425, %get3A_454 : vector<16xf32>
        %get3A_456 = arith.constant 0 : i32
        %get3A_457 = arith.index_cast %get3A_456 : i32 to index
        %get3A_458 = arith.index_cast %scan3A_441 : i32 to index
        %get3A_459 = arith.constant 32 : index
        %get3A_460 = tpu.vector_load %arg7[%get3A_457, %get3A_458, %get3A_459] {strides = array<i32>} : memref<3x200x64xf32, #tpu.memory_space<vmem>>, vector<1x1x16xf32>,
        %get3A_461 = vector.shape_cast %get3A_460 : vector<1x1x16xf32> to vector<16xf32>
        %add3A_462 = arith.addf %add3A_432, %get3A_461 : vector<16xf32>
        %get3A_463 = arith.constant 0 : i32
        %get3A_464 = arith.index_cast %get3A_463 : i32 to index
        %get3A_465 = arith.index_cast %scan3A_441 : i32 to index
        %get3A_466 = arith.constant 48 : index
        %get3A_467 = tpu.vector_load %arg7[%get3A_464, %get3A_465, %get3A_466] {strides = array<i32>} : memref<3x200x64xf32, #tpu.memory_space<vmem>>, vector<1x1x16xf32>,
        %get3A_468 = vector.shape_cast %get3A_467 : vector<1x1x16xf32> to vector<16xf32>
        %add3A_469 = arith.addf %add3A_439, %get3A_468 : vector<16xf32>
        %scan3A_470 = arith.constant 3 : i32
        %scan3A_471 = arith.addi %scan3A_378, %scan3A_470 : i32
        %get3A_472 = arith.constant 0 : i32
        %get3A_473 = arith.index_cast %get3A_472 : i32 to index
        %get3A_474 = arith.index_cast %scan3A_471 : i32 to index
        %get3A_475 = arith.constant 0 : index
        %get3A_476 = tpu.vector_load %arg7[%get3A_473, %get3A_474, %get3A_475] {strides = array<i32>} : memref<3x200x64xf32, #tpu.memory_space<vmem>>, vector<1x1x16xf32>,
        %get3A_477 = vector.shape_cast %get3A_476 : vector<1x1x16xf32> to vector<16xf32>
        %add3A_478 = arith.addf %add3A_448, %get3A_477 : vector<16xf32>
        %get3A_479 = arith.constant 0 : i32
        %get3A_480 = arith.index_cast %get3A_479 : i32 to index
        %get3A_481 = arith.index_cast %scan3A_471 : i32 to index
        %get3A_482 = arith.constant 16 : index
        %get3A_483 = tpu.vector_load %arg7[%get3A_480, %get3A_481, %get3A_482] {strides = array<i32>} : memref<3x200x64xf32, #tpu.memory_space<vmem>>, vector<1x1x16xf32>,
        %get3A_484 = vector.shape_cast %get3A_483 : vector<1x1x16xf32> to vector<16xf32>
        %add3A_485 = arith.addf %add3A_455, %get3A_484 : vector<16xf32>
        %get3A_486 = arith.constant 0 : i32
        %get3A_487 = arith.index_cast %get3A_486 : i32 to index
        %get3A_488 = arith.index_cast %scan3A_471 : i32 to index
        %get3A_489 = arith.constant 32 : index
        %get3A_490 = tpu.vector_load %arg7[%get3A_487, %get3A_488, %get3A_489] {strides = array<i32>} : memref<3x200x64xf32, #tpu.memory_space<vmem>>, vector<1x1x16xf32>,
        %get3A_491 = vector.shape_cast %get3A_490 : vector<1x1x16xf32> to vector<16xf32>
        %add3A_492 = arith.addf %add3A_462, %get3A_491 : vector<16xf32>
        %get3A_493 = arith.constant 0 : i32
        %get3A_494 = arith.index_cast %get3A_493 : i32 to index
        %get3A_495 = arith.index_cast %scan3A_471 : i32 to index
        %get3A_496 = arith.constant 48 : index
        %get3A_497 = tpu.vector_load %arg7[%get3A_494, %get3A_495, %get3A_496] {strides = array<i32>} : memref<3x200x64xf32, #tpu.memory_space<vmem>>, vector<1x1x16xf32>,
        %get3A_498 = vector.shape_cast %get3A_497 : vector<1x1x16xf32> to vector<16xf32>
        %add3A_499 = arith.addf %add3A_469, %get3A_498 : vector<16xf32>
        %scan3A_500 = arith.constant 4 : i32
        %scan3A_501 = arith.addi %scan3A_378, %scan3A_500 : i32
        %get3A_502 = arith.constant 0 : i32
        %get3A_503 = arith.index_cast %get3A_502 : i32 to index
        %get3A_504 = arith.index_cast %scan3A_501 : i32 to index
        %get3A_505 = arith.constant 0 : index
        %get3A_506 = tpu.vector_load %arg7[%get3A_503, %get3A_504, %get3A_505] {strides = array<i32>} : memref<3x200x64xf32, #tpu.memory_space<vmem>>, vector<1x1x16xf32>,
        %get3A_507 = vector.shape_cast %get3A_506 : vector<1x1x16xf32> to vector<16xf32>
        %add3A_508 = arith.addf %add3A_478, %get3A_507 : vector<16xf32>
        %get3A_509 = arith.constant 0 : i32
        %get3A_510 = arith.index_cast %get3A_509 : i32 to index
        %get3A_511 = arith.index_cast %scan3A_501 : i32 to index
        %get3A_512 = arith.constant 16 : index
        %get3A_513 = tpu.vector_load %arg7[%get3A_510, %get3A_511, %get3A_512] {strides = array<i32>} : memref<3x200x64xf32, #tpu.memory_space<vmem>>, vector<1x1x16xf32>,
        %get3A_514 = vector.shape_cast %get3A_513 : vector<1x1x16xf32> to vector<16xf32>
        %add3A_515 = arith.addf %add3A_485, %get3A_514 : vector<16xf32>
        %get3A_516 = arith.constant 0 : i32
        %get3A_517 = arith.index_cast %get3A_516 : i32 to index
        %get3A_518 = arith.index_cast %scan3A_501 : i32 to index
        %get3A_519 = arith.constant 32 : index
        %get3A_520 = tpu.vector_load %arg7[%get3A_517, %get3A_518, %get3A_519] {strides = array<i32>} : memref<3x200x64xf32, #tpu.memory_space<vmem>>, vector<1x1x16xf32>,
        %get3A_521 = vector.shape_cast %get3A_520 : vector<1x1x16xf32> to vector<16xf32>
        %add3A_522 = arith.addf %add3A_492, %get3A_521 : vector<16xf32>
        %get3A_523 = arith.constant 0 : i32
        %get3A_524 = arith.index_cast %get3A_523 : i32 to index
        %get3A_525 = arith.index_cast %scan3A_501 : i32 to index
        %get3A_526 = arith.constant 48 : index
        %get3A_527 = tpu.vector_load %arg7[%get3A_524, %get3A_525, %get3A_526] {strides = array<i32>} : memref<3x200x64xf32, #tpu.memory_space<vmem>>, vector<1x1x16xf32>,
        %get3A_528 = vector.shape_cast %get3A_527 : vector<1x1x16xf32> to vector<16xf32>
        %add3A_529 = arith.addf %add3A_499, %get3A_528 : vector<16xf32>
        %scan3A_530 = arith.constant 5 : i32
        %scan3A_531 = arith.addi %scan3A_378, %scan3A_530 : i32
        %get3A_532 = arith.constant 0 : i32
        %get3A_533 = arith.index_cast %get3A_532 : i32 to index
        %get3A_534 = arith.index_cast %scan3A_531 : i32 to index
        %get3A_535 = arith.constant 0 : index
        %get3A_536 = tpu.vector_load %arg7[%get3A_533, %get3A_534, %get3A_535] {strides = array<i32>} : memref<3x200x64xf32, #tpu.memory_space<vmem>>, vector<1x1x16xf32>,
        %get3A_537 = vector.shape_cast %get3A_536 : vector<1x1x16xf32> to vector<16xf32>
        %add3A_538 = arith.addf %add3A_508, %get3A_537 : vector<16xf32>
        %get3A_539 = arith.constant 0 : i32
        %get3A_540 = arith.index_cast %get3A_539 : i32 to index
        %get3A_541 = arith.index_cast %scan3A_531 : i32 to index
        %get3A_542 = arith.constant 16 : index
        %get3A_543 = tpu.vector_load %arg7[%get3A_540, %get3A_541, %get3A_542] {strides = array<i32>} : memref<3x200x64xf32, #tpu.memory_space<vmem>>, vector<1x1x16xf32>,
        %get3A_544 = vector.shape_cast %get3A_543 : vector<1x1x16xf32> to vector<16xf32>
        %add3A_545 = arith.addf %add3A_515, %get3A_544 : vector<16xf32>
        %get3A_546 = arith.constant 0 : i32
        %get3A_547 = arith.index_cast %get3A_546 : i32 to index
        %get3A_548 = arith.index_cast %scan3A_531 : i32 to index
        %get3A_549 = arith.constant 32 : index
        %get3A_550 = tpu.vector_load %arg7[%get3A_547, %get3A_548, %get3A_549] {strides = array<i32>} : memref<3x200x64xf32, #tpu.memory_space<vmem>>, vector<1x1x16xf32>,
        %get3A_551 = vector.shape_cast %get3A_550 : vector<1x1x16xf32> to vector<16xf32>
        %add3A_552 = arith.addf %add3A_522, %get3A_551 : vector<16xf32>
        %get3A_553 = arith.constant 0 : i32
        %get3A_554 = arith.index_cast %get3A_553 : i32 to index
        %get3A_555 = arith.index_cast %scan3A_531 : i32 to index
        %get3A_556 = arith.constant 48 : index
        %get3A_557 = tpu.vector_load %arg7[%get3A_554, %get3A_555, %get3A_556] {strides = array<i32>} : memref<3x200x64xf32, #tpu.memory_space<vmem>>, vector<1x1x16xf32>,
        %get3A_558 = vector.shape_cast %get3A_557 : vector<1x1x16xf32> to vector<16xf32>
        %add3A_559 = arith.addf %add3A_529, %get3A_558 : vector<16xf32>
        %scan3A_560 = arith.constant 6 : i32
        %scan3A_561 = arith.addi %scan3A_378, %scan3A_560 : i32
        %get3A_562 = arith.constant 0 : i32
        %get3A_563 = arith.index_cast %get3A_562 : i32 to index
        %get3A_564 = arith.index_cast %scan3A_561 : i32 to index
        %get3A_565 = arith.constant 0 : index
        %get3A_566 = tpu.vector_load %arg7[%get3A_563, %get3A_564, %get3A_565] {strides = array<i32>} : memref<3x200x64xf32, #tpu.memory_space<vmem>>, vector<1x1x16xf32>,
        %get3A_567 = vector.shape_cast %get3A_566 : vector<1x1x16xf32> to vector<16xf32>
        %add3A_568 = arith.addf %add3A_538, %get3A_567 : vector<16xf32>
        %get3A_569 = arith.constant 0 : i32
        %get3A_570 = arith.index_cast %get3A_569 : i32 to index
        %get3A_571 = arith.index_cast %scan3A_561 : i32 to index
        %get3A_572 = arith.constant 16 : index
        %get3A_573 = tpu.vector_load %arg7[%get3A_570, %get3A_571, %get3A_572] {strides = array<i32>} : memref<3x200x64xf32, #tpu.memory_space<vmem>>, vector<1x1x16xf32>,
        %get3A_574 = vector.shape_cast %get3A_573 : vector<1x1x16xf32> to vector<16xf32>
        %add3A_575 = arith.addf %add3A_545, %get3A_574 : vector<16xf32>
        %get3A_576 = arith.constant 0 : i32
        %get3A_577 = arith.index_cast %get3A_576 : i32 to index
        %get3A_578 = arith.index_cast %scan3A_561 : i32 to index
        %get3A_579 = arith.constant 32 : index
        %get3A_580 = tpu.vector_load %arg7[%get3A_577, %get3A_578, %get3A_579] {strides = array<i32>} : memref<3x200x64xf32, #tpu.memory_space<vmem>>, vector<1x1x16xf32>,
        %get3A_581 = vector.shape_cast %get3A_580 : vector<1x1x16xf32> to vector<16xf32>
        %add3A_582 = arith.addf %add3A_552, %get3A_581 : vector<16xf32>
        %get3A_583 = arith.constant 0 : i32
        %get3A_584 = arith.index_cast %get3A_583 : i32 to index
        %get3A_585 = arith.index_cast %scan3A_561 : i32 to index
        %get3A_586 = arith.constant 48 : index
        %get3A_587 = tpu.vector_load %arg7[%get3A_584, %get3A_585, %get3A_586] {strides = array<i32>} : memref<3x200x64xf32, #tpu.memory_space<vmem>>, vector<1x1x16xf32>,
        %get3A_588 = vector.shape_cast %get3A_587 : vector<1x1x16xf32> to vector<16xf32>
        %add3A_589 = arith.addf %add3A_559, %get3A_588 : vector<16xf32>
        %scan3A_590 = arith.constant 7 : i32
        %scan3A_591 = arith.addi %scan3A_378, %scan3A_590 : i32
        %get3A_592 = arith.constant 0 : i32
        %get3A_593 = arith.index_cast %get3A_592 : i32 to index
        %get3A_594 = arith.index_cast %scan3A_591 : i32 to index
        %get3A_595 = arith.constant 0 : index
        %get3A_596 = tpu.vector_load %arg7[%get3A_593, %get3A_594, %get3A_595] {strides = array<i32>} : memref<3x200x64xf32, #tpu.memory_space<vmem>>, vector<1x1x16xf32>,
        %get3A_597 = vector.shape_cast %get3A_596 : vector<1x1x16xf32> to vector<16xf32>
        %add3A_598 = arith.addf %add3A_568, %get3A_597 : vector<16xf32>
        %get3A_599 = arith.constant 0 : i32
        %get3A_600 = arith.index_cast %get3A_599 : i32 to index
        %get3A_601 = arith.index_cast %scan3A_591 : i32 to index
        %get3A_602 = arith.constant 16 : index
        %get3A_603 = tpu.vector_load %arg7[%get3A_600, %get3A_601, %get3A_602] {strides = array<i32>} : memref<3x200x64xf32, #tpu.memory_space<vmem>>, vector<1x1x16xf32>,
        %get3A_604 = vector.shape_cast %get3A_603 : vector<1x1x16xf32> to vector<16xf32>
        %add3A_605 = arith.addf %add3A_575, %get3A_604 : vector<16xf32>
        %get3A_606 = arith.constant 0 : i32
        %get3A_607 = arith.index_cast %get3A_606 : i32 to index
        %get3A_608 = arith.index_cast %scan3A_591 : i32 to index
        %get3A_609 = arith.constant 32 : index
        %get3A_610 = tpu.vector_load %arg7[%get3A_607, %get3A_608, %get3A_609] {strides = array<i32>} : memref<3x200x64xf32, #tpu.memory_space<vmem>>, vector<1x1x16xf32>,
        %get3A_611 = vector.shape_cast %get3A_610 : vector<1x1x16xf32> to vector<16xf32>
        %add3A_612 = arith.addf %add3A_582, %get3A_611 : vector<16xf32>
        %get3A_613 = arith.constant 0 : i32
        %get3A_614 = arith.index_cast %get3A_613 : i32 to index
        %get3A_615 = arith.index_cast %scan3A_591 : i32 to index
        %get3A_616 = arith.constant 48 : index
        %get3A_617 = tpu.vector_load %arg7[%get3A_614, %get3A_615, %get3A_616] {strides = array<i32>} : memref<3x200x64xf32, #tpu.memory_space<vmem>>, vector<1x1x16xf32>,
        %get3A_618 = vector.shape_cast %get3A_617 : vector<1x1x16xf32> to vector<16xf32>
        %add3A_619 = arith.addf %add3A_589, %get3A_618 : vector<16xf32>
        scf.yield %add3A_598, %add3A_605, %add3A_612, %add3A_619 : vector<16xf32>, vector<16xf32>, vector<16xf32>, vector<16xf32>
      }
      %scan3A_209 = arith.constant 200 : i32
      %swap3A_210 = arith.index_cast %add3A_157 : i32 to index
      %swap3A_211 = arith.constant 0 : index
      %swap3A_212 = tpu.vector_load %arg8[%swap3A_210, %swap3A_211] {strides = array<i32>} : memref<128x64xf32, #tpu.memory_space<vmem>>, vector<1x16xf32>,
      %swap3A_213 = vector.shape_cast %swap3A_212 : vector<1x16xf32> to vector<16xf32>
      %swap3A_214 = vector.shape_cast %scan3A_208#0 : vector<16xf32> to vector<1x16xf32>
      tpu.vector_store %arg8[%swap3A_210, %swap3A_211], %swap3A_214 {strides = array<i32>} : memref<128x64xf32, #tpu.memory_space<vmem>>, vector<1x16xf32>,
      %swap3A_215 = arith.index_cast %add3A_157 : i32 to index
      %swap3A_216 = arith.constant 16 : index
      %swap3A_217 = tpu.vector_load %arg8[%swap3A_215, %swap3A_216] {strides = array<i32>} : memref<128x64xf32, #tpu.memory_space<vmem>>, vector<1x16xf32>,
      %swap3A_218 = vector.shape_cast %swap3A_217 : vector<1x16xf32> to vector<16xf32>
      %swap3A_219 = vector.shape_cast %scan3A_208#1 : vector<16xf32> to vector<1x16xf32>
      tpu.vector_store %arg8[%swap3A_215, %swap3A_216], %swap3A_219 {strides = array<i32>} : memref<128x64xf32, #tpu.memory_space<vmem>>, vector<1x16xf32>,
      %swap3A_220 = arith.index_cast %add3A_157 : i32 to index
      %swap3A_221 = arith.constant 32 : index
      %swap3A_222 = tpu.vector_load %arg8[%swap3A_220, %swap3A_221] {strides = array<i32>} : memref<128x64xf32, #tpu.memory_space<vmem>>, vector<1x16xf32>,
      %swap3A_223 = vector.shape_cast %swap3A_222 : vector<1x16xf32> to vector<16xf32>
      %swap3A_224 = vector.shape_cast %scan3A_208#2 : vector<16xf32> to vector<1x16xf32>
      tpu.vector_store %arg8[%swap3A_220, %swap3A_221], %swap3A_224 {strides = array<i32>} : memref<128x64xf32, #tpu.memory_space<vmem>>, vector<1x16xf32>,
      %swap3A_225 = arith.index_cast %add3A_157 : i32 to index
      %swap3A_226 = arith.constant 48 : index
      %swap3A_227 = tpu.vector_load %arg8[%swap3A_225, %swap3A_226] {strides = array<i32>} : memref<128x64xf32, #tpu.memory_space<vmem>>, vector<1x16xf32>,
      %swap3A_228 = vector.shape_cast %swap3A_227 : vector<1x16xf32> to vector<16xf32>
      %swap3A_229 = vector.shape_cast %scan3A_208#3 : vector<16xf32> to vector<1x16xf32>
      tpu.vector_store %arg8[%swap3A_225, %swap3A_226], %swap3A_229 {strides = array<i32>} : memref<128x64xf32, #tpu.memory_space<vmem>>, vector<1x16xf32>,
      %dma_wait3A_230 = arith.constant 1 : i32
      %dma_wait3A_231 = arith.constant 0 : i32
      %dma_wait3A_232 = arith.constant 0 : i32
      %dma_wait3A_233 = tpu.memref_slice %arg7[%dma_wait3A_230, %dma_wait3A_231, %dma_wait3A_232] : memref<3x200x64xf32, #tpu.memory_space<vmem>> -> memref<1x200x64xf32, #tpu.memory_space<vmem>>
      %dma_wait3A_234 = tpu.memref_squeeze %dma_wait3A_233 : memref<1x200x64xf32, #tpu.memory_space<vmem>> -> memref<200x64xf32, #tpu.memory_space<vmem>>
      %dma_wait3A_235 = arith.constant 0 : i32
      %dma_wait3A_236 = arith.constant 0 : i32
      %dma_wait3A_237 = tpu.memref_slice %arg3[%dma_wait3A_235, %dma_wait3A_236] : memref<1048576x64xf32, #tpu.memory_space<hbm>> -> memref<200x64xf32, #tpu.memory_space<hbm>>
      %dma_wait3A_238 = arith.constant 0 : i32
      %dma_wait3A_239 = arith.constant 0 : i32
      %dma_wait3A_240 = tpu.memref_slice %arg7[%dma_wait3A_230, %dma_wait3A_238, %dma_wait3A_239] : memref<3x200x64xf32, #tpu.memory_space<vmem>> -> memref<1x200x64xf32, #tpu.memory_space<vmem>>
      %dma_wait3A_241 = tpu.memref_squeeze %dma_wait3A_240 : memref<1x200x64xf32, #tpu.memory_space<vmem>> -> memref<200x64xf32, #tpu.memory_space<vmem>>
      %dma_wait3A_242 = arith.constant 0 : i32
      %dma_wait3A_243 = arith.constant 0 : i32
      %dma_wait3A_244 = tpu.memref_slice %arg3[%dma_wait3A_242, %dma_wait3A_243] : memref<1048576x64xf32, #tpu.memory_space<hbm>> -> memref<200x64xf32, #tpu.memory_space<hbm>>
      tpu.wait_dma2 semaphore(%arg10 : memref<!tpu.dma_semaphore, #tpu.memory_space<semaphore_mem>>) src(%dma_wait3A_244 : memref<200x64xf32, #tpu.memory_space<hbm>>) dst(%dma_wait3A_241 : memref<200x64xf32, #tpu.memory_space<vmem>>)
      %add3A_245 = arith.constant 3 : i32
      %add3A_246 = arith.addi %add3A_157, %add3A_245 : i32
      %scan3A_247 = arith.constant 0 : i32
      %scan3A_248 = arith.constant 13 : i32
      %scan3A_249 = arith.addi %scan3A_247, %scan3A_248 : i32
      %scan3A_250 = arith.constant 1 : i32
      scf.for %scan3A_378 = %scan3A_247 to %scan3A_249 step %scan3A_250  : i32 {
        %mul3A_379 = arith.constant 1 : i32
        %mul3A_380 = arith.muli %scan3A_378, %mul3A_379 : i32
        %add3A_381 = arith.constant 0 : i32
        %add3A_382 = arith.addi %add3A_381, %mul3A_380 : i32
        %mul3A_383 = arith.constant 16 : i32
        %mul3A_384 = arith.muli %add3A_382, %mul3A_383 : i32
        %min3A = arith.constant 184 : i32
        %min3A_385 = arith.minsi %mul3A_384, %min3A : i32
        %get3A = arith.index_cast %add3A_246 : i32 to index
        %get3A_386 = arith.index_cast %min3A_385 : i32 to index
        %get3A_387 = tpu.vector_load %arg5[%get3A, %get3A_386] {strides = array<i32>} : memref<128x200xi32, #tpu.memory_space<vmem>>, vector<1x16xi32>,
        %get3A_388 = vector.shape_cast %get3A_387 : vector<1x16xi32> to vector<16xi32>
        %and3A = arith.constant 524287 : i32
        %and3A_389 = vector.broadcast %and3A : i32 to vector<16xi32>
        %and3A_390 = arith.andi %get3A_388, %and3A_389 : vector<16xi32>
        %shift_left3A = arith.constant 1 : i32
        %shift_left3A_391 = vector.broadcast %shift_left3A : i32 to vector<16xi32>
        %shift_left3A_392 = arith.shli %and3A_390, %shift_left3A_391 : vector<16xi32>
        %shift_right_logical3A = arith.constant 19 : i32
        %shift_right_logical3A_393 = vector.broadcast %shift_right_logical3A : i32 to vector<16xi32>
        %shift_right_logical3A_394 = arith.shrui %get3A_388, %shift_right_logical3A_393 : vector<16xi32>
        %or3A = arith.ori %shift_left3A_392, %shift_right_logical3A_394 : vector<16xi32>
        %swap3A_395 = arith.constant 0 : i32
        %swap3A_396 = arith.index_cast %swap3A_395 : i32 to index
        %swap3A_397 = arith.index_cast %min3A_385 : i32 to index
        %swap3A_398 = tpu.vector_load %arg6[%swap3A_396, %swap3A_397] {strides = array<i32>} : memref<3x208xi32, #tpu.memory_space<vmem>>, vector<1x16xi32>,
        %swap3A_399 = vector.shape_cast %swap3A_398 : vector<1x16xi32> to vector<16xi32>
        %swap3A_400 = vector.shape_cast %or3A : vector<16xi32> to vector<1x16xi32>
        tpu.vector_store %arg6[%swap3A_396, %swap3A_397], %swap3A_400 {strides = array<i32>} : memref<3x208xi32, #tpu.memory_space<vmem>>, vector<1x16xi32>,
      }
      %scan3A_251 = arith.constant 13 : i32
      %dma_start3A_252 = arith.constant 0 : i32
      %dma_start3A_253 = arith.constant 0 : i32
      %dma_start3A_254 = arith.constant 0 : i32
      %dma_start3A_255 = arith.constant 0 : i32
      %dma_start3A_256 = tpu.memref_slice %arg7[%dma_start3A_253, %dma_start3A_254, %dma_start3A_255] : memref<3x200x64xf32, #tpu.memory_space<vmem>> -> memref<1x128x64xf32, #tpu.memory_space<vmem>>
      %dma_start3A_257 = tpu.memref_squeeze %dma_start3A_256 : memref<1x128x64xf32, #tpu.memory_space<vmem>> -> memref<128x64xf32, #tpu.memory_space<vmem>>
      %dma_start3A_258 = arith.constant 0 : i32
      %dma_start3A_259 = tpu.memref_slice %arg6[%dma_start3A_252, %dma_start3A_258] : memref<3x208xi32, #tpu.memory_space<vmem>> -> memref<1x128xi32, #tpu.memory_space<vmem>>
      %dma_start3A_260 = tpu.memref_squeeze %dma_start3A_259 : memref<1x128xi32, #tpu.memory_space<vmem>> -> memref<128xi32, #tpu.memory_space<vmem>>
      %dma_start3A_261 = arith.constant 0 : i32
      %dma_start3A_262 = arith.constant 0 : i32
      %dma_start3A_263 = tpu.memref_slice %arg3[%dma_start3A_261, %dma_start3A_262] : memref<1048576x64xf32, #tpu.memory_space<hbm>> -> memref<1048576x64xf32, #tpu.memory_space<hbm>>
      tpu.enqueue_indirect_dma source(%dma_start3A_263 : memref<1048576x64xf32, #tpu.memory_space<hbm>>) target(%dma_start3A_257 : memref<128x64xf32, #tpu.memory_space<vmem>>) offsets(%dma_start3A_260 : memref<128xi32, #tpu.memory_space<vmem>>) semaphore(%arg9 : memref<!tpu.dma_semaphore, #tpu.memory_space<semaphore_mem>>)
      %dma_start3A_264 = arith.constant 0 : i32
      %dma_start3A_265 = arith.constant 0 : i32
      %dma_start3A_266 = arith.constant 128 : i32
      %dma_start3A_267 = arith.constant 0 : i32
      %dma_start3A_268 = tpu.memref_slice %arg7[%dma_start3A_265, %dma_start3A_266, %dma_start3A_267] : memref<3x200x64xf32, #tpu.memory_space<vmem>> -> memref<1x72x64xf32, #tpu.memory_space<vmem>>
      %dma_start3A_269 = tpu.memref_squeeze %dma_start3A_268 : memref<1x72x64xf32, #tpu.memory_space<vmem>> -> memref<72x64xf32, #tpu.memory_space<vmem>>
      %dma_start3A_270 = arith.constant 128 : i32
      %dma_start3A_271 = tpu.memref_slice %arg6[%dma_start3A_264, %dma_start3A_270] : memref<3x208xi32, #tpu.memory_space<vmem>> -> memref<1x72xi32, #tpu.memory_space<vmem>>
      %dma_start3A_272 = tpu.memref_squeeze %dma_start3A_271 : memref<1x72xi32, #tpu.memory_space<vmem>> -> memref<72xi32, #tpu.memory_space<vmem>>
      %dma_start3A_273 = arith.constant 0 : i32
      %dma_start3A_274 = arith.constant 0 : i32
      %dma_start3A_275 = tpu.memref_slice %arg3[%dma_start3A_273, %dma_start3A_274] : memref<1048576x64xf32, #tpu.memory_space<hbm>> -> memref<1048576x64xf32, #tpu.memory_space<hbm>>
      tpu.enqueue_indirect_dma source(%dma_start3A_275 : memref<1048576x64xf32, #tpu.memory_space<hbm>>) target(%dma_start3A_269 : memref<72x64xf32, #tpu.memory_space<vmem>>) offsets(%dma_start3A_272 : memref<72xi32, #tpu.memory_space<vmem>>) semaphore(%arg9 : memref<!tpu.dma_semaphore, #tpu.memory_space<semaphore_mem>>)
      %add3A_276 = arith.constant 1 : i32
      %add3A_277 = arith.addi %add3A_157, %add3A_276 : i32
      %scan3A_278 = arith.constant 0 : i32
      %scan3A_279 = arith.constant 200 : i32
      %scan3A_280 = arith.addi %scan3A_278, %scan3A_279 : i32
      %scan3A_281 = arith.constant 8 : i32
      %scan3A_282:4 = scf.for %scan3A_378 = %scan3A_278 to %scan3A_280 step %scan3A_281 iter_args(%scan3A_379 = %broadcast_in_dim3A_3, %scan3A_380 = %broadcast_in_dim3A_3, %scan3A_381 = %broadcast_in_dim3A_3, %scan3A_382 = %broadcast_in_dim3A_3) -> (vector<16xf32>, vector<16xf32>, vector<16xf32>, vector<16xf32>)  : i32 {
        %get3A = arith.constant 1 : i32
        %get3A_383 = arith.index_cast %get3A : i32 to index
        %get3A_384 = arith.index_cast %scan3A_378 : i32 to index
        %get3A_385 = arith.constant 0 : index
        %get3A_386 = tpu.vector_load %arg7[%get3A_383, %get3A_384, %get3A_385] {strides = array<i32>} : memref<3x200x64xf32, #tpu.memory_space<vmem>>, vector<1x1x16xf32>,
        %get3A_387 = vector.shape_cast %get3A_386 : vector<1x1x16xf32> to vector<16xf32>
        %add3A_388 = arith.addf %scan3A_379, %get3A_387 : vector<16xf32>
        %get3A_389 = arith.constant 1 : i32
        %get3A_390 = arith.index_cast %get3A_389 : i32 to index
        %get3A_391 = arith.index_cast %scan3A_378 : i32 to index
        %get3A_392 = arith.constant 16 : index
        %get3A_393 = tpu.vector_load %arg7[%get3A_390, %get3A_391, %get3A_392] {strides = array<i32>} : memref<3x200x64xf32, #tpu.memory_space<vmem>>, vector<1x1x16xf32>,
        %get3A_394 = vector.shape_cast %get3A_393 : vector<1x1x16xf32> to vector<16xf32>
        %add3A_395 = arith.addf %scan3A_380, %get3A_394 : vector<16xf32>
        %get3A_396 = arith.constant 1 : i32
        %get3A_397 = arith.index_cast %get3A_396 : i32 to index
        %get3A_398 = arith.index_cast %scan3A_378 : i32 to index
        %get3A_399 = arith.constant 32 : index
        %get3A_400 = tpu.vector_load %arg7[%get3A_397, %get3A_398, %get3A_399] {strides = array<i32>} : memref<3x200x64xf32, #tpu.memory_space<vmem>>, vector<1x1x16xf32>,
        %get3A_401 = vector.shape_cast %get3A_400 : vector<1x1x16xf32> to vector<16xf32>
        %add3A_402 = arith.addf %scan3A_381, %get3A_401 : vector<16xf32>
        %get3A_403 = arith.constant 1 : i32
        %get3A_404 = arith.index_cast %get3A_403 : i32 to index
        %get3A_405 = arith.index_cast %scan3A_378 : i32 to index
        %get3A_406 = arith.constant 48 : index
        %get3A_407 = tpu.vector_load %arg7[%get3A_404, %get3A_405, %get3A_406] {strides = array<i32>} : memref<3x200x64xf32, #tpu.memory_space<vmem>>, vector<1x1x16xf32>,
        %get3A_408 = vector.shape_cast %get3A_407 : vector<1x1x16xf32> to vector<16xf32>
        %add3A_409 = arith.addf %scan3A_382, %get3A_408 : vector<16xf32>
        %scan3A_410 = arith.constant 1 : i32
        %scan3A_411 = arith.addi %scan3A_378, %scan3A_410 : i32
        %get3A_412 = arith.constant 1 : i32
        %get3A_413 = arith.index_cast %get3A_412 : i32 to index
        %get3A_414 = arith.index_cast %scan3A_411 : i32 to index
        %get3A_415 = arith.constant 0 : index
        %get3A_416 = tpu.vector_load %arg7[%get3A_413, %get3A_414, %get3A_415] {strides = array<i32>} : memref<3x200x64xf32, #tpu.memory_space<vmem>>, vector<1x1x16xf32>,
        %get3A_417 = vector.shape_cast %get3A_416 : vector<1x1x16xf32> to vector<16xf32>
        %add3A_418 = arith.addf %add3A_388, %get3A_417 : vector<16xf32>
        %get3A_419 = arith.constant 1 : i32
        %get3A_420 = arith.index_cast %get3A_419 : i32 to index
        %get3A_421 = arith.index_cast %scan3A_411 : i32 to index
        %get3A_422 = arith.constant 16 : index
        %get3A_423 = tpu.vector_load %arg7[%get3A_420, %get3A_421, %get3A_422] {strides = array<i32>} : memref<3x200x64xf32, #tpu.memory_space<vmem>>, vector<1x1x16xf32>,
        %get3A_424 = vector.shape_cast %get3A_423 : vector<1x1x16xf32> to vector<16xf32>
        %add3A_425 = arith.addf %add3A_395, %get3A_424 : vector<16xf32>
        %get3A_426 = arith.constant 1 : i32
        %get3A_427 = arith.index_cast %get3A_426 : i32 to index
        %get3A_428 = arith.index_cast %scan3A_411 : i32 to index
        %get3A_429 = arith.constant 32 : index
        %get3A_430 = tpu.vector_load %arg7[%get3A_427, %get3A_428, %get3A_429] {strides = array<i32>} : memref<3x200x64xf32, #tpu.memory_space<vmem>>, vector<1x1x16xf32>,
        %get3A_431 = vector.shape_cast %get3A_430 : vector<1x1x16xf32> to vector<16xf32>
        %add3A_432 = arith.addf %add3A_402, %get3A_431 : vector<16xf32>
        %get3A_433 = arith.constant 1 : i32
        %get3A_434 = arith.index_cast %get3A_433 : i32 to index
        %get3A_435 = arith.index_cast %scan3A_411 : i32 to index
        %get3A_436 = arith.constant 48 : index
        %get3A_437 = tpu.vector_load %arg7[%get3A_434, %get3A_435, %get3A_436] {strides = array<i32>} : memref<3x200x64xf32, #tpu.memory_space<vmem>>, vector<1x1x16xf32>,
        %get3A_438 = vector.shape_cast %get3A_437 : vector<1x1x16xf32> to vector<16xf32>
        %add3A_439 = arith.addf %add3A_409, %get3A_438 : vector<16xf32>
        %scan3A_440 = arith.constant 2 : i32
        %scan3A_441 = arith.addi %scan3A_378, %scan3A_440 : i32
        %get3A_442 = arith.constant 1 : i32
        %get3A_443 = arith.index_cast %get3A_442 : i32 to index
        %get3A_444 = arith.index_cast %scan3A_441 : i32 to index
        %get3A_445 = arith.constant 0 : index
        %get3A_446 = tpu.vector_load %arg7[%get3A_443, %get3A_444, %get3A_445] {strides = array<i32>} : memref<3x200x64xf32, #tpu.memory_space<vmem>>, vector<1x1x16xf32>,
        %get3A_447 = vector.shape_cast %get3A_446 : vector<1x1x16xf32> to vector<16xf32>
        %add3A_448 = arith.addf %add3A_418, %get3A_447 : vector<16xf32>
        %get3A_449 = arith.constant 1 : i32
        %get3A_450 = arith.index_cast %get3A_449 : i32 to index
        %get3A_451 = arith.index_cast %scan3A_441 : i32 to index
        %get3A_452 = arith.constant 16 : index
        %get3A_453 = tpu.vector_load %arg7[%get3A_450, %get3A_451, %get3A_452] {strides = array<i32>} : memref<3x200x64xf32, #tpu.memory_space<vmem>>, vector<1x1x16xf32>,
        %get3A_454 = vector.shape_cast %get3A_453 : vector<1x1x16xf32> to vector<16xf32>
        %add3A_455 = arith.addf %add3A_425, %get3A_454 : vector<16xf32>
        %get3A_456 = arith.constant 1 : i32
        %get3A_457 = arith.index_cast %get3A_456 : i32 to index
        %get3A_458 = arith.index_cast %scan3A_441 : i32 to index
        %get3A_459 = arith.constant 32 : index
        %get3A_460 = tpu.vector_load %arg7[%get3A_457, %get3A_458, %get3A_459] {strides = array<i32>} : memref<3x200x64xf32, #tpu.memory_space<vmem>>, vector<1x1x16xf32>,
        %get3A_461 = vector.shape_cast %get3A_460 : vector<1x1x16xf32> to vector<16xf32>
        %add3A_462 = arith.addf %add3A_432, %get3A_461 : vector<16xf32>
        %get3A_463 = arith.constant 1 : i32
        %get3A_464 = arith.index_cast %get3A_463 : i32 to index
        %get3A_465 = arith.index_cast %scan3A_441 : i32 to index
        %get3A_466 = arith.constant 48 : index
        %get3A_467 = tpu.vector_load %arg7[%get3A_464, %get3A_465, %get3A_466] {strides = array<i32>} : memref<3x200x64xf32, #tpu.memory_space<vmem>>, vector<1x1x16xf32>,
        %get3A_468 = vector.shape_cast %get3A_467 : vector<1x1x16xf32> to vector<16xf32>
        %add3A_469 = arith.addf %add3A_439, %get3A_468 : vector<16xf32>
        %scan3A_470 = arith.constant 3 : i32
        %scan3A_471 = arith.addi %scan3A_378, %scan3A_470 : i32
        %get3A_472 = arith.constant 1 : i32
        %get3A_473 = arith.index_cast %get3A_472 : i32 to index
        %get3A_474 = arith.index_cast %scan3A_471 : i32 to index
        %get3A_475 = arith.constant 0 : index
        %get3A_476 = tpu.vector_load %arg7[%get3A_473, %get3A_474, %get3A_475] {strides = array<i32>} : memref<3x200x64xf32, #tpu.memory_space<vmem>>, vector<1x1x16xf32>,
        %get3A_477 = vector.shape_cast %get3A_476 : vector<1x1x16xf32> to vector<16xf32>
        %add3A_478 = arith.addf %add3A_448, %get3A_477 : vector<16xf32>
        %get3A_479 = arith.constant 1 : i32
        %get3A_480 = arith.index_cast %get3A_479 : i32 to index
        %get3A_481 = arith.index_cast %scan3A_471 : i32 to index
        %get3A_482 = arith.constant 16 : index
        %get3A_483 = tpu.vector_load %arg7[%get3A_480, %get3A_481, %get3A_482] {strides = array<i32>} : memref<3x200x64xf32, #tpu.memory_space<vmem>>, vector<1x1x16xf32>,
        %get3A_484 = vector.shape_cast %get3A_483 : vector<1x1x16xf32> to vector<16xf32>
        %add3A_485 = arith.addf %add3A_455, %get3A_484 : vector<16xf32>
        %get3A_486 = arith.constant 1 : i32
        %get3A_487 = arith.index_cast %get3A_486 : i32 to index
        %get3A_488 = arith.index_cast %scan3A_471 : i32 to index
        %get3A_489 = arith.constant 32 : index
        %get3A_490 = tpu.vector_load %arg7[%get3A_487, %get3A_488, %get3A_489] {strides = array<i32>} : memref<3x200x64xf32, #tpu.memory_space<vmem>>, vector<1x1x16xf32>,
        %get3A_491 = vector.shape_cast %get3A_490 : vector<1x1x16xf32> to vector<16xf32>
        %add3A_492 = arith.addf %add3A_462, %get3A_491 : vector<16xf32>
        %get3A_493 = arith.constant 1 : i32
        %get3A_494 = arith.index_cast %get3A_493 : i32 to index
        %get3A_495 = arith.index_cast %scan3A_471 : i32 to index
        %get3A_496 = arith.constant 48 : index
        %get3A_497 = tpu.vector_load %arg7[%get3A_494, %get3A_495, %get3A_496] {strides = array<i32>} : memref<3x200x64xf32, #tpu.memory_space<vmem>>, vector<1x1x16xf32>,
        %get3A_498 = vector.shape_cast %get3A_497 : vector<1x1x16xf32> to vector<16xf32>
        %add3A_499 = arith.addf %add3A_469, %get3A_498 : vector<16xf32>
        %scan3A_500 = arith.constant 4 : i32
        %scan3A_501 = arith.addi %scan3A_378, %scan3A_500 : i32
        %get3A_502 = arith.constant 1 : i32
        %get3A_503 = arith.index_cast %get3A_502 : i32 to index
        %get3A_504 = arith.index_cast %scan3A_501 : i32 to index
        %get3A_505 = arith.constant 0 : index
        %get3A_506 = tpu.vector_load %arg7[%get3A_503, %get3A_504, %get3A_505] {strides = array<i32>} : memref<3x200x64xf32, #tpu.memory_space<vmem>>, vector<1x1x16xf32>,
        %get3A_507 = vector.shape_cast %get3A_506 : vector<1x1x16xf32> to vector<16xf32>
        %add3A_508 = arith.addf %add3A_478, %get3A_507 : vector<16xf32>
        %get3A_509 = arith.constant 1 : i32
        %get3A_510 = arith.index_cast %get3A_509 : i32 to index
        %get3A_511 = arith.index_cast %scan3A_501 : i32 to index
        %get3A_512 = arith.constant 16 : index
        %get3A_513 = tpu.vector_load %arg7[%get3A_510, %get3A_511, %get3A_512] {strides = array<i32>} : memref<3x200x64xf32, #tpu.memory_space<vmem>>, vector<1x1x16xf32>,
        %get3A_514 = vector.shape_cast %get3A_513 : vector<1x1x16xf32> to vector<16xf32>
        %add3A_515 = arith.addf %add3A_485, %get3A_514 : vector<16xf32>
        %get3A_516 = arith.constant 1 : i32
        %get3A_517 = arith.index_cast %get3A_516 : i32 to index
        %get3A_518 = arith.index_cast %scan3A_501 : i32 to index
        %get3A_519 = arith.constant 32 : index
        %get3A_520 = tpu.vector_load %arg7[%get3A_517, %get3A_518, %get3A_519] {strides = array<i32>} : memref<3x200x64xf32, #tpu.memory_space<vmem>>, vector<1x1x16xf32>,
        %get3A_521 = vector.shape_cast %get3A_520 : vector<1x1x16xf32> to vector<16xf32>
        %add3A_522 = arith.addf %add3A_492, %get3A_521 : vector<16xf32>
        %get3A_523 = arith.constant 1 : i32
        %get3A_524 = arith.index_cast %get3A_523 : i32 to index
        %get3A_525 = arith.index_cast %scan3A_501 : i32 to index
        %get3A_526 = arith.constant 48 : index
        %get3A_527 = tpu.vector_load %arg7[%get3A_524, %get3A_525, %get3A_526] {strides = array<i32>} : memref<3x200x64xf32, #tpu.memory_space<vmem>>, vector<1x1x16xf32>,
        %get3A_528 = vector.shape_cast %get3A_527 : vector<1x1x16xf32> to vector<16xf32>
        %add3A_529 = arith.addf %add3A_499, %get3A_528 : vector<16xf32>
        %scan3A_530 = arith.constant 5 : i32
        %scan3A_531 = arith.addi %scan3A_378, %scan3A_530 : i32
        %get3A_532 = arith.constant 1 : i32
        %get3A_533 = arith.index_cast %get3A_532 : i32 to index
        %get3A_534 = arith.index_cast %scan3A_531 : i32 to index
        %get3A_535 = arith.constant 0 : index
        %get3A_536 = tpu.vector_load %arg7[%get3A_533, %get3A_534, %get3A_535] {strides = array<i32>} : memref<3x200x64xf32, #tpu.memory_space<vmem>>, vector<1x1x16xf32>,
        %get3A_537 = vector.shape_cast %get3A_536 : vector<1x1x16xf32> to vector<16xf32>
        %add3A_538 = arith.addf %add3A_508, %get3A_537 : vector<16xf32>
        %get3A_539 = arith.constant 1 : i32
        %get3A_540 = arith.index_cast %get3A_539 : i32 to index
        %get3A_541 = arith.index_cast %scan3A_531 : i32 to index
        %get3A_542 = arith.constant 16 : index
        %get3A_543 = tpu.vector_load %arg7[%get3A_540, %get3A_541, %get3A_542] {strides = array<i32>} : memref<3x200x64xf32, #tpu.memory_space<vmem>>, vector<1x1x16xf32>,
        %get3A_544 = vector.shape_cast %get3A_543 : vector<1x1x16xf32> to vector<16xf32>
        %add3A_545 = arith.addf %add3A_515, %get3A_544 : vector<16xf32>
        %get3A_546 = arith.constant 1 : i32
        %get3A_547 = arith.index_cast %get3A_546 : i32 to index
        %get3A_548 = arith.index_cast %scan3A_531 : i32 to index
        %get3A_549 = arith.constant 32 : index
        %get3A_550 = tpu.vector_load %arg7[%get3A_547, %get3A_548, %get3A_549] {strides = array<i32>} : memref<3x200x64xf32, #tpu.memory_space<vmem>>, vector<1x1x16xf32>,
        %get3A_551 = vector.shape_cast %get3A_550 : vector<1x1x16xf32> to vector<16xf32>
        %add3A_552 = arith.addf %add3A_522, %get3A_551 : vector<16xf32>
        %get3A_553 = arith.constant 1 : i32
        %get3A_554 = arith.index_cast %get3A_553 : i32 to index
        %get3A_555 = arith.index_cast %scan3A_531 : i32 to index
        %get3A_556 = arith.constant 48 : index
        %get3A_557 = tpu.vector_load %arg7[%get3A_554, %get3A_555, %get3A_556] {strides = array<i32>} : memref<3x200x64xf32, #tpu.memory_space<vmem>>, vector<1x1x16xf32>,
        %get3A_558 = vector.shape_cast %get3A_557 : vector<1x1x16xf32> to vector<16xf32>
        %add3A_559 = arith.addf %add3A_529, %get3A_558 : vector<16xf32>
        %scan3A_560 = arith.constant 6 : i32
        %scan3A_561 = arith.addi %scan3A_378, %scan3A_560 : i32
        %get3A_562 = arith.constant 1 : i32
        %get3A_563 = arith.index_cast %get3A_562 : i32 to index
        %get3A_564 = arith.index_cast %scan3A_561 : i32 to index
        %get3A_565 = arith.constant 0 : index
        %get3A_566 = tpu.vector_load %arg7[%get3A_563, %get3A_564, %get3A_565] {strides = array<i32>} : memref<3x200x64xf32, #tpu.memory_space<vmem>>, vector<1x1x16xf32>,
        %get3A_567 = vector.shape_cast %get3A_566 : vector<1x1x16xf32> to vector<16xf32>
        %add3A_568 = arith.addf %add3A_538, %get3A_567 : vector<16xf32>
        %get3A_569 = arith.constant 1 : i32
        %get3A_570 = arith.index_cast %get3A_569 : i32 to index
        %get3A_571 = arith.index_cast %scan3A_561 : i32 to index
        %get3A_572 = arith.constant 16 : index
        %get3A_573 = tpu.vector_load %arg7[%get3A_570, %get3A_571, %get3A_572] {strides = array<i32>} : memref<3x200x64xf32, #tpu.memory_space<vmem>>, vector<1x1x16xf32>,
        %get3A_574 = vector.shape_cast %get3A_573 : vector<1x1x16xf32> to vector<16xf32>
        %add3A_575 = arith.addf %add3A_545, %get3A_574 : vector<16xf32>
        %get3A_576 = arith.constant 1 : i32
        %get3A_577 = arith.index_cast %get3A_576 : i32 to index
        %get3A_578 = arith.index_cast %scan3A_561 : i32 to index
        %get3A_579 = arith.constant 32 : index
        %get3A_580 = tpu.vector_load %arg7[%get3A_577, %get3A_578, %get3A_579] {strides = array<i32>} : memref<3x200x64xf32, #tpu.memory_space<vmem>>, vector<1x1x16xf32>,
        %get3A_581 = vector.shape_cast %get3A_580 : vector<1x1x16xf32> to vector<16xf32>
        %add3A_582 = arith.addf %add3A_552, %get3A_581 : vector<16xf32>
        %get3A_583 = arith.constant 1 : i32
        %get3A_584 = arith.index_cast %get3A_583 : i32 to index
        %get3A_585 = arith.index_cast %scan3A_561 : i32 to index
        %get3A_586 = arith.constant 48 : index
        %get3A_587 = tpu.vector_load %arg7[%get3A_584, %get3A_585, %get3A_586] {strides = array<i32>} : memref<3x200x64xf32, #tpu.memory_space<vmem>>, vector<1x1x16xf32>,
        %get3A_588 = vector.shape_cast %get3A_587 : vector<1x1x16xf32> to vector<16xf32>
        %add3A_589 = arith.addf %add3A_559, %get3A_588 : vector<16xf32>
        %scan3A_590 = arith.constant 7 : i32
        %scan3A_591 = arith.addi %scan3A_378, %scan3A_590 : i32
        %get3A_592 = arith.constant 1 : i32
        %get3A_593 = arith.index_cast %get3A_592 : i32 to index
        %get3A_594 = arith.index_cast %scan3A_591 : i32 to index
        %get3A_595 = arith.constant 0 : index
        %get3A_596 = tpu.vector_load %arg7[%get3A_593, %get3A_594, %get3A_595] {strides = array<i32>} : memref<3x200x64xf32, #tpu.memory_space<vmem>>, vector<1x1x16xf32>,
        %get3A_597 = vector.shape_cast %get3A_596 : vector<1x1x16xf32> to vector<16xf32>
        %add3A_598 = arith.addf %add3A_568, %get3A_597 : vector<16xf32>
        %get3A_599 = arith.constant 1 : i32
        %get3A_600 = arith.index_cast %get3A_599 : i32 to index
        %get3A_601 = arith.index_cast %scan3A_591 : i32 to index
        %get3A_602 = arith.constant 16 : index
        %get3A_603 = tpu.vector_load %arg7[%get3A_600, %get3A_601, %get3A_602] {strides = array<i32>} : memref<3x200x64xf32, #tpu.memory_space<vmem>>, vector<1x1x16xf32>,
        %get3A_604 = vector.shape_cast %get3A_603 : vector<1x1x16xf32> to vector<16xf32>
        %add3A_605 = arith.addf %add3A_575, %get3A_604 : vector<16xf32>
        %get3A_606 = arith.constant 1 : i32
        %get3A_607 = arith.index_cast %get3A_606 : i32 to index
        %get3A_608 = arith.index_cast %scan3A_591 : i32 to index
        %get3A_609 = arith.constant 32 : index
        %get3A_610 = tpu.vector_load %arg7[%get3A_607, %get3A_608, %get3A_609] {strides = array<i32>} : memref<3x200x64xf32, #tpu.memory_space<vmem>>, vector<1x1x16xf32>,
        %get3A_611 = vector.shape_cast %get3A_610 : vector<1x1x16xf32> to vector<16xf32>
        %add3A_612 = arith.addf %add3A_582, %get3A_611 : vector<16xf32>
        %get3A_613 = arith.constant 1 : i32
        %get3A_614 = arith.index_cast %get3A_613 : i32 to index
        %get3A_615 = arith.index_cast %scan3A_591 : i32 to index
        %get3A_616 = arith.constant 48 : index
        %get3A_617 = tpu.vector_load %arg7[%get3A_614, %get3A_615, %get3A_616] {strides = array<i32>} : memref<3x200x64xf32, #tpu.memory_space<vmem>>, vector<1x1x16xf32>,
        %get3A_618 = vector.shape_cast %get3A_617 : vector<1x1x16xf32> to vector<16xf32>
        %add3A_619 = arith.addf %add3A_589, %get3A_618 : vector<16xf32>
        scf.yield %add3A_598, %add3A_605, %add3A_612, %add3A_619 : vector<16xf32>, vector<16xf32>, vector<16xf32>, vector<16xf32>
      }
      %scan3A_283 = arith.constant 200 : i32
      %swap3A_284 = arith.index_cast %add3A_277 : i32 to index
      %swap3A_285 = arith.constant 0 : index
      %swap3A_286 = tpu.vector_load %arg8[%swap3A_284, %swap3A_285] {strides = array<i32>} : memref<128x64xf32, #tpu.memory_space<vmem>>, vector<1x16xf32>,
      %swap3A_287 = vector.shape_cast %swap3A_286 : vector<1x16xf32> to vector<16xf32>
      %swap3A_288 = vector.shape_cast %scan3A_282#0 : vector<16xf32> to vector<1x16xf32>
      tpu.vector_store %arg8[%swap3A_284, %swap3A_285], %swap3A_288 {strides = array<i32>} : memref<128x64xf32, #tpu.memory_space<vmem>>, vector<1x16xf32>,
      %swap3A_289 = arith.index_cast %add3A_277 : i32 to index
      %swap3A_290 = arith.constant 16 : index
      %swap3A_291 = tpu.vector_load %arg8[%swap3A_289, %swap3A_290] {strides = array<i32>} : memref<128x64xf32, #tpu.memory_space<vmem>>, vector<1x16xf32>,
      %swap3A_292 = vector.shape_cast %swap3A_291 : vector<1x16xf32> to vector<16xf32>
      %swap3A_293 = vector.shape_cast %scan3A_282#1 : vector<16xf32> to vector<1x16xf32>
      tpu.vector_store %arg8[%swap3A_289, %swap3A_290], %swap3A_293 {strides = array<i32>} : memref<128x64xf32, #tpu.memory_space<vmem>>, vector<1x16xf32>,
      %swap3A_294 = arith.index_cast %add3A_277 : i32 to index
      %swap3A_295 = arith.constant 32 : index
      %swap3A_296 = tpu.vector_load %arg8[%swap3A_294, %swap3A_295] {strides = array<i32>} : memref<128x64xf32, #tpu.memory_space<vmem>>, vector<1x16xf32>,
      %swap3A_297 = vector.shape_cast %swap3A_296 : vector<1x16xf32> to vector<16xf32>
      %swap3A_298 = vector.shape_cast %scan3A_282#2 : vector<16xf32> to vector<1x16xf32>
      tpu.vector_store %arg8[%swap3A_294, %swap3A_295], %swap3A_298 {strides = array<i32>} : memref<128x64xf32, #tpu.memory_space<vmem>>, vector<1x16xf32>,
      %swap3A_299 = arith.index_cast %add3A_277 : i32 to index
      %swap3A_300 = arith.constant 48 : index
      %swap3A_301 = tpu.vector_load %arg8[%swap3A_299, %swap3A_300] {strides = array<i32>} : memref<128x64xf32, #tpu.memory_space<vmem>>, vector<1x16xf32>,
      %swap3A_302 = vector.shape_cast %swap3A_301 : vector<1x16xf32> to vector<16xf32>
      %swap3A_303 = vector.shape_cast %scan3A_282#3 : vector<16xf32> to vector<1x16xf32>
      tpu.vector_store %arg8[%swap3A_299, %swap3A_300], %swap3A_303 {strides = array<i32>} : memref<128x64xf32, #tpu.memory_space<vmem>>, vector<1x16xf32>,
      %dma_wait3A_304 = arith.constant 2 : i32
      %dma_wait3A_305 = arith.constant 0 : i32
      %dma_wait3A_306 = arith.constant 0 : i32
      %dma_wait3A_307 = tpu.memref_slice %arg7[%dma_wait3A_304, %dma_wait3A_305, %dma_wait3A_306] : memref<3x200x64xf32, #tpu.memory_space<vmem>> -> memref<1x200x64xf32, #tpu.memory_space<vmem>>
      %dma_wait3A_308 = tpu.memref_squeeze %dma_wait3A_307 : memref<1x200x64xf32, #tpu.memory_space<vmem>> -> memref<200x64xf32, #tpu.memory_space<vmem>>
      %dma_wait3A_309 = arith.constant 0 : i32
      %dma_wait3A_310 = arith.constant 0 : i32
      %dma_wait3A_311 = tpu.memref_slice %arg3[%dma_wait3A_309, %dma_wait3A_310] : memref<1048576x64xf32, #tpu.memory_space<hbm>> -> memref<200x64xf32, #tpu.memory_space<hbm>>
      %dma_wait3A_312 = arith.constant 0 : i32
      %dma_wait3A_313 = arith.constant 0 : i32
      %dma_wait3A_314 = tpu.memref_slice %arg7[%dma_wait3A_304, %dma_wait3A_312, %dma_wait3A_313] : memref<3x200x64xf32, #tpu.memory_space<vmem>> -> memref<1x200x64xf32, #tpu.memory_space<vmem>>
      %dma_wait3A_315 = tpu.memref_squeeze %dma_wait3A_314 : memref<1x200x64xf32, #tpu.memory_space<vmem>> -> memref<200x64xf32, #tpu.memory_space<vmem>>
      %dma_wait3A_316 = arith.constant 0 : i32
      %dma_wait3A_317 = arith.constant 0 : i32
      %dma_wait3A_318 = tpu.memref_slice %arg3[%dma_wait3A_316, %dma_wait3A_317] : memref<1048576x64xf32, #tpu.memory_space<hbm>> -> memref<200x64xf32, #tpu.memory_space<hbm>>
      tpu.wait_dma2 semaphore(%arg11 : memref<!tpu.dma_semaphore, #tpu.memory_space<semaphore_mem>>) src(%dma_wait3A_318 : memref<200x64xf32, #tpu.memory_space<hbm>>) dst(%dma_wait3A_315 : memref<200x64xf32, #tpu.memory_space<vmem>>)
      %add3A_319 = arith.constant 4 : i32
      %add3A_320 = arith.addi %add3A_157, %add3A_319 : i32
      %scan3A_321 = arith.constant 0 : i32
      %scan3A_322 = arith.constant 13 : i32
      %scan3A_323 = arith.addi %scan3A_321, %scan3A_322 : i32
      %scan3A_324 = arith.constant 1 : i32
      scf.for %scan3A_378 = %scan3A_321 to %scan3A_323 step %scan3A_324  : i32 {
        %mul3A_379 = arith.constant 1 : i32
        %mul3A_380 = arith.muli %scan3A_378, %mul3A_379 : i32
        %add3A_381 = arith.constant 0 : i32
        %add3A_382 = arith.addi %add3A_381, %mul3A_380 : i32
        %mul3A_383 = arith.constant 16 : i32
        %mul3A_384 = arith.muli %add3A_382, %mul3A_383 : i32
        %min3A = arith.constant 184 : i32
        %min3A_385 = arith.minsi %mul3A_384, %min3A : i32
        %get3A = arith.index_cast %add3A_320 : i32 to index
        %get3A_386 = arith.index_cast %min3A_385 : i32 to index
        %get3A_387 = tpu.vector_load %arg5[%get3A, %get3A_386] {strides = array<i32>} : memref<128x200xi32, #tpu.memory_space<vmem>>, vector<1x16xi32>,
        %get3A_388 = vector.shape_cast %get3A_387 : vector<1x16xi32> to vector<16xi32>
        %and3A = arith.constant 524287 : i32
        %and3A_389 = vector.broadcast %and3A : i32 to vector<16xi32>
        %and3A_390 = arith.andi %get3A_388, %and3A_389 : vector<16xi32>
        %shift_left3A = arith.constant 1 : i32
        %shift_left3A_391 = vector.broadcast %shift_left3A : i32 to vector<16xi32>
        %shift_left3A_392 = arith.shli %and3A_390, %shift_left3A_391 : vector<16xi32>
        %shift_right_logical3A = arith.constant 19 : i32
        %shift_right_logical3A_393 = vector.broadcast %shift_right_logical3A : i32 to vector<16xi32>
        %shift_right_logical3A_394 = arith.shrui %get3A_388, %shift_right_logical3A_393 : vector<16xi32>
        %or3A = arith.ori %shift_left3A_392, %shift_right_logical3A_394 : vector<16xi32>
        %swap3A_395 = arith.constant 1 : i32
        %swap3A_396 = arith.index_cast %swap3A_395 : i32 to index
        %swap3A_397 = arith.index_cast %min3A_385 : i32 to index
        %swap3A_398 = tpu.vector_load %arg6[%swap3A_396, %swap3A_397] {strides = array<i32>} : memref<3x208xi32, #tpu.memory_space<vmem>>, vector<1x16xi32>,
        %swap3A_399 = vector.shape_cast %swap3A_398 : vector<1x16xi32> to vector<16xi32>
        %swap3A_400 = vector.shape_cast %or3A : vector<16xi32> to vector<1x16xi32>
        tpu.vector_store %arg6[%swap3A_396, %swap3A_397], %swap3A_400 {strides = array<i32>} : memref<3x208xi32, #tpu.memory_space<vmem>>, vector<1x16xi32>,
      }
      %scan3A_325 = arith.constant 13 : i32
      %dma_start3A_326 = arith.constant 1 : i32
      %dma_start3A_327 = arith.constant 1 : i32
      %dma_start3A_328 = arith.constant 0 : i32
      %dma_start3A_329 = arith.constant 0 : i32
      %dma_start3A_330 = tpu.memref_slice %arg7[%dma_start3A_327, %dma_start3A_328, %dma_start3A_329] : memref<3x200x64xf32, #tpu.memory_space<vmem>> -> memref<1x128x64xf32, #tpu.memory_space<vmem>>
      %dma_start3A_331 = tpu.memref_squeeze %dma_start3A_330 : memref<1x128x64xf32, #tpu.memory_space<vmem>> -> memref<128x64xf32, #tpu.memory_space<vmem>>
      %dma_start3A_332 = arith.constant 0 : i32
      %dma_start3A_333 = tpu.memref_slice %arg6[%dma_start3A_326, %dma_start3A_332] : memref<3x208xi32, #tpu.memory_space<vmem>> -> memref<1x128xi32, #tpu.memory_space<vmem>>
      %dma_start3A_334 = tpu.memref_squeeze %dma_start3A_333 : memref<1x128xi32, #tpu.memory_space<vmem>> -> memref<128xi32, #tpu.memory_space<vmem>>
      %dma_start3A_335 = arith.constant 0 : i32
      %dma_start3A_336 = arith.constant 0 : i32
      %dma_start3A_337 = tpu.memref_slice %arg3[%dma_start3A_335, %dma_start3A_336] : memref<1048576x64xf32, #tpu.memory_space<hbm>> -> memref<1048576x64xf32, #tpu.memory_space<hbm>>
      tpu.enqueue_indirect_dma source(%dma_start3A_337 : memref<1048576x64xf32, #tpu.memory_space<hbm>>) target(%dma_start3A_331 : memref<128x64xf32, #tpu.memory_space<vmem>>) offsets(%dma_start3A_334 : memref<128xi32, #tpu.memory_space<vmem>>) semaphore(%arg10 : memref<!tpu.dma_semaphore, #tpu.memory_space<semaphore_mem>>)
      %dma_start3A_338 = arith.constant 1 : i32
      %dma_start3A_339 = arith.constant 1 : i32
      %dma_start3A_340 = arith.constant 128 : i32
      %dma_start3A_341 = arith.constant 0 : i32
      %dma_start3A_342 = tpu.memref_slice %arg7[%dma_start3A_339, %dma_start3A_340, %dma_start3A_341] : memref<3x200x64xf32, #tpu.memory_space<vmem>> -> memref<1x72x64xf32, #tpu.memory_space<vmem>>
      %dma_start3A_343 = tpu.memref_squeeze %dma_start3A_342 : memref<1x72x64xf32, #tpu.memory_space<vmem>> -> memref<72x64xf32, #tpu.memory_space<vmem>>
      %dma_start3A_344 = arith.constant 128 : i32
      %dma_start3A_345 = tpu.memref_slice %arg6[%dma_start3A_338, %dma_start3A_344] : memref<3x208xi32, #tpu.memory_space<vmem>> -> memref<1x72xi32, #tpu.memory_space<vmem>>
      %dma_start3A_346 = tpu.memref_squeeze %dma_start3A_345 : memref<1x72xi32, #tpu.memory_space<vmem>> -> memref<72xi32, #tpu.memory_space<vmem>>
      %dma_start3A_347 = arith.constant 0 : i32
      %dma_start3A_348 = arith.constant 0 : i32
      %dma_start3A_349 = tpu.memref_slice %arg3[%dma_start3A_347, %dma_start3A_348] : memref<1048576x64xf32, #tpu.memory_space<hbm>> -> memref<1048576x64xf32, #tpu.memory_space<hbm>>
      tpu.enqueue_indirect_dma source(%dma_start3A_349 : memref<1048576x64xf32, #tpu.memory_space<hbm>>) target(%dma_start3A_343 : memref<72x64xf32, #tpu.memory_space<vmem>>) offsets(%dma_start3A_346 : memref<72xi32, #tpu.memory_space<vmem>>) semaphore(%arg10 : memref<!tpu.dma_semaphore, #tpu.memory_space<semaphore_mem>>)
      %add3A_350 = arith.constant 2 : i32
      %add3A_351 = arith.addi %add3A_157, %add3A_350 : i32
      %scan3A_352 = arith.constant 0 : i32
      %scan3A_353 = arith.constant 200 : i32
      %scan3A_354 = arith.addi %scan3A_352, %scan3A_353 : i32
      %scan3A_355 = arith.constant 8 : i32
      %scan3A_356:4 = scf.for %scan3A_378 = %scan3A_352 to %scan3A_354 step %scan3A_355 iter_args(%scan3A_379 = %broadcast_in_dim3A_3, %scan3A_380 = %broadcast_in_dim3A_3, %scan3A_381 = %broadcast_in_dim3A_3, %scan3A_382 = %broadcast_in_dim3A_3) -> (vector<16xf32>, vector<16xf32>, vector<16xf32>, vector<16xf32>)  : i32 {
        %get3A = arith.constant 2 : i32
        %get3A_383 = arith.index_cast %get3A : i32 to index
        %get3A_384 = arith.index_cast %scan3A_378 : i32 to index
        %get3A_385 = arith.constant 0 : index
        %get3A_386 = tpu.vector_load %arg7[%get3A_383, %get3A_384, %get3A_385] {strides = array<i32>} : memref<3x200x64xf32, #tpu.memory_space<vmem>>, vector<1x1x16xf32>,
        %get3A_387 = vector.shape_cast %get3A_386 : vector<1x1x16xf32> to vector<16xf32>
        %add3A_388 = arith.addf %scan3A_379, %get3A_387 : vector<16xf32>
        %get3A_389 = arith.constant 2 : i32
        %get3A_390 = arith.index_cast %get3A_389 : i32 to index
        %get3A_391 = arith.index_cast %scan3A_378 : i32 to index
        %get3A_392 = arith.constant 16 : index
        %get3A_393 = tpu.vector_load %arg7[%get3A_390, %get3A_391, %get3A_392] {strides = array<i32>} : memref<3x200x64xf32, #tpu.memory_space<vmem>>, vector<1x1x16xf32>,
        %get3A_394 = vector.shape_cast %get3A_393 : vector<1x1x16xf32> to vector<16xf32>
        %add3A_395 = arith.addf %scan3A_380, %get3A_394 : vector<16xf32>
        %get3A_396 = arith.constant 2 : i32
        %get3A_397 = arith.index_cast %get3A_396 : i32 to index
        %get3A_398 = arith.index_cast %scan3A_378 : i32 to index
        %get3A_399 = arith.constant 32 : index
        %get3A_400 = tpu.vector_load %arg7[%get3A_397, %get3A_398, %get3A_399] {strides = array<i32>} : memref<3x200x64xf32, #tpu.memory_space<vmem>>, vector<1x1x16xf32>,
        %get3A_401 = vector.shape_cast %get3A_400 : vector<1x1x16xf32> to vector<16xf32>
        %add3A_402 = arith.addf %scan3A_381, %get3A_401 : vector<16xf32>
        %get3A_403 = arith.constant 2 : i32
        %get3A_404 = arith.index_cast %get3A_403 : i32 to index
        %get3A_405 = arith.index_cast %scan3A_378 : i32 to index
        %get3A_406 = arith.constant 48 : index
        %get3A_407 = tpu.vector_load %arg7[%get3A_404, %get3A_405, %get3A_406] {strides = array<i32>} : memref<3x200x64xf32, #tpu.memory_space<vmem>>, vector<1x1x16xf32>,
        %get3A_408 = vector.shape_cast %get3A_407 : vector<1x1x16xf32> to vector<16xf32>
        %add3A_409 = arith.addf %scan3A_382, %get3A_408 : vector<16xf32>
        %scan3A_410 = arith.constant 1 : i32
        %scan3A_411 = arith.addi %scan3A_378, %scan3A_410 : i32
        %get3A_412 = arith.constant 2 : i32
        %get3A_413 = arith.index_cast %get3A_412 : i32 to index
        %get3A_414 = arith.index_cast %scan3A_411 : i32 to index
        %get3A_415 = arith.constant 0 : index
        %get3A_416 = tpu.vector_load %arg7[%get3A_413, %get3A_414, %get3A_415] {strides = array<i32>} : memref<3x200x64xf32, #tpu.memory_space<vmem>>, vector<1x1x16xf32>,
        %get3A_417 = vector.shape_cast %get3A_416 : vector<1x1x16xf32> to vector<16xf32>
        %add3A_418 = arith.addf %add3A_388, %get3A_417 : vector<16xf32>
        %get3A_419 = arith.constant 2 : i32
        %get3A_420 = arith.index_cast %get3A_419 : i32 to index
        %get3A_421 = arith.index_cast %scan3A_411 : i32 to index
        %get3A_422 = arith.constant 16 : index
        %get3A_423 = tpu.vector_load %arg7[%get3A_420, %get3A_421, %get3A_422] {strides = array<i32>} : memref<3x200x64xf32, #tpu.memory_space<vmem>>, vector<1x1x16xf32>,
        %get3A_424 = vector.shape_cast %get3A_423 : vector<1x1x16xf32> to vector<16xf32>
        %add3A_425 = arith.addf %add3A_395, %get3A_424 : vector<16xf32>
        %get3A_426 = arith.constant 2 : i32
        %get3A_427 = arith.index_cast %get3A_426 : i32 to index
        %get3A_428 = arith.index_cast %scan3A_411 : i32 to index
        %get3A_429 = arith.constant 32 : index
        %get3A_430 = tpu.vector_load %arg7[%get3A_427, %get3A_428, %get3A_429] {strides = array<i32>} : memref<3x200x64xf32, #tpu.memory_space<vmem>>, vector<1x1x16xf32>,
        %get3A_431 = vector.shape_cast %get3A_430 : vector<1x1x16xf32> to vector<16xf32>
        %add3A_432 = arith.addf %add3A_402, %get3A_431 : vector<16xf32>
        %get3A_433 = arith.constant 2 : i32
        %get3A_434 = arith.index_cast %get3A_433 : i32 to index
        %get3A_435 = arith.index_cast %scan3A_411 : i32 to index
        %get3A_436 = arith.constant 48 : index
        %get3A_437 = tpu.vector_load %arg7[%get3A_434, %get3A_435, %get3A_436] {strides = array<i32>} : memref<3x200x64xf32, #tpu.memory_space<vmem>>, vector<1x1x16xf32>,
        %get3A_438 = vector.shape_cast %get3A_437 : vector<1x1x16xf32> to vector<16xf32>
        %add3A_439 = arith.addf %add3A_409, %get3A_438 : vector<16xf32>
        %scan3A_440 = arith.constant 2 : i32
        %scan3A_441 = arith.addi %scan3A_378, %scan3A_440 : i32
        %get3A_442 = arith.constant 2 : i32
        %get3A_443 = arith.index_cast %get3A_442 : i32 to index
        %get3A_444 = arith.index_cast %scan3A_441 : i32 to index
        %get3A_445 = arith.constant 0 : index
        %get3A_446 = tpu.vector_load %arg7[%get3A_443, %get3A_444, %get3A_445] {strides = array<i32>} : memref<3x200x64xf32, #tpu.memory_space<vmem>>, vector<1x1x16xf32>,
        %get3A_447 = vector.shape_cast %get3A_446 : vector<1x1x16xf32> to vector<16xf32>
        %add3A_448 = arith.addf %add3A_418, %get3A_447 : vector<16xf32>
        %get3A_449 = arith.constant 2 : i32
        %get3A_450 = arith.index_cast %get3A_449 : i32 to index
        %get3A_451 = arith.index_cast %scan3A_441 : i32 to index
        %get3A_452 = arith.constant 16 : index
        %get3A_453 = tpu.vector_load %arg7[%get3A_450, %get3A_451, %get3A_452] {strides = array<i32>} : memref<3x200x64xf32, #tpu.memory_space<vmem>>, vector<1x1x16xf32>,
        %get3A_454 = vector.shape_cast %get3A_453 : vector<1x1x16xf32> to vector<16xf32>
        %add3A_455 = arith.addf %add3A_425, %get3A_454 : vector<16xf32>
        %get3A_456 = arith.constant 2 : i32
        %get3A_457 = arith.index_cast %get3A_456 : i32 to index
        %get3A_458 = arith.index_cast %scan3A_441 : i32 to index
        %get3A_459 = arith.constant 32 : index
        %get3A_460 = tpu.vector_load %arg7[%get3A_457, %get3A_458, %get3A_459] {strides = array<i32>} : memref<3x200x64xf32, #tpu.memory_space<vmem>>, vector<1x1x16xf32>,
        %get3A_461 = vector.shape_cast %get3A_460 : vector<1x1x16xf32> to vector<16xf32>
        %add3A_462 = arith.addf %add3A_432, %get3A_461 : vector<16xf32>
        %get3A_463 = arith.constant 2 : i32
        %get3A_464 = arith.index_cast %get3A_463 : i32 to index
        %get3A_465 = arith.index_cast %scan3A_441 : i32 to index
        %get3A_466 = arith.constant 48 : index
        %get3A_467 = tpu.vector_load %arg7[%get3A_464, %get3A_465, %get3A_466] {strides = array<i32>} : memref<3x200x64xf32, #tpu.memory_space<vmem>>, vector<1x1x16xf32>,
        %get3A_468 = vector.shape_cast %get3A_467 : vector<1x1x16xf32> to vector<16xf32>
        %add3A_469 = arith.addf %add3A_439, %get3A_468 : vector<16xf32>
        %scan3A_470 = arith.constant 3 : i32
        %scan3A_471 = arith.addi %scan3A_378, %scan3A_470 : i32
        %get3A_472 = arith.constant 2 : i32
        %get3A_473 = arith.index_cast %get3A_472 : i32 to index
        %get3A_474 = arith.index_cast %scan3A_471 : i32 to index
        %get3A_475 = arith.constant 0 : index
        %get3A_476 = tpu.vector_load %arg7[%get3A_473, %get3A_474, %get3A_475] {strides = array<i32>} : memref<3x200x64xf32, #tpu.memory_space<vmem>>, vector<1x1x16xf32>,
        %get3A_477 = vector.shape_cast %get3A_476 : vector<1x1x16xf32> to vector<16xf32>
        %add3A_478 = arith.addf %add3A_448, %get3A_477 : vector<16xf32>
        %get3A_479 = arith.constant 2 : i32
        %get3A_480 = arith.index_cast %get3A_479 : i32 to index
        %get3A_481 = arith.index_cast %scan3A_471 : i32 to index
        %get3A_482 = arith.constant 16 : index
        %get3A_483 = tpu.vector_load %arg7[%get3A_480, %get3A_481, %get3A_482] {strides = array<i32>} : memref<3x200x64xf32, #tpu.memory_space<vmem>>, vector<1x1x16xf32>,
        %get3A_484 = vector.shape_cast %get3A_483 : vector<1x1x16xf32> to vector<16xf32>
        %add3A_485 = arith.addf %add3A_455, %get3A_484 : vector<16xf32>
        %get3A_486 = arith.constant 2 : i32
        %get3A_487 = arith.index_cast %get3A_486 : i32 to index
        %get3A_488 = arith.index_cast %scan3A_471 : i32 to index
        %get3A_489 = arith.constant 32 : index
        %get3A_490 = tpu.vector_load %arg7[%get3A_487, %get3A_488, %get3A_489] {strides = array<i32>} : memref<3x200x64xf32, #tpu.memory_space<vmem>>, vector<1x1x16xf32>,
        %get3A_491 = vector.shape_cast %get3A_490 : vector<1x1x16xf32> to vector<16xf32>
        %add3A_492 = arith.addf %add3A_462, %get3A_491 : vector<16xf32>
        %get3A_493 = arith.constant 2 : i32
        %get3A_494 = arith.index_cast %get3A_493 : i32 to index
        %get3A_495 = arith.index_cast %scan3A_471 : i32 to index
        %get3A_496 = arith.constant 48 : index
        %get3A_497 = tpu.vector_load %arg7[%get3A_494, %get3A_495, %get3A_496] {strides = array<i32>} : memref<3x200x64xf32, #tpu.memory_space<vmem>>, vector<1x1x16xf32>,
        %get3A_498 = vector.shape_cast %get3A_497 : vector<1x1x16xf32> to vector<16xf32>
        %add3A_499 = arith.addf %add3A_469, %get3A_498 : vector<16xf32>
        %scan3A_500 = arith.constant 4 : i32
        %scan3A_501 = arith.addi %scan3A_378, %scan3A_500 : i32
        %get3A_502 = arith.constant 2 : i32
        %get3A_503 = arith.index_cast %get3A_502 : i32 to index
        %get3A_504 = arith.index_cast %scan3A_501 : i32 to index
        %get3A_505 = arith.constant 0 : index
        %get3A_506 = tpu.vector_load %arg7[%get3A_503, %get3A_504, %get3A_505] {strides = array<i32>} : memref<3x200x64xf32, #tpu.memory_space<vmem>>, vector<1x1x16xf32>,
        %get3A_507 = vector.shape_cast %get3A_506 : vector<1x1x16xf32> to vector<16xf32>
        %add3A_508 = arith.addf %add3A_478, %get3A_507 : vector<16xf32>
        %get3A_509 = arith.constant 2 : i32
        %get3A_510 = arith.index_cast %get3A_509 : i32 to index
        %get3A_511 = arith.index_cast %scan3A_501 : i32 to index
        %get3A_512 = arith.constant 16 : index
        %get3A_513 = tpu.vector_load %arg7[%get3A_510, %get3A_511, %get3A_512] {strides = array<i32>} : memref<3x200x64xf32, #tpu.memory_space<vmem>>, vector<1x1x16xf32>,
        %get3A_514 = vector.shape_cast %get3A_513 : vector<1x1x16xf32> to vector<16xf32>
        %add3A_515 = arith.addf %add3A_485, %get3A_514 : vector<16xf32>
        %get3A_516 = arith.constant 2 : i32
        %get3A_517 = arith.index_cast %get3A_516 : i32 to index
        %get3A_518 = arith.index_cast %scan3A_501 : i32 to index
        %get3A_519 = arith.constant 32 : index
        %get3A_520 = tpu.vector_load %arg7[%get3A_517, %get3A_518, %get3A_519] {strides = array<i32>} : memref<3x200x64xf32, #tpu.memory_space<vmem>>, vector<1x1x16xf32>,
        %get3A_521 = vector.shape_cast %get3A_520 : vector<1x1x16xf32> to vector<16xf32>
        %add3A_522 = arith.addf %add3A_492, %get3A_521 : vector<16xf32>
        %get3A_523 = arith.constant 2 : i32
        %get3A_524 = arith.index_cast %get3A_523 : i32 to index
        %get3A_525 = arith.index_cast %scan3A_501 : i32 to index
        %get3A_526 = arith.constant 48 : index
        %get3A_527 = tpu.vector_load %arg7[%get3A_524, %get3A_525, %get3A_526] {strides = array<i32>} : memref<3x200x64xf32, #tpu.memory_space<vmem>>, vector<1x1x16xf32>,
        %get3A_528 = vector.shape_cast %get3A_527 : vector<1x1x16xf32> to vector<16xf32>
        %add3A_529 = arith.addf %add3A_499, %get3A_528 : vector<16xf32>
        %scan3A_530 = arith.constant 5 : i32
        %scan3A_531 = arith.addi %scan3A_378, %scan3A_530 : i32
        %get3A_532 = arith.constant 2 : i32
        %get3A_533 = arith.index_cast %get3A_532 : i32 to index
        %get3A_534 = arith.index_cast %scan3A_531 : i32 to index
        %get3A_535 = arith.constant 0 : index
        %get3A_536 = tpu.vector_load %arg7[%get3A_533, %get3A_534, %get3A_535] {strides = array<i32>} : memref<3x200x64xf32, #tpu.memory_space<vmem>>, vector<1x1x16xf32>,
        %get3A_537 = vector.shape_cast %get3A_536 : vector<1x1x16xf32> to vector<16xf32>
        %add3A_538 = arith.addf %add3A_508, %get3A_537 : vector<16xf32>
        %get3A_539 = arith.constant 2 : i32
        %get3A_540 = arith.index_cast %get3A_539 : i32 to index
        %get3A_541 = arith.index_cast %scan3A_531 : i32 to index
        %get3A_542 = arith.constant 16 : index
        %get3A_543 = tpu.vector_load %arg7[%get3A_540, %get3A_541, %get3A_542] {strides = array<i32>} : memref<3x200x64xf32, #tpu.memory_space<vmem>>, vector<1x1x16xf32>,
        %get3A_544 = vector.shape_cast %get3A_543 : vector<1x1x16xf32> to vector<16xf32>
        %add3A_545 = arith.addf %add3A_515, %get3A_544 : vector<16xf32>
        %get3A_546 = arith.constant 2 : i32
        %get3A_547 = arith.index_cast %get3A_546 : i32 to index
        %get3A_548 = arith.index_cast %scan3A_531 : i32 to index
        %get3A_549 = arith.constant 32 : index
        %get3A_550 = tpu.vector_load %arg7[%get3A_547, %get3A_548, %get3A_549] {strides = array<i32>} : memref<3x200x64xf32, #tpu.memory_space<vmem>>, vector<1x1x16xf32>,
        %get3A_551 = vector.shape_cast %get3A_550 : vector<1x1x16xf32> to vector<16xf32>
        %add3A_552 = arith.addf %add3A_522, %get3A_551 : vector<16xf32>
        %get3A_553 = arith.constant 2 : i32
        %get3A_554 = arith.index_cast %get3A_553 : i32 to index
        %get3A_555 = arith.index_cast %scan3A_531 : i32 to index
        %get3A_556 = arith.constant 48 : index
        %get3A_557 = tpu.vector_load %arg7[%get3A_554, %get3A_555, %get3A_556] {strides = array<i32>} : memref<3x200x64xf32, #tpu.memory_space<vmem>>, vector<1x1x16xf32>,
        %get3A_558 = vector.shape_cast %get3A_557 : vector<1x1x16xf32> to vector<16xf32>
        %add3A_559 = arith.addf %add3A_529, %get3A_558 : vector<16xf32>
        %scan3A_560 = arith.constant 6 : i32
        %scan3A_561 = arith.addi %scan3A_378, %scan3A_560 : i32
        %get3A_562 = arith.constant 2 : i32
        %get3A_563 = arith.index_cast %get3A_562 : i32 to index
        %get3A_564 = arith.index_cast %scan3A_561 : i32 to index
        %get3A_565 = arith.constant 0 : index
        %get3A_566 = tpu.vector_load %arg7[%get3A_563, %get3A_564, %get3A_565] {strides = array<i32>} : memref<3x200x64xf32, #tpu.memory_space<vmem>>, vector<1x1x16xf32>,
        %get3A_567 = vector.shape_cast %get3A_566 : vector<1x1x16xf32> to vector<16xf32>
        %add3A_568 = arith.addf %add3A_538, %get3A_567 : vector<16xf32>
        %get3A_569 = arith.constant 2 : i32
        %get3A_570 = arith.index_cast %get3A_569 : i32 to index
        %get3A_571 = arith.index_cast %scan3A_561 : i32 to index
        %get3A_572 = arith.constant 16 : index
        %get3A_573 = tpu.vector_load %arg7[%get3A_570, %get3A_571, %get3A_572] {strides = array<i32>} : memref<3x200x64xf32, #tpu.memory_space<vmem>>, vector<1x1x16xf32>,
        %get3A_574 = vector.shape_cast %get3A_573 : vector<1x1x16xf32> to vector<16xf32>
        %add3A_575 = arith.addf %add3A_545, %get3A_574 : vector<16xf32>
        %get3A_576 = arith.constant 2 : i32
        %get3A_577 = arith.index_cast %get3A_576 : i32 to index
        %get3A_578 = arith.index_cast %scan3A_561 : i32 to index
        %get3A_579 = arith.constant 32 : index
        %get3A_580 = tpu.vector_load %arg7[%get3A_577, %get3A_578, %get3A_579] {strides = array<i32>} : memref<3x200x64xf32, #tpu.memory_space<vmem>>, vector<1x1x16xf32>,
        %get3A_581 = vector.shape_cast %get3A_580 : vector<1x1x16xf32> to vector<16xf32>
        %add3A_582 = arith.addf %add3A_552, %get3A_581 : vector<16xf32>
        %get3A_583 = arith.constant 2 : i32
        %get3A_584 = arith.index_cast %get3A_583 : i32 to index
        %get3A_585 = arith.index_cast %scan3A_561 : i32 to index
        %get3A_586 = arith.constant 48 : index
        %get3A_587 = tpu.vector_load %arg7[%get3A_584, %get3A_585, %get3A_586] {strides = array<i32>} : memref<3x200x64xf32, #tpu.memory_space<vmem>>, vector<1x1x16xf32>,
        %get3A_588 = vector.shape_cast %get3A_587 : vector<1x1x16xf32> to vector<16xf32>
        %add3A_589 = arith.addf %add3A_559, %get3A_588 : vector<16xf32>
        %scan3A_590 = arith.constant 7 : i32
        %scan3A_591 = arith.addi %scan3A_378, %scan3A_590 : i32
        %get3A_592 = arith.constant 2 : i32
        %get3A_593 = arith.index_cast %get3A_592 : i32 to index
        %get3A_594 = arith.index_cast %scan3A_591 : i32 to index
        %get3A_595 = arith.constant 0 : index
        %get3A_596 = tpu.vector_load %arg7[%get3A_593, %get3A_594, %get3A_595] {strides = array<i32>} : memref<3x200x64xf32, #tpu.memory_space<vmem>>, vector<1x1x16xf32>,
        %get3A_597 = vector.shape_cast %get3A_596 : vector<1x1x16xf32> to vector<16xf32>
        %add3A_598 = arith.addf %add3A_568, %get3A_597 : vector<16xf32>
        %get3A_599 = arith.constant 2 : i32
        %get3A_600 = arith.index_cast %get3A_599 : i32 to index
        %get3A_601 = arith.index_cast %scan3A_591 : i32 to index
        %get3A_602 = arith.constant 16 : index
        %get3A_603 = tpu.vector_load %arg7[%get3A_600, %get3A_601, %get3A_602] {strides = array<i32>} : memref<3x200x64xf32, #tpu.memory_space<vmem>>, vector<1x1x16xf32>,
        %get3A_604 = vector.shape_cast %get3A_603 : vector<1x1x16xf32> to vector<16xf32>
        %add3A_605 = arith.addf %add3A_575, %get3A_604 : vector<16xf32>
        %get3A_606 = arith.constant 2 : i32
        %get3A_607 = arith.index_cast %get3A_606 : i32 to index
        %get3A_608 = arith.index_cast %scan3A_591 : i32 to index
        %get3A_609 = arith.constant 32 : index
        %get3A_610 = tpu.vector_load %arg7[%get3A_607, %get3A_608, %get3A_609] {strides = array<i32>} : memref<3x200x64xf32, #tpu.memory_space<vmem>>, vector<1x1x16xf32>,
        %get3A_611 = vector.shape_cast %get3A_610 : vector<1x1x16xf32> to vector<16xf32>
        %add3A_612 = arith.addf %add3A_582, %get3A_611 : vector<16xf32>
        %get3A_613 = arith.constant 2 : i32
        %get3A_614 = arith.index_cast %get3A_613 : i32 to index
        %get3A_615 = arith.index_cast %scan3A_591 : i32 to index
        %get3A_616 = arith.constant 48 : index
        %get3A_617 = tpu.vector_load %arg7[%get3A_614, %get3A_615, %get3A_616] {strides = array<i32>} : memref<3x200x64xf32, #tpu.memory_space<vmem>>, vector<1x1x16xf32>,
        %get3A_618 = vector.shape_cast %get3A_617 : vector<1x1x16xf32> to vector<16xf32>
        %add3A_619 = arith.addf %add3A_589, %get3A_618 : vector<16xf32>
        scf.yield %add3A_598, %add3A_605, %add3A_612, %add3A_619 : vector<16xf32>, vector<16xf32>, vector<16xf32>, vector<16xf32>
      }
      %scan3A_357 = arith.constant 200 : i32
      %swap3A_358 = arith.index_cast %add3A_351 : i32 to index
      %swap3A_359 = arith.constant 0 : index
      %swap3A_360 = tpu.vector_load %arg8[%swap3A_358, %swap3A_359] {strides = array<i32>} : memref<128x64xf32, #tpu.memory_space<vmem>>, vector<1x16xf32>,
      %swap3A_361 = vector.shape_cast %swap3A_360 : vector<1x16xf32> to vector<16xf32>
      %swap3A_362 = vector.shape_cast %scan3A_356#0 : vector<16xf32> to vector<1x16xf32>
      tpu.vector_store %arg8[%swap3A_358, %swap3A_359], %swap3A_362 {strides = array<i32>} : memref<128x64xf32, #tpu.memory_space<vmem>>, vector<1x16xf32>,
      %swap3A_363 = arith.index_cast %add3A_351 : i32 to index
      %swap3A_364 = arith.constant 16 : index
      %swap3A_365 = tpu.vector_load %arg8[%swap3A_363, %swap3A_364] {strides = array<i32>} : memref<128x64xf32, #tpu.memory_space<vmem>>, vector<1x16xf32>,
      %swap3A_366 = vector.shape_cast %swap3A_365 : vector<1x16xf32> to vector<16xf32>
      %swap3A_367 = vector.shape_cast %scan3A_356#1 : vector<16xf32> to vector<1x16xf32>
      tpu.vector_store %arg8[%swap3A_363, %swap3A_364], %swap3A_367 {strides = array<i32>} : memref<128x64xf32, #tpu.memory_space<vmem>>, vector<1x16xf32>,
      %swap3A_368 = arith.index_cast %add3A_351 : i32 to index
      %swap3A_369 = arith.constant 32 : index
      %swap3A_370 = tpu.vector_load %arg8[%swap3A_368, %swap3A_369] {strides = array<i32>} : memref<128x64xf32, #tpu.memory_space<vmem>>, vector<1x16xf32>,
      %swap3A_371 = vector.shape_cast %swap3A_370 : vector<1x16xf32> to vector<16xf32>
      %swap3A_372 = vector.shape_cast %scan3A_356#2 : vector<16xf32> to vector<1x16xf32>
      tpu.vector_store %arg8[%swap3A_368, %swap3A_369], %swap3A_372 {strides = array<i32>} : memref<128x64xf32, #tpu.memory_space<vmem>>, vector<1x16xf32>,
      %swap3A_373 = arith.index_cast %add3A_351 : i32 to index
      %swap3A_374 = arith.constant 48 : index
      %swap3A_375 = tpu.vector_load %arg8[%swap3A_373, %swap3A_374] {strides = array<i32>} : memref<128x64xf32, #tpu.memory_space<vmem>>, vector<1x16xf32>,
      %swap3A_376 = vector.shape_cast %swap3A_375 : vector<1x16xf32> to vector<16xf32>
      %swap3A_377 = vector.shape_cast %scan3A_356#3 : vector<16xf32> to vector<1x16xf32>
      tpu.vector_store %arg8[%swap3A_373, %swap3A_374], %swap3A_377 {strides = array<i32>} : memref<128x64xf32, #tpu.memory_space<vmem>>, vector<1x16xf32>,
    }
    %scan3A_64 = arith.constant 42 : i32
    %dma_wait3A = arith.constant 0 : i32
    %dma_wait3A_65 = arith.constant 0 : i32
    %dma_wait3A_66 = arith.constant 0 : i32
    %dma_wait3A_67 = tpu.memref_slice %arg7[%dma_wait3A, %dma_wait3A_65, %dma_wait3A_66] : memref<3x200x64xf32, #tpu.memory_space<vmem>> -> memref<1x200x64xf32, #tpu.memory_space<vmem>>
    %dma_wait3A_68 = tpu.memref_squeeze %dma_wait3A_67 : memref<1x200x64xf32, #tpu.memory_space<vmem>> -> memref<200x64xf32, #tpu.memory_space<vmem>>
    %dma_wait3A_69 = arith.constant 0 : i32
    %dma_wait3A_70 = arith.constant 0 : i32
    %dma_wait3A_71 = tpu.memref_slice %arg3[%dma_wait3A_69, %dma_wait3A_70] : memref<1048576x64xf32, #tpu.memory_space<hbm>> -> memref<200x64xf32, #tpu.memory_space<hbm>>
    %dma_wait3A_72 = arith.constant 0 : i32
    %dma_wait3A_73 = arith.constant 0 : i32
    %dma_wait3A_74 = tpu.memref_slice %arg7[%dma_wait3A, %dma_wait3A_72, %dma_wait3A_73] : memref<3x200x64xf32, #tpu.memory_space<vmem>> -> memref<1x200x64xf32, #tpu.memory_space<vmem>>
    %dma_wait3A_75 = tpu.memref_squeeze %dma_wait3A_74 : memref<1x200x64xf32, #tpu.memory_space<vmem>> -> memref<200x64xf32, #tpu.memory_space<vmem>>
    %dma_wait3A_76 = arith.constant 0 : i32
    %dma_wait3A_77 = arith.constant 0 : i32
    %dma_wait3A_78 = tpu.memref_slice %arg3[%dma_wait3A_76, %dma_wait3A_77] : memref<1048576x64xf32, #tpu.memory_space<hbm>> -> memref<200x64xf32, #tpu.memory_space<hbm>>
    tpu.wait_dma2 semaphore(%arg9 : memref<!tpu.dma_semaphore, #tpu.memory_space<semaphore_mem>>) src(%dma_wait3A_78 : memref<200x64xf32, #tpu.memory_space<hbm>>) dst(%dma_wait3A_75 : memref<200x64xf32, #tpu.memory_space<vmem>>)
    %scan3A_79 = arith.constant 0 : i32
    %scan3A_80 = arith.constant 200 : i32
    %scan3A_81 = arith.addi %scan3A_79, %scan3A_80 : i32
    %scan3A_82 = arith.constant 8 : i32
    %scan3A_83:4 = scf.for %scan3A_153 = %scan3A_79 to %scan3A_81 step %scan3A_82 iter_args(%scan3A_154 = %broadcast_in_dim3A_3, %scan3A_155 = %broadcast_in_dim3A_3, %scan3A_156 = %broadcast_in_dim3A_3, %scan3A_157 = %broadcast_in_dim3A_3) -> (vector<16xf32>, vector<16xf32>, vector<16xf32>, vector<16xf32>)  : i32 {
      %get3A = arith.constant 0 : i32
      %get3A_158 = arith.index_cast %get3A : i32 to index
      %get3A_159 = arith.index_cast %scan3A_153 : i32 to index
      %get3A_160 = arith.constant 0 : index
      %get3A_161 = tpu.vector_load %arg7[%get3A_158, %get3A_159, %get3A_160] {strides = array<i32>} : memref<3x200x64xf32, #tpu.memory_space<vmem>>, vector<1x1x16xf32>,
      %get3A_162 = vector.shape_cast %get3A_161 : vector<1x1x16xf32> to vector<16xf32>
      %add3A_163 = arith.addf %scan3A_154, %get3A_162 : vector<16xf32>
      %get3A_164 = arith.constant 0 : i32
      %get3A_165 = arith.index_cast %get3A_164 : i32 to index
      %get3A_166 = arith.index_cast %scan3A_153 : i32 to index
      %get3A_167 = arith.constant 16 : index
      %get3A_168 = tpu.vector_load %arg7[%get3A_165, %get3A_166, %get3A_167] {strides = array<i32>} : memref<3x200x64xf32, #tpu.memory_space<vmem>>, vector<1x1x16xf32>,
      %get3A_169 = vector.shape_cast %get3A_168 : vector<1x1x16xf32> to vector<16xf32>
      %add3A_170 = arith.addf %scan3A_155, %get3A_169 : vector<16xf32>
      %get3A_171 = arith.constant 0 : i32
      %get3A_172 = arith.index_cast %get3A_171 : i32 to index
      %get3A_173 = arith.index_cast %scan3A_153 : i32 to index
      %get3A_174 = arith.constant 32 : index
      %get3A_175 = tpu.vector_load %arg7[%get3A_172, %get3A_173, %get3A_174] {strides = array<i32>} : memref<3x200x64xf32, #tpu.memory_space<vmem>>, vector<1x1x16xf32>,
      %get3A_176 = vector.shape_cast %get3A_175 : vector<1x1x16xf32> to vector<16xf32>
      %add3A_177 = arith.addf %scan3A_156, %get3A_176 : vector<16xf32>
      %get3A_178 = arith.constant 0 : i32
      %get3A_179 = arith.index_cast %get3A_178 : i32 to index
      %get3A_180 = arith.index_cast %scan3A_153 : i32 to index
      %get3A_181 = arith.constant 48 : index
      %get3A_182 = tpu.vector_load %arg7[%get3A_179, %get3A_180, %get3A_181] {strides = array<i32>} : memref<3x200x64xf32, #tpu.memory_space<vmem>>, vector<1x1x16xf32>,
      %get3A_183 = vector.shape_cast %get3A_182 : vector<1x1x16xf32> to vector<16xf32>
      %add3A_184 = arith.addf %scan3A_157, %get3A_183 : vector<16xf32>
      %scan3A_185 = arith.constant 1 : i32
      %scan3A_186 = arith.addi %scan3A_153, %scan3A_185 : i32
      %get3A_187 = arith.constant 0 : i32
      %get3A_188 = arith.index_cast %get3A_187 : i32 to index
      %get3A_189 = arith.index_cast %scan3A_186 : i32 to index
      %get3A_190 = arith.constant 0 : index
      %get3A_191 = tpu.vector_load %arg7[%get3A_188, %get3A_189, %get3A_190] {strides = array<i32>} : memref<3x200x64xf32, #tpu.memory_space<vmem>>, vector<1x1x16xf32>,
      %get3A_192 = vector.shape_cast %get3A_191 : vector<1x1x16xf32> to vector<16xf32>
      %add3A_193 = arith.addf %add3A_163, %get3A_192 : vector<16xf32>
      %get3A_194 = arith.constant 0 : i32
      %get3A_195 = arith.index_cast %get3A_194 : i32 to index
      %get3A_196 = arith.index_cast %scan3A_186 : i32 to index
      %get3A_197 = arith.constant 16 : index
      %get3A_198 = tpu.vector_load %arg7[%get3A_195, %get3A_196, %get3A_197] {strides = array<i32>} : memref<3x200x64xf32, #tpu.memory_space<vmem>>, vector<1x1x16xf32>,
      %get3A_199 = vector.shape_cast %get3A_198 : vector<1x1x16xf32> to vector<16xf32>
      %add3A_200 = arith.addf %add3A_170, %get3A_199 : vector<16xf32>
      %get3A_201 = arith.constant 0 : i32
      %get3A_202 = arith.index_cast %get3A_201 : i32 to index
      %get3A_203 = arith.index_cast %scan3A_186 : i32 to index
      %get3A_204 = arith.constant 32 : index
      %get3A_205 = tpu.vector_load %arg7[%get3A_202, %get3A_203, %get3A_204] {strides = array<i32>} : memref<3x200x64xf32, #tpu.memory_space<vmem>>, vector<1x1x16xf32>,
      %get3A_206 = vector.shape_cast %get3A_205 : vector<1x1x16xf32> to vector<16xf32>
      %add3A_207 = arith.addf %add3A_177, %get3A_206 : vector<16xf32>
      %get3A_208 = arith.constant 0 : i32
      %get3A_209 = arith.index_cast %get3A_208 : i32 to index
      %get3A_210 = arith.index_cast %scan3A_186 : i32 to index
      %get3A_211 = arith.constant 48 : index
      %get3A_212 = tpu.vector_load %arg7[%get3A_209, %get3A_210, %get3A_211] {strides = array<i32>} : memref<3x200x64xf32, #tpu.memory_space<vmem>>, vector<1x1x16xf32>,
      %get3A_213 = vector.shape_cast %get3A_212 : vector<1x1x16xf32> to vector<16xf32>
      %add3A_214 = arith.addf %add3A_184, %get3A_213 : vector<16xf32>
      %scan3A_215 = arith.constant 2 : i32
      %scan3A_216 = arith.addi %scan3A_153, %scan3A_215 : i32
      %get3A_217 = arith.constant 0 : i32
      %get3A_218 = arith.index_cast %get3A_217 : i32 to index
      %get3A_219 = arith.index_cast %scan3A_216 : i32 to index
      %get3A_220 = arith.constant 0 : index
      %get3A_221 = tpu.vector_load %arg7[%get3A_218, %get3A_219, %get3A_220] {strides = array<i32>} : memref<3x200x64xf32, #tpu.memory_space<vmem>>, vector<1x1x16xf32>,
      %get3A_222 = vector.shape_cast %get3A_221 : vector<1x1x16xf32> to vector<16xf32>
      %add3A_223 = arith.addf %add3A_193, %get3A_222 : vector<16xf32>
      %get3A_224 = arith.constant 0 : i32
      %get3A_225 = arith.index_cast %get3A_224 : i32 to index
      %get3A_226 = arith.index_cast %scan3A_216 : i32 to index
      %get3A_227 = arith.constant 16 : index
      %get3A_228 = tpu.vector_load %arg7[%get3A_225, %get3A_226, %get3A_227] {strides = array<i32>} : memref<3x200x64xf32, #tpu.memory_space<vmem>>, vector<1x1x16xf32>,
      %get3A_229 = vector.shape_cast %get3A_228 : vector<1x1x16xf32> to vector<16xf32>
      %add3A_230 = arith.addf %add3A_200, %get3A_229 : vector<16xf32>
      %get3A_231 = arith.constant 0 : i32
      %get3A_232 = arith.index_cast %get3A_231 : i32 to index
      %get3A_233 = arith.index_cast %scan3A_216 : i32 to index
      %get3A_234 = arith.constant 32 : index
      %get3A_235 = tpu.vector_load %arg7[%get3A_232, %get3A_233, %get3A_234] {strides = array<i32>} : memref<3x200x64xf32, #tpu.memory_space<vmem>>, vector<1x1x16xf32>,
      %get3A_236 = vector.shape_cast %get3A_235 : vector<1x1x16xf32> to vector<16xf32>
      %add3A_237 = arith.addf %add3A_207, %get3A_236 : vector<16xf32>
      %get3A_238 = arith.constant 0 : i32
      %get3A_239 = arith.index_cast %get3A_238 : i32 to index
      %get3A_240 = arith.index_cast %scan3A_216 : i32 to index
      %get3A_241 = arith.constant 48 : index
      %get3A_242 = tpu.vector_load %arg7[%get3A_239, %get3A_240, %get3A_241] {strides = array<i32>} : memref<3x200x64xf32, #tpu.memory_space<vmem>>, vector<1x1x16xf32>,
      %get3A_243 = vector.shape_cast %get3A_242 : vector<1x1x16xf32> to vector<16xf32>
      %add3A_244 = arith.addf %add3A_214, %get3A_243 : vector<16xf32>
      %scan3A_245 = arith.constant 3 : i32
      %scan3A_246 = arith.addi %scan3A_153, %scan3A_245 : i32
      %get3A_247 = arith.constant 0 : i32
      %get3A_248 = arith.index_cast %get3A_247 : i32 to index
      %get3A_249 = arith.index_cast %scan3A_246 : i32 to index
      %get3A_250 = arith.constant 0 : index
      %get3A_251 = tpu.vector_load %arg7[%get3A_248, %get3A_249, %get3A_250] {strides = array<i32>} : memref<3x200x64xf32, #tpu.memory_space<vmem>>, vector<1x1x16xf32>,
      %get3A_252 = vector.shape_cast %get3A_251 : vector<1x1x16xf32> to vector<16xf32>
      %add3A_253 = arith.addf %add3A_223, %get3A_252 : vector<16xf32>
      %get3A_254 = arith.constant 0 : i32
      %get3A_255 = arith.index_cast %get3A_254 : i32 to index
      %get3A_256 = arith.index_cast %scan3A_246 : i32 to index
      %get3A_257 = arith.constant 16 : index
      %get3A_258 = tpu.vector_load %arg7[%get3A_255, %get3A_256, %get3A_257] {strides = array<i32>} : memref<3x200x64xf32, #tpu.memory_space<vmem>>, vector<1x1x16xf32>,
      %get3A_259 = vector.shape_cast %get3A_258 : vector<1x1x16xf32> to vector<16xf32>
      %add3A_260 = arith.addf %add3A_230, %get3A_259 : vector<16xf32>
      %get3A_261 = arith.constant 0 : i32
      %get3A_262 = arith.index_cast %get3A_261 : i32 to index
      %get3A_263 = arith.index_cast %scan3A_246 : i32 to index
      %get3A_264 = arith.constant 32 : index
      %get3A_265 = tpu.vector_load %arg7[%get3A_262, %get3A_263, %get3A_264] {strides = array<i32>} : memref<3x200x64xf32, #tpu.memory_space<vmem>>, vector<1x1x16xf32>,
      %get3A_266 = vector.shape_cast %get3A_265 : vector<1x1x16xf32> to vector<16xf32>
      %add3A_267 = arith.addf %add3A_237, %get3A_266 : vector<16xf32>
      %get3A_268 = arith.constant 0 : i32
      %get3A_269 = arith.index_cast %get3A_268 : i32 to index
      %get3A_270 = arith.index_cast %scan3A_246 : i32 to index
      %get3A_271 = arith.constant 48 : index
      %get3A_272 = tpu.vector_load %arg7[%get3A_269, %get3A_270, %get3A_271] {strides = array<i32>} : memref<3x200x64xf32, #tpu.memory_space<vmem>>, vector<1x1x16xf32>,
      %get3A_273 = vector.shape_cast %get3A_272 : vector<1x1x16xf32> to vector<16xf32>
      %add3A_274 = arith.addf %add3A_244, %get3A_273 : vector<16xf32>
      %scan3A_275 = arith.constant 4 : i32
      %scan3A_276 = arith.addi %scan3A_153, %scan3A_275 : i32
      %get3A_277 = arith.constant 0 : i32
      %get3A_278 = arith.index_cast %get3A_277 : i32 to index
      %get3A_279 = arith.index_cast %scan3A_276 : i32 to index
      %get3A_280 = arith.constant 0 : index
      %get3A_281 = tpu.vector_load %arg7[%get3A_278, %get3A_279, %get3A_280] {strides = array<i32>} : memref<3x200x64xf32, #tpu.memory_space<vmem>>, vector<1x1x16xf32>,
      %get3A_282 = vector.shape_cast %get3A_281 : vector<1x1x16xf32> to vector<16xf32>
      %add3A_283 = arith.addf %add3A_253, %get3A_282 : vector<16xf32>
      %get3A_284 = arith.constant 0 : i32
      %get3A_285 = arith.index_cast %get3A_284 : i32 to index
      %get3A_286 = arith.index_cast %scan3A_276 : i32 to index
      %get3A_287 = arith.constant 16 : index
      %get3A_288 = tpu.vector_load %arg7[%get3A_285, %get3A_286, %get3A_287] {strides = array<i32>} : memref<3x200x64xf32, #tpu.memory_space<vmem>>, vector<1x1x16xf32>,
      %get3A_289 = vector.shape_cast %get3A_288 : vector<1x1x16xf32> to vector<16xf32>
      %add3A_290 = arith.addf %add3A_260, %get3A_289 : vector<16xf32>
      %get3A_291 = arith.constant 0 : i32
      %get3A_292 = arith.index_cast %get3A_291 : i32 to index
      %get3A_293 = arith.index_cast %scan3A_276 : i32 to index
      %get3A_294 = arith.constant 32 : index
      %get3A_295 = tpu.vector_load %arg7[%get3A_292, %get3A_293, %get3A_294] {strides = array<i32>} : memref<3x200x64xf32, #tpu.memory_space<vmem>>, vector<1x1x16xf32>,
      %get3A_296 = vector.shape_cast %get3A_295 : vector<1x1x16xf32> to vector<16xf32>
      %add3A_297 = arith.addf %add3A_267, %get3A_296 : vector<16xf32>
      %get3A_298 = arith.constant 0 : i32
      %get3A_299 = arith.index_cast %get3A_298 : i32 to index
      %get3A_300 = arith.index_cast %scan3A_276 : i32 to index
      %get3A_301 = arith.constant 48 : index
      %get3A_302 = tpu.vector_load %arg7[%get3A_299, %get3A_300, %get3A_301] {strides = array<i32>} : memref<3x200x64xf32, #tpu.memory_space<vmem>>, vector<1x1x16xf32>,
      %get3A_303 = vector.shape_cast %get3A_302 : vector<1x1x16xf32> to vector<16xf32>
      %add3A_304 = arith.addf %add3A_274, %get3A_303 : vector<16xf32>
      %scan3A_305 = arith.constant 5 : i32
      %scan3A_306 = arith.addi %scan3A_153, %scan3A_305 : i32
      %get3A_307 = arith.constant 0 : i32
      %get3A_308 = arith.index_cast %get3A_307 : i32 to index
      %get3A_309 = arith.index_cast %scan3A_306 : i32 to index
      %get3A_310 = arith.constant 0 : index
      %get3A_311 = tpu.vector_load %arg7[%get3A_308, %get3A_309, %get3A_310] {strides = array<i32>} : memref<3x200x64xf32, #tpu.memory_space<vmem>>, vector<1x1x16xf32>,
      %get3A_312 = vector.shape_cast %get3A_311 : vector<1x1x16xf32> to vector<16xf32>
      %add3A_313 = arith.addf %add3A_283, %get3A_312 : vector<16xf32>
      %get3A_314 = arith.constant 0 : i32
      %get3A_315 = arith.index_cast %get3A_314 : i32 to index
      %get3A_316 = arith.index_cast %scan3A_306 : i32 to index
      %get3A_317 = arith.constant 16 : index
      %get3A_318 = tpu.vector_load %arg7[%get3A_315, %get3A_316, %get3A_317] {strides = array<i32>} : memref<3x200x64xf32, #tpu.memory_space<vmem>>, vector<1x1x16xf32>,
      %get3A_319 = vector.shape_cast %get3A_318 : vector<1x1x16xf32> to vector<16xf32>
      %add3A_320 = arith.addf %add3A_290, %get3A_319 : vector<16xf32>
      %get3A_321 = arith.constant 0 : i32
      %get3A_322 = arith.index_cast %get3A_321 : i32 to index
      %get3A_323 = arith.index_cast %scan3A_306 : i32 to index
      %get3A_324 = arith.constant 32 : index
      %get3A_325 = tpu.vector_load %arg7[%get3A_322, %get3A_323, %get3A_324] {strides = array<i32>} : memref<3x200x64xf32, #tpu.memory_space<vmem>>, vector<1x1x16xf32>,
      %get3A_326 = vector.shape_cast %get3A_325 : vector<1x1x16xf32> to vector<16xf32>
      %add3A_327 = arith.addf %add3A_297, %get3A_326 : vector<16xf32>
      %get3A_328 = arith.constant 0 : i32
      %get3A_329 = arith.index_cast %get3A_328 : i32 to index
      %get3A_330 = arith.index_cast %scan3A_306 : i32 to index
      %get3A_331 = arith.constant 48 : index
      %get3A_332 = tpu.vector_load %arg7[%get3A_329, %get3A_330, %get3A_331] {strides = array<i32>} : memref<3x200x64xf32, #tpu.memory_space<vmem>>, vector<1x1x16xf32>,
      %get3A_333 = vector.shape_cast %get3A_332 : vector<1x1x16xf32> to vector<16xf32>
      %add3A_334 = arith.addf %add3A_304, %get3A_333 : vector<16xf32>
      %scan3A_335 = arith.constant 6 : i32
      %scan3A_336 = arith.addi %scan3A_153, %scan3A_335 : i32
      %get3A_337 = arith.constant 0 : i32
      %get3A_338 = arith.index_cast %get3A_337 : i32 to index
      %get3A_339 = arith.index_cast %scan3A_336 : i32 to index
      %get3A_340 = arith.constant 0 : index
      %get3A_341 = tpu.vector_load %arg7[%get3A_338, %get3A_339, %get3A_340] {strides = array<i32>} : memref<3x200x64xf32, #tpu.memory_space<vmem>>, vector<1x1x16xf32>,
      %get3A_342 = vector.shape_cast %get3A_341 : vector<1x1x16xf32> to vector<16xf32>
      %add3A_343 = arith.addf %add3A_313, %get3A_342 : vector<16xf32>
      %get3A_344 = arith.constant 0 : i32
      %get3A_345 = arith.index_cast %get3A_344 : i32 to index
      %get3A_346 = arith.index_cast %scan3A_336 : i32 to index
      %get3A_347 = arith.constant 16 : index
      %get3A_348 = tpu.vector_load %arg7[%get3A_345, %get3A_346, %get3A_347] {strides = array<i32>} : memref<3x200x64xf32, #tpu.memory_space<vmem>>, vector<1x1x16xf32>,
      %get3A_349 = vector.shape_cast %get3A_348 : vector<1x1x16xf32> to vector<16xf32>
      %add3A_350 = arith.addf %add3A_320, %get3A_349 : vector<16xf32>
      %get3A_351 = arith.constant 0 : i32
      %get3A_352 = arith.index_cast %get3A_351 : i32 to index
      %get3A_353 = arith.index_cast %scan3A_336 : i32 to index
      %get3A_354 = arith.constant 32 : index
      %get3A_355 = tpu.vector_load %arg7[%get3A_352, %get3A_353, %get3A_354] {strides = array<i32>} : memref<3x200x64xf32, #tpu.memory_space<vmem>>, vector<1x1x16xf32>,
      %get3A_356 = vector.shape_cast %get3A_355 : vector<1x1x16xf32> to vector<16xf32>
      %add3A_357 = arith.addf %add3A_327, %get3A_356 : vector<16xf32>
      %get3A_358 = arith.constant 0 : i32
      %get3A_359 = arith.index_cast %get3A_358 : i32 to index
      %get3A_360 = arith.index_cast %scan3A_336 : i32 to index
      %get3A_361 = arith.constant 48 : index
      %get3A_362 = tpu.vector_load %arg7[%get3A_359, %get3A_360, %get3A_361] {strides = array<i32>} : memref<3x200x64xf32, #tpu.memory_space<vmem>>, vector<1x1x16xf32>,
      %get3A_363 = vector.shape_cast %get3A_362 : vector<1x1x16xf32> to vector<16xf32>
      %add3A_364 = arith.addf %add3A_334, %get3A_363 : vector<16xf32>
      %scan3A_365 = arith.constant 7 : i32
      %scan3A_366 = arith.addi %scan3A_153, %scan3A_365 : i32
      %get3A_367 = arith.constant 0 : i32
      %get3A_368 = arith.index_cast %get3A_367 : i32 to index
      %get3A_369 = arith.index_cast %scan3A_366 : i32 to index
      %get3A_370 = arith.constant 0 : index
      %get3A_371 = tpu.vector_load %arg7[%get3A_368, %get3A_369, %get3A_370] {strides = array<i32>} : memref<3x200x64xf32, #tpu.memory_space<vmem>>, vector<1x1x16xf32>,
      %get3A_372 = vector.shape_cast %get3A_371 : vector<1x1x16xf32> to vector<16xf32>
      %add3A_373 = arith.addf %add3A_343, %get3A_372 : vector<16xf32>
      %get3A_374 = arith.constant 0 : i32
      %get3A_375 = arith.index_cast %get3A_374 : i32 to index
      %get3A_376 = arith.index_cast %scan3A_366 : i32 to index
      %get3A_377 = arith.constant 16 : index
      %get3A_378 = tpu.vector_load %arg7[%get3A_375, %get3A_376, %get3A_377] {strides = array<i32>} : memref<3x200x64xf32, #tpu.memory_space<vmem>>, vector<1x1x16xf32>,
      %get3A_379 = vector.shape_cast %get3A_378 : vector<1x1x16xf32> to vector<16xf32>
      %add3A_380 = arith.addf %add3A_350, %get3A_379 : vector<16xf32>
      %get3A_381 = arith.constant 0 : i32
      %get3A_382 = arith.index_cast %get3A_381 : i32 to index
      %get3A_383 = arith.index_cast %scan3A_366 : i32 to index
      %get3A_384 = arith.constant 32 : index
      %get3A_385 = tpu.vector_load %arg7[%get3A_382, %get3A_383, %get3A_384] {strides = array<i32>} : memref<3x200x64xf32, #tpu.memory_space<vmem>>, vector<1x1x16xf32>,
      %get3A_386 = vector.shape_cast %get3A_385 : vector<1x1x16xf32> to vector<16xf32>
      %add3A_387 = arith.addf %add3A_357, %get3A_386 : vector<16xf32>
      %get3A_388 = arith.constant 0 : i32
      %get3A_389 = arith.index_cast %get3A_388 : i32 to index
      %get3A_390 = arith.index_cast %scan3A_366 : i32 to index
      %get3A_391 = arith.constant 48 : index
      %get3A_392 = tpu.vector_load %arg7[%get3A_389, %get3A_390, %get3A_391] {strides = array<i32>} : memref<3x200x64xf32, #tpu.memory_space<vmem>>, vector<1x1x16xf32>,
      %get3A_393 = vector.shape_cast %get3A_392 : vector<1x1x16xf32> to vector<16xf32>
      %add3A_394 = arith.addf %add3A_364, %get3A_393 : vector<16xf32>
      scf.yield %add3A_373, %add3A_380, %add3A_387, %add3A_394 : vector<16xf32>, vector<16xf32>, vector<16xf32>, vector<16xf32>
    }
    %scan3A_84 = arith.constant 200 : i32
    %swap3A = arith.constant 126 : i32
    %swap3A_85 = arith.index_cast %swap3A : i32 to index
    %swap3A_86 = arith.constant 0 : index
    %swap3A_87 = tpu.vector_load %arg8[%swap3A_85, %swap3A_86] {strides = array<i32>} : memref<128x64xf32, #tpu.memory_space<vmem>>, vector<1x16xf32>,
    %swap3A_88 = vector.shape_cast %swap3A_87 : vector<1x16xf32> to vector<16xf32>
    %swap3A_89 = vector.shape_cast %scan3A_83#0 : vector<16xf32> to vector<1x16xf32>
    tpu.vector_store %arg8[%swap3A_85, %swap3A_86], %swap3A_89 {strides = array<i32>} : memref<128x64xf32, #tpu.memory_space<vmem>>, vector<1x16xf32>,
    %swap3A_90 = arith.constant 126 : i32
    %swap3A_91 = arith.index_cast %swap3A_90 : i32 to index
    %swap3A_92 = arith.constant 16 : index
    %swap3A_93 = tpu.vector_load %arg8[%swap3A_91, %swap3A_92] {strides = array<i32>} : memref<128x64xf32, #tpu.memory_space<vmem>>, vector<1x16xf32>,
    %swap3A_94 = vector.shape_cast %swap3A_93 : vector<1x16xf32> to vector<16xf32>
    %swap3A_95 = vector.shape_cast %scan3A_83#1 : vector<16xf32> to vector<1x16xf32>
    tpu.vector_store %arg8[%swap3A_91, %swap3A_92], %swap3A_95 {strides = array<i32>} : memref<128x64xf32, #tpu.memory_space<vmem>>, vector<1x16xf32>,
    %swap3A_96 = arith.constant 126 : i32
    %swap3A_97 = arith.index_cast %swap3A_96 : i32 to index
    %swap3A_98 = arith.constant 32 : index
    %swap3A_99 = tpu.vector_load %arg8[%swap3A_97, %swap3A_98] {strides = array<i32>} : memref<128x64xf32, #tpu.memory_space<vmem>>, vector<1x16xf32>,
    %swap3A_100 = vector.shape_cast %swap3A_99 : vector<1x16xf32> to vector<16xf32>
    %swap3A_101 = vector.shape_cast %scan3A_83#2 : vector<16xf32> to vector<1x16xf32>
    tpu.vector_store %arg8[%swap3A_97, %swap3A_98], %swap3A_101 {strides = array<i32>} : memref<128x64xf32, #tpu.memory_space<vmem>>, vector<1x16xf32>,
    %swap3A_102 = arith.constant 126 : i32
    %swap3A_103 = arith.index_cast %swap3A_102 : i32 to index
    %swap3A_104 = arith.constant 48 : index
    %swap3A_105 = tpu.vector_load %arg8[%swap3A_103, %swap3A_104] {strides = array<i32>} : memref<128x64xf32, #tpu.memory_space<vmem>>, vector<1x16xf32>,
    %swap3A_106 = vector.shape_cast %swap3A_105 : vector<1x16xf32> to vector<16xf32>
    %swap3A_107 = vector.shape_cast %scan3A_83#3 : vector<16xf32> to vector<1x16xf32>
    tpu.vector_store %arg8[%swap3A_103, %swap3A_104], %swap3A_107 {strides = array<i32>} : memref<128x64xf32, #tpu.memory_space<vmem>>, vector<1x16xf32>,
    %dma_wait3A_108 = arith.constant 1 : i32
    %dma_wait3A_109 = arith.constant 0 : i32
    %dma_wait3A_110 = arith.constant 0 : i32
    %dma_wait3A_111 = tpu.memref_slice %arg7[%dma_wait3A_108, %dma_wait3A_109, %dma_wait3A_110] : memref<3x200x64xf32, #tpu.memory_space<vmem>> -> memref<1x200x64xf32, #tpu.memory_space<vmem>>
    %dma_wait3A_112 = tpu.memref_squeeze %dma_wait3A_111 : memref<1x200x64xf32, #tpu.memory_space<vmem>> -> memref<200x64xf32, #tpu.memory_space<vmem>>
    %dma_wait3A_113 = arith.constant 0 : i32
    %dma_wait3A_114 = arith.constant 0 : i32
    %dma_wait3A_115 = tpu.memref_slice %arg3[%dma_wait3A_113, %dma_wait3A_114] : memref<1048576x64xf32, #tpu.memory_space<hbm>> -> memref<200x64xf32, #tpu.memory_space<hbm>>
    %dma_wait3A_116 = arith.constant 0 : i32
    %dma_wait3A_117 = arith.constant 0 : i32
    %dma_wait3A_118 = tpu.memref_slice %arg7[%dma_wait3A_108, %dma_wait3A_116, %dma_wait3A_117] : memref<3x200x64xf32, #tpu.memory_space<vmem>> -> memref<1x200x64xf32, #tpu.memory_space<vmem>>
    %dma_wait3A_119 = tpu.memref_squeeze %dma_wait3A_118 : memref<1x200x64xf32, #tpu.memory_space<vmem>> -> memref<200x64xf32, #tpu.memory_space<vmem>>
    %dma_wait3A_120 = arith.constant 0 : i32
    %dma_wait3A_121 = arith.constant 0 : i32
    %dma_wait3A_122 = tpu.memref_slice %arg3[%dma_wait3A_120, %dma_wait3A_121] : memref<1048576x64xf32, #tpu.memory_space<hbm>> -> memref<200x64xf32, #tpu.memory_space<hbm>>
    tpu.wait_dma2 semaphore(%arg10 : memref<!tpu.dma_semaphore, #tpu.memory_space<semaphore_mem>>) src(%dma_wait3A_122 : memref<200x64xf32, #tpu.memory_space<hbm>>) dst(%dma_wait3A_119 : memref<200x64xf32, #tpu.memory_space<vmem>>)
    %scan3A_123 = arith.constant 0 : i32
    %scan3A_124 = arith.constant 200 : i32
    %scan3A_125 = arith.addi %scan3A_123, %scan3A_124 : i32
    %scan3A_126 = arith.constant 8 : i32
    %scan3A_127:4 = scf.for %scan3A_153 = %scan3A_123 to %scan3A_125 step %scan3A_126 iter_args(%scan3A_154 = %broadcast_in_dim3A_3, %scan3A_155 = %broadcast_in_dim3A_3, %scan3A_156 = %broadcast_in_dim3A_3, %scan3A_157 = %broadcast_in_dim3A_3) -> (vector<16xf32>, vector<16xf32>, vector<16xf32>, vector<16xf32>)  : i32 {
      %get3A = arith.constant 1 : i32
      %get3A_158 = arith.index_cast %get3A : i32 to index
      %get3A_159 = arith.index_cast %scan3A_153 : i32 to index
      %get3A_160 = arith.constant 0 : index
      %get3A_161 = tpu.vector_load %arg7[%get3A_158, %get3A_159, %get3A_160] {strides = array<i32>} : memref<3x200x64xf32, #tpu.memory_space<vmem>>, vector<1x1x16xf32>,
      %get3A_162 = vector.shape_cast %get3A_161 : vector<1x1x16xf32> to vector<16xf32>
      %add3A_163 = arith.addf %scan3A_154, %get3A_162 : vector<16xf32>
      %get3A_164 = arith.constant 1 : i32
      %get3A_165 = arith.index_cast %get3A_164 : i32 to index
      %get3A_166 = arith.index_cast %scan3A_153 : i32 to index
      %get3A_167 = arith.constant 16 : index
      %get3A_168 = tpu.vector_load %arg7[%get3A_165, %get3A_166, %get3A_167] {strides = array<i32>} : memref<3x200x64xf32, #tpu.memory_space<vmem>>, vector<1x1x16xf32>,
      %get3A_169 = vector.shape_cast %get3A_168 : vector<1x1x16xf32> to vector<16xf32>
      %add3A_170 = arith.addf %scan3A_155, %get3A_169 : vector<16xf32>
      %get3A_171 = arith.constant 1 : i32
      %get3A_172 = arith.index_cast %get3A_171 : i32 to index
      %get3A_173 = arith.index_cast %scan3A_153 : i32 to index
      %get3A_174 = arith.constant 32 : index
      %get3A_175 = tpu.vector_load %arg7[%get3A_172, %get3A_173, %get3A_174] {strides = array<i32>} : memref<3x200x64xf32, #tpu.memory_space<vmem>>, vector<1x1x16xf32>,
      %get3A_176 = vector.shape_cast %get3A_175 : vector<1x1x16xf32> to vector<16xf32>
      %add3A_177 = arith.addf %scan3A_156, %get3A_176 : vector<16xf32>
      %get3A_178 = arith.constant 1 : i32
      %get3A_179 = arith.index_cast %get3A_178 : i32 to index
      %get3A_180 = arith.index_cast %scan3A_153 : i32 to index
      %get3A_181 = arith.constant 48 : index
      %get3A_182 = tpu.vector_load %arg7[%get3A_179, %get3A_180, %get3A_181] {strides = array<i32>} : memref<3x200x64xf32, #tpu.memory_space<vmem>>, vector<1x1x16xf32>,
      %get3A_183 = vector.shape_cast %get3A_182 : vector<1x1x16xf32> to vector<16xf32>
      %add3A_184 = arith.addf %scan3A_157, %get3A_183 : vector<16xf32>
      %scan3A_185 = arith.constant 1 : i32
      %scan3A_186 = arith.addi %scan3A_153, %scan3A_185 : i32
      %get3A_187 = arith.constant 1 : i32
      %get3A_188 = arith.index_cast %get3A_187 : i32 to index
      %get3A_189 = arith.index_cast %scan3A_186 : i32 to index
      %get3A_190 = arith.constant 0 : index
      %get3A_191 = tpu.vector_load %arg7[%get3A_188, %get3A_189, %get3A_190] {strides = array<i32>} : memref<3x200x64xf32, #tpu.memory_space<vmem>>, vector<1x1x16xf32>,
      %get3A_192 = vector.shape_cast %get3A_191 : vector<1x1x16xf32> to vector<16xf32>
      %add3A_193 = arith.addf %add3A_163, %get3A_192 : vector<16xf32>
      %get3A_194 = arith.constant 1 : i32
      %get3A_195 = arith.index_cast %get3A_194 : i32 to index
      %get3A_196 = arith.index_cast %scan3A_186 : i32 to index
      %get3A_197 = arith.constant 16 : index
      %get3A_198 = tpu.vector_load %arg7[%get3A_195, %get3A_196, %get3A_197] {strides = array<i32>} : memref<3x200x64xf32, #tpu.memory_space<vmem>>, vector<1x1x16xf32>,
      %get3A_199 = vector.shape_cast %get3A_198 : vector<1x1x16xf32> to vector<16xf32>
      %add3A_200 = arith.addf %add3A_170, %get3A_199 : vector<16xf32>
      %get3A_201 = arith.constant 1 : i32
      %get3A_202 = arith.index_cast %get3A_201 : i32 to index
      %get3A_203 = arith.index_cast %scan3A_186 : i32 to index
      %get3A_204 = arith.constant 32 : index
      %get3A_205 = tpu.vector_load %arg7[%get3A_202, %get3A_203, %get3A_204] {strides = array<i32>} : memref<3x200x64xf32, #tpu.memory_space<vmem>>, vector<1x1x16xf32>,
      %get3A_206 = vector.shape_cast %get3A_205 : vector<1x1x16xf32> to vector<16xf32>
      %add3A_207 = arith.addf %add3A_177, %get3A_206 : vector<16xf32>
      %get3A_208 = arith.constant 1 : i32
      %get3A_209 = arith.index_cast %get3A_208 : i32 to index
      %get3A_210 = arith.index_cast %scan3A_186 : i32 to index
      %get3A_211 = arith.constant 48 : index
      %get3A_212 = tpu.vector_load %arg7[%get3A_209, %get3A_210, %get3A_211] {strides = array<i32>} : memref<3x200x64xf32, #tpu.memory_space<vmem>>, vector<1x1x16xf32>,
      %get3A_213 = vector.shape_cast %get3A_212 : vector<1x1x16xf32> to vector<16xf32>
      %add3A_214 = arith.addf %add3A_184, %get3A_213 : vector<16xf32>
      %scan3A_215 = arith.constant 2 : i32
      %scan3A_216 = arith.addi %scan3A_153, %scan3A_215 : i32
      %get3A_217 = arith.constant 1 : i32
      %get3A_218 = arith.index_cast %get3A_217 : i32 to index
      %get3A_219 = arith.index_cast %scan3A_216 : i32 to index
      %get3A_220 = arith.constant 0 : index
      %get3A_221 = tpu.vector_load %arg7[%get3A_218, %get3A_219, %get3A_220] {strides = array<i32>} : memref<3x200x64xf32, #tpu.memory_space<vmem>>, vector<1x1x16xf32>,
      %get3A_222 = vector.shape_cast %get3A_221 : vector<1x1x16xf32> to vector<16xf32>
      %add3A_223 = arith.addf %add3A_193, %get3A_222 : vector<16xf32>
      %get3A_224 = arith.constant 1 : i32
      %get3A_225 = arith.index_cast %get3A_224 : i32 to index
      %get3A_226 = arith.index_cast %scan3A_216 : i32 to index
      %get3A_227 = arith.constant 16 : index
      %get3A_228 = tpu.vector_load %arg7[%get3A_225, %get3A_226, %get3A_227] {strides = array<i32>} : memref<3x200x64xf32, #tpu.memory_space<vmem>>, vector<1x1x16xf32>,
      %get3A_229 = vector.shape_cast %get3A_228 : vector<1x1x16xf32> to vector<16xf32>
      %add3A_230 = arith.addf %add3A_200, %get3A_229 : vector<16xf32>
      %get3A_231 = arith.constant 1 : i32
      %get3A_232 = arith.index_cast %get3A_231 : i32 to index
      %get3A_233 = arith.index_cast %scan3A_216 : i32 to index
      %get3A_234 = arith.constant 32 : index
      %get3A_235 = tpu.vector_load %arg7[%get3A_232, %get3A_233, %get3A_234] {strides = array<i32>} : memref<3x200x64xf32, #tpu.memory_space<vmem>>, vector<1x1x16xf32>,
      %get3A_236 = vector.shape_cast %get3A_235 : vector<1x1x16xf32> to vector<16xf32>
      %add3A_237 = arith.addf %add3A_207, %get3A_236 : vector<16xf32>
      %get3A_238 = arith.constant 1 : i32
      %get3A_239 = arith.index_cast %get3A_238 : i32 to index
      %get3A_240 = arith.index_cast %scan3A_216 : i32 to index
      %get3A_241 = arith.constant 48 : index
      %get3A_242 = tpu.vector_load %arg7[%get3A_239, %get3A_240, %get3A_241] {strides = array<i32>} : memref<3x200x64xf32, #tpu.memory_space<vmem>>, vector<1x1x16xf32>,
      %get3A_243 = vector.shape_cast %get3A_242 : vector<1x1x16xf32> to vector<16xf32>
      %add3A_244 = arith.addf %add3A_214, %get3A_243 : vector<16xf32>
      %scan3A_245 = arith.constant 3 : i32
      %scan3A_246 = arith.addi %scan3A_153, %scan3A_245 : i32
      %get3A_247 = arith.constant 1 : i32
      %get3A_248 = arith.index_cast %get3A_247 : i32 to index
      %get3A_249 = arith.index_cast %scan3A_246 : i32 to index
      %get3A_250 = arith.constant 0 : index
      %get3A_251 = tpu.vector_load %arg7[%get3A_248, %get3A_249, %get3A_250] {strides = array<i32>} : memref<3x200x64xf32, #tpu.memory_space<vmem>>, vector<1x1x16xf32>,
      %get3A_252 = vector.shape_cast %get3A_251 : vector<1x1x16xf32> to vector<16xf32>
      %add3A_253 = arith.addf %add3A_223, %get3A_252 : vector<16xf32>
      %get3A_254 = arith.constant 1 : i32
      %get3A_255 = arith.index_cast %get3A_254 : i32 to index
      %get3A_256 = arith.index_cast %scan3A_246 : i32 to index
      %get3A_257 = arith.constant 16 : index
      %get3A_258 = tpu.vector_load %arg7[%get3A_255, %get3A_256, %get3A_257] {strides = array<i32>} : memref<3x200x64xf32, #tpu.memory_space<vmem>>, vector<1x1x16xf32>,
      %get3A_259 = vector.shape_cast %get3A_258 : vector<1x1x16xf32> to vector<16xf32>
      %add3A_260 = arith.addf %add3A_230, %get3A_259 : vector<16xf32>
      %get3A_261 = arith.constant 1 : i32
      %get3A_262 = arith.index_cast %get3A_261 : i32 to index
      %get3A_263 = arith.index_cast %scan3A_246 : i32 to index
      %get3A_264 = arith.constant 32 : index
      %get3A_265 = tpu.vector_load %arg7[%get3A_262, %get3A_263, %get3A_264] {strides = array<i32>} : memref<3x200x64xf32, #tpu.memory_space<vmem>>, vector<1x1x16xf32>,
      %get3A_266 = vector.shape_cast %get3A_265 : vector<1x1x16xf32> to vector<16xf32>
      %add3A_267 = arith.addf %add3A_237, %get3A_266 : vector<16xf32>
      %get3A_268 = arith.constant 1 : i32
      %get3A_269 = arith.index_cast %get3A_268 : i32 to index
      %get3A_270 = arith.index_cast %scan3A_246 : i32 to index
      %get3A_271 = arith.constant 48 : index
      %get3A_272 = tpu.vector_load %arg7[%get3A_269, %get3A_270, %get3A_271] {strides = array<i32>} : memref<3x200x64xf32, #tpu.memory_space<vmem>>, vector<1x1x16xf32>,
      %get3A_273 = vector.shape_cast %get3A_272 : vector<1x1x16xf32> to vector<16xf32>
      %add3A_274 = arith.addf %add3A_244, %get3A_273 : vector<16xf32>
      %scan3A_275 = arith.constant 4 : i32
      %scan3A_276 = arith.addi %scan3A_153, %scan3A_275 : i32
      %get3A_277 = arith.constant 1 : i32
      %get3A_278 = arith.index_cast %get3A_277 : i32 to index
      %get3A_279 = arith.index_cast %scan3A_276 : i32 to index
      %get3A_280 = arith.constant 0 : index
      %get3A_281 = tpu.vector_load %arg7[%get3A_278, %get3A_279, %get3A_280] {strides = array<i32>} : memref<3x200x64xf32, #tpu.memory_space<vmem>>, vector<1x1x16xf32>,
      %get3A_282 = vector.shape_cast %get3A_281 : vector<1x1x16xf32> to vector<16xf32>
      %add3A_283 = arith.addf %add3A_253, %get3A_282 : vector<16xf32>
      %get3A_284 = arith.constant 1 : i32
      %get3A_285 = arith.index_cast %get3A_284 : i32 to index
      %get3A_286 = arith.index_cast %scan3A_276 : i32 to index
      %get3A_287 = arith.constant 16 : index
      %get3A_288 = tpu.vector_load %arg7[%get3A_285, %get3A_286, %get3A_287] {strides = array<i32>} : memref<3x200x64xf32, #tpu.memory_space<vmem>>, vector<1x1x16xf32>,
      %get3A_289 = vector.shape_cast %get3A_288 : vector<1x1x16xf32> to vector<16xf32>
      %add3A_290 = arith.addf %add3A_260, %get3A_289 : vector<16xf32>
      %get3A_291 = arith.constant 1 : i32
      %get3A_292 = arith.index_cast %get3A_291 : i32 to index
      %get3A_293 = arith.index_cast %scan3A_276 : i32 to index
      %get3A_294 = arith.constant 32 : index
      %get3A_295 = tpu.vector_load %arg7[%get3A_292, %get3A_293, %get3A_294] {strides = array<i32>} : memref<3x200x64xf32, #tpu.memory_space<vmem>>, vector<1x1x16xf32>,
      %get3A_296 = vector.shape_cast %get3A_295 : vector<1x1x16xf32> to vector<16xf32>
      %add3A_297 = arith.addf %add3A_267, %get3A_296 : vector<16xf32>
      %get3A_298 = arith.constant 1 : i32
      %get3A_299 = arith.index_cast %get3A_298 : i32 to index
      %get3A_300 = arith.index_cast %scan3A_276 : i32 to index
      %get3A_301 = arith.constant 48 : index
      %get3A_302 = tpu.vector_load %arg7[%get3A_299, %get3A_300, %get3A_301] {strides = array<i32>} : memref<3x200x64xf32, #tpu.memory_space<vmem>>, vector<1x1x16xf32>,
      %get3A_303 = vector.shape_cast %get3A_302 : vector<1x1x16xf32> to vector<16xf32>
      %add3A_304 = arith.addf %add3A_274, %get3A_303 : vector<16xf32>
      %scan3A_305 = arith.constant 5 : i32
      %scan3A_306 = arith.addi %scan3A_153, %scan3A_305 : i32
      %get3A_307 = arith.constant 1 : i32
      %get3A_308 = arith.index_cast %get3A_307 : i32 to index
      %get3A_309 = arith.index_cast %scan3A_306 : i32 to index
      %get3A_310 = arith.constant 0 : index
      %get3A_311 = tpu.vector_load %arg7[%get3A_308, %get3A_309, %get3A_310] {strides = array<i32>} : memref<3x200x64xf32, #tpu.memory_space<vmem>>, vector<1x1x16xf32>,
      %get3A_312 = vector.shape_cast %get3A_311 : vector<1x1x16xf32> to vector<16xf32>
      %add3A_313 = arith.addf %add3A_283, %get3A_312 : vector<16xf32>
      %get3A_314 = arith.constant 1 : i32
      %get3A_315 = arith.index_cast %get3A_314 : i32 to index
      %get3A_316 = arith.index_cast %scan3A_306 : i32 to index
      %get3A_317 = arith.constant 16 : index
      %get3A_318 = tpu.vector_load %arg7[%get3A_315, %get3A_316, %get3A_317] {strides = array<i32>} : memref<3x200x64xf32, #tpu.memory_space<vmem>>, vector<1x1x16xf32>,
      %get3A_319 = vector.shape_cast %get3A_318 : vector<1x1x16xf32> to vector<16xf32>
      %add3A_320 = arith.addf %add3A_290, %get3A_319 : vector<16xf32>
      %get3A_321 = arith.constant 1 : i32
      %get3A_322 = arith.index_cast %get3A_321 : i32 to index
      %get3A_323 = arith.index_cast %scan3A_306 : i32 to index
      %get3A_324 = arith.constant 32 : index
      %get3A_325 = tpu.vector_load %arg7[%get3A_322, %get3A_323, %get3A_324] {strides = array<i32>} : memref<3x200x64xf32, #tpu.memory_space<vmem>>, vector<1x1x16xf32>,
      %get3A_326 = vector.shape_cast %get3A_325 : vector<1x1x16xf32> to vector<16xf32>
      %add3A_327 = arith.addf %add3A_297, %get3A_326 : vector<16xf32>
      %get3A_328 = arith.constant 1 : i32
      %get3A_329 = arith.index_cast %get3A_328 : i32 to index
      %get3A_330 = arith.index_cast %scan3A_306 : i32 to index
      %get3A_331 = arith.constant 48 : index
      %get3A_332 = tpu.vector_load %arg7[%get3A_329, %get3A_330, %get3A_331] {strides = array<i32>} : memref<3x200x64xf32, #tpu.memory_space<vmem>>, vector<1x1x16xf32>,
      %get3A_333 = vector.shape_cast %get3A_332 : vector<1x1x16xf32> to vector<16xf32>
      %add3A_334 = arith.addf %add3A_304, %get3A_333 : vector<16xf32>
      %scan3A_335 = arith.constant 6 : i32
      %scan3A_336 = arith.addi %scan3A_153, %scan3A_335 : i32
      %get3A_337 = arith.constant 1 : i32
      %get3A_338 = arith.index_cast %get3A_337 : i32 to index
      %get3A_339 = arith.index_cast %scan3A_336 : i32 to index
      %get3A_340 = arith.constant 0 : index
      %get3A_341 = tpu.vector_load %arg7[%get3A_338, %get3A_339, %get3A_340] {strides = array<i32>} : memref<3x200x64xf32, #tpu.memory_space<vmem>>, vector<1x1x16xf32>,
      %get3A_342 = vector.shape_cast %get3A_341 : vector<1x1x16xf32> to vector<16xf32>
      %add3A_343 = arith.addf %add3A_313, %get3A_342 : vector<16xf32>
      %get3A_344 = arith.constant 1 : i32
      %get3A_345 = arith.index_cast %get3A_344 : i32 to index
      %get3A_346 = arith.index_cast %scan3A_336 : i32 to index
      %get3A_347 = arith.constant 16 : index
      %get3A_348 = tpu.vector_load %arg7[%get3A_345, %get3A_346, %get3A_347] {strides = array<i32>} : memref<3x200x64xf32, #tpu.memory_space<vmem>>, vector<1x1x16xf32>,
      %get3A_349 = vector.shape_cast %get3A_348 : vector<1x1x16xf32> to vector<16xf32>
      %add3A_350 = arith.addf %add3A_320, %get3A_349 : vector<16xf32>
      %get3A_351 = arith.constant 1 : i32
      %get3A_352 = arith.index_cast %get3A_351 : i32 to index
      %get3A_353 = arith.index_cast %scan3A_336 : i32 to index
      %get3A_354 = arith.constant 32 : index
      %get3A_355 = tpu.vector_load %arg7[%get3A_352, %get3A_353, %get3A_354] {strides = array<i32>} : memref<3x200x64xf32, #tpu.memory_space<vmem>>, vector<1x1x16xf32>,
      %get3A_356 = vector.shape_cast %get3A_355 : vector<1x1x16xf32> to vector<16xf32>
      %add3A_357 = arith.addf %add3A_327, %get3A_356 : vector<16xf32>
      %get3A_358 = arith.constant 1 : i32
      %get3A_359 = arith.index_cast %get3A_358 : i32 to index
      %get3A_360 = arith.index_cast %scan3A_336 : i32 to index
      %get3A_361 = arith.constant 48 : index
      %get3A_362 = tpu.vector_load %arg7[%get3A_359, %get3A_360, %get3A_361] {strides = array<i32>} : memref<3x200x64xf32, #tpu.memory_space<vmem>>, vector<1x1x16xf32>,
      %get3A_363 = vector.shape_cast %get3A_362 : vector<1x1x16xf32> to vector<16xf32>
      %add3A_364 = arith.addf %add3A_334, %get3A_363 : vector<16xf32>
      %scan3A_365 = arith.constant 7 : i32
      %scan3A_366 = arith.addi %scan3A_153, %scan3A_365 : i32
      %get3A_367 = arith.constant 1 : i32
      %get3A_368 = arith.index_cast %get3A_367 : i32 to index
      %get3A_369 = arith.index_cast %scan3A_366 : i32 to index
      %get3A_370 = arith.constant 0 : index
      %get3A_371 = tpu.vector_load %arg7[%get3A_368, %get3A_369, %get3A_370] {strides = array<i32>} : memref<3x200x64xf32, #tpu.memory_space<vmem>>, vector<1x1x16xf32>,
      %get3A_372 = vector.shape_cast %get3A_371 : vector<1x1x16xf32> to vector<16xf32>
      %add3A_373 = arith.addf %add3A_343, %get3A_372 : vector<16xf32>
      %get3A_374 = arith.constant 1 : i32
      %get3A_375 = arith.index_cast %get3A_374 : i32 to index
      %get3A_376 = arith.index_cast %scan3A_366 : i32 to index
      %get3A_377 = arith.constant 16 : index
      %get3A_378 = tpu.vector_load %arg7[%get3A_375, %get3A_376, %get3A_377] {strides = array<i32>} : memref<3x200x64xf32, #tpu.memory_space<vmem>>, vector<1x1x16xf32>,
      %get3A_379 = vector.shape_cast %get3A_378 : vector<1x1x16xf32> to vector<16xf32>
      %add3A_380 = arith.addf %add3A_350, %get3A_379 : vector<16xf32>
      %get3A_381 = arith.constant 1 : i32
      %get3A_382 = arith.index_cast %get3A_381 : i32 to index
      %get3A_383 = arith.index_cast %scan3A_366 : i32 to index
      %get3A_384 = arith.constant 32 : index
      %get3A_385 = tpu.vector_load %arg7[%get3A_382, %get3A_383, %get3A_384] {strides = array<i32>} : memref<3x200x64xf32, #tpu.memory_space<vmem>>, vector<1x1x16xf32>,
      %get3A_386 = vector.shape_cast %get3A_385 : vector<1x1x16xf32> to vector<16xf32>
      %add3A_387 = arith.addf %add3A_357, %get3A_386 : vector<16xf32>
      %get3A_388 = arith.constant 1 : i32
      %get3A_389 = arith.index_cast %get3A_388 : i32 to index
      %get3A_390 = arith.index_cast %scan3A_366 : i32 to index
      %get3A_391 = arith.constant 48 : index
      %get3A_392 = tpu.vector_load %arg7[%get3A_389, %get3A_390, %get3A_391] {strides = array<i32>} : memref<3x200x64xf32, #tpu.memory_space<vmem>>, vector<1x1x16xf32>,
      %get3A_393 = vector.shape_cast %get3A_392 : vector<1x1x16xf32> to vector<16xf32>
      %add3A_394 = arith.addf %add3A_364, %get3A_393 : vector<16xf32>
      scf.yield %add3A_373, %add3A_380, %add3A_387, %add3A_394 : vector<16xf32>, vector<16xf32>, vector<16xf32>, vector<16xf32>
    }
    %scan3A_128 = arith.constant 200 : i32
    %swap3A_129 = arith.constant 127 : i32
    %swap3A_130 = arith.index_cast %swap3A_129 : i32 to index
    %swap3A_131 = arith.constant 0 : index
    %swap3A_132 = tpu.vector_load %arg8[%swap3A_130, %swap3A_131] {strides = array<i32>} : memref<128x64xf32, #tpu.memory_space<vmem>>, vector<1x16xf32>,
    %swap3A_133 = vector.shape_cast %swap3A_132 : vector<1x16xf32> to vector<16xf32>
    %swap3A_134 = vector.shape_cast %scan3A_127#0 : vector<16xf32> to vector<1x16xf32>
    tpu.vector_store %arg8[%swap3A_130, %swap3A_131], %swap3A_134 {strides = array<i32>} : memref<128x64xf32, #tpu.memory_space<vmem>>, vector<1x16xf32>,
    %swap3A_135 = arith.constant 127 : i32
    %swap3A_136 = arith.index_cast %swap3A_135 : i32 to index
    %swap3A_137 = arith.constant 16 : index
    %swap3A_138 = tpu.vector_load %arg8[%swap3A_136, %swap3A_137] {strides = array<i32>} : memref<128x64xf32, #tpu.memory_space<vmem>>, vector<1x16xf32>,
    %swap3A_139 = vector.shape_cast %swap3A_138 : vector<1x16xf32> to vector<16xf32>
    %swap3A_140 = vector.shape_cast %scan3A_127#1 : vector<16xf32> to vector<1x16xf32>
    tpu.vector_store %arg8[%swap3A_136, %swap3A_137], %swap3A_140 {strides = array<i32>} : memref<128x64xf32, #tpu.memory_space<vmem>>, vector<1x16xf32>,
    %swap3A_141 = arith.constant 127 : i32
    %swap3A_142 = arith.index_cast %swap3A_141 : i32 to index
    %swap3A_143 = arith.constant 32 : index
    %swap3A_144 = tpu.vector_load %arg8[%swap3A_142, %swap3A_143] {strides = array<i32>} : memref<128x64xf32, #tpu.memory_space<vmem>>, vector<1x16xf32>,
    %swap3A_145 = vector.shape_cast %swap3A_144 : vector<1x16xf32> to vector<16xf32>
    %swap3A_146 = vector.shape_cast %scan3A_127#2 : vector<16xf32> to vector<1x16xf32>
    tpu.vector_store %arg8[%swap3A_142, %swap3A_143], %swap3A_146 {strides = array<i32>} : memref<128x64xf32, #tpu.memory_space<vmem>>, vector<1x16xf32>,
    %swap3A_147 = arith.constant 127 : i32
    %swap3A_148 = arith.index_cast %swap3A_147 : i32 to index
    %swap3A_149 = arith.constant 48 : index
    %swap3A_150 = tpu.vector_load %arg8[%swap3A_148, %swap3A_149] {strides = array<i32>} : memref<128x64xf32, #tpu.memory_space<vmem>>, vector<1x16xf32>,
    %swap3A_151 = vector.shape_cast %swap3A_150 : vector<1x16xf32> to vector<16xf32>
    %swap3A_152 = vector.shape_cast %scan3A_127#3 : vector<16xf32> to vector<1x16xf32>
    tpu.vector_store %arg8[%swap3A_148, %swap3A_149], %swap3A_152 {strides = array<i32>} : memref<128x64xf32, #tpu.memory_space<vmem>>, vector<1x16xf32>,
    "tpu.region"() ({
      %run_scoped3A = tpu.sem_alloc : memref<!tpu.dma_semaphore, #tpu.memory_space<semaphore_mem>>
      %dma_start3A_153 = arith.constant 0 : i32
      %dma_start3A_154 = tpu.memref_slice %arg4[%mul3A_2, %dma_start3A_153] : memref<4096x64xf32, #tpu.memory_space<hbm>> -> memref<128x64xf32, #tpu.memory_space<hbm>>
      %dma_start3A_155 = arith.constant 0 : i32
      %dma_start3A_156 = tpu.memref_slice %arg4[%mul3A_2, %dma_start3A_155] : memref<4096x64xf32, #tpu.memory_space<hbm>> -> memref<128x64xf32, #tpu.memory_space<hbm>>
      tpu.enqueue_dma source(%arg8 : memref<128x64xf32, #tpu.memory_space<vmem>>) target(%dma_start3A_156 : memref<128x64xf32, #tpu.memory_space<hbm>>) target_semaphore(%run_scoped3A : memref<!tpu.dma_semaphore, #tpu.memory_space<semaphore_mem>>)
      %dma_wait3A_157 = arith.constant 0 : i32
      %dma_wait3A_158 = tpu.memref_slice %arg4[%mul3A_2, %dma_wait3A_157] : memref<4096x64xf32, #tpu.memory_space<hbm>> -> memref<128x64xf32, #tpu.memory_space<hbm>>
      %dma_wait3A_159 = arith.constant 0 : i32
      %dma_wait3A_160 = tpu.memref_slice %arg4[%mul3A_2, %dma_wait3A_159] : memref<4096x64xf32, #tpu.memory_space<hbm>> -> memref<128x64xf32, #tpu.memory_space<hbm>>
      tpu.wait_dma2 semaphore(%run_scoped3A : memref<!tpu.dma_semaphore, #tpu.memory_space<semaphore_mem>>) src(%arg8 : memref<128x64xf32, #tpu.memory_space<vmem>>) dst(%dma_wait3A_160 : memref<128x64xf32, #tpu.memory_space<hbm>>)
      tpu.yield
    }) : () -> ()
    return
  }
}

module attributes {stable_mosaic.version = 14 : i64} {
  func.func @_relayout_body(%arg0: i32, %arg1: memref<64x2048xf32, #tpu.memory_space<vmem>>, %arg2: memref<64x2048xf32, #tpu.memory_space<vmem>>, %arg3: memref<2048x128xf32, #tpu.memory_space<vmem>>) attributes {dimension_semantics = [#tpu.dimension_semantics<arbitrary>], iteration_bounds = array<i64: 256>, scalar_prefetch = 0 : i64, scratch_operands = 0 : i64, tpu.core_type = #tpu.core_type<tc>, window_params = [{transform_indices = @transform_0, window_bounds = array<i64: 64, 2048>}, {transform_indices = @transform_1, window_bounds = array<i64: 64, 2048>}, {transform_indices = @transform_2, window_bounds = array<i64: 2048, 128>}]} {
    %get3A = arith.constant 0 : index
    %get3A_0 = arith.constant 0 : index
    %get3A_1 = vector.load %arg1[%get3A, %get3A_0] : memref<64x2048xf32, #tpu.memory_space<vmem>>, vector<64x2048xf32>
    %transpose3A = tpu.transpose %get3A_1, [1, 0] : vector<64x2048xf32> -> vector<2048x64xf32>
    %swap3A = arith.constant 0 : index
    %swap3A_2 = arith.constant 0 : index
    %swap3A_3 = vector.load %arg3[%swap3A, %swap3A_2] : memref<2048x128xf32, #tpu.memory_space<vmem>>, vector<2048x64xf32>
    tpu.vector_store %arg3[%swap3A, %swap3A_2], %transpose3A {strides = array<i32>} : memref<2048x128xf32, #tpu.memory_space<vmem>>, vector<2048x64xf32>,
    %get3A_4 = arith.constant 0 : index
    %get3A_5 = arith.constant 0 : index
    %get3A_6 = vector.load %arg2[%get3A_4, %get3A_5] : memref<64x2048xf32, #tpu.memory_space<vmem>>, vector<64x2048xf32>
    %transpose3A_7 = tpu.transpose %get3A_6, [1, 0] : vector<64x2048xf32> -> vector<2048x64xf32>
    %swap3A_8 = arith.constant 0 : index
    %swap3A_9 = arith.constant 64 : index
    %swap3A_10 = vector.load %arg3[%swap3A_8, %swap3A_9] : memref<2048x128xf32, #tpu.memory_space<vmem>>, vector<2048x64xf32>
    tpu.vector_store %arg3[%swap3A_8, %swap3A_9], %transpose3A_7 {strides = array<i32>} : memref<2048x128xf32, #tpu.memory_space<vmem>>, vector<2048x64xf32>,
    return
  }
  func.func @transform_0(%arg0: i32) -> (i32, i32) {
    %c0_i32 = arith.constant 0 : i32
    %c0_i32_0 = arith.constant 0 : i32
    return %c0_i32, %arg0 : i32, i32
  }
  func.func @transform_1(%arg0: i32) -> (i32, i32) {
    %add3A = arith.constant 256 : i32
    %add3A_0 = arith.addi %arg0, %add3A : i32
    %min3A = arith.constant 488 : i32
    %min3A_1 = arith.minsi %add3A_0, %min3A : i32
    %c0_i32 = arith.constant 0 : i32
    %c0_i32_2 = arith.constant 0 : i32
    return %c0_i32, %min3A_1 : i32, i32
  }
  func.func @transform_2(%arg0: i32) -> (i32, i32) {
    %c0_i32 = arith.constant 0 : i32
    %c0_i32_0 = arith.constant 0 : i32
    return %arg0, %c0_i32 : i32, i32
  }
}

module attributes {stable_mosaic.version = 14 : i64} {
  func.func @_mlp_body(%arg0: memref<4096x64xf32, #tpu.memory_space<vmem>>, %arg1: memref<4096x1xf32, #tpu.memory_space<vmem>>, %arg2: memref<64x64xf32, #tpu.memory_space<vmem>>, %arg3: memref<1x64xf32, #tpu.memory_space<vmem>>, %arg4: memref<1x64xf32, #tpu.memory_space<vmem>>, %arg5: memref<1x64xf32, #tpu.memory_space<vmem>>, %arg6: memref<64x64xf32, #tpu.memory_space<vmem>>, %arg7: memref<1x64xf32, #tpu.memory_space<vmem>>, %arg8: memref<1x64xf32, #tpu.memory_space<vmem>>, %arg9: memref<1x64xf32, #tpu.memory_space<vmem>>, %arg10: memref<64x64xf32, #tpu.memory_space<vmem>>, %arg11: memref<1x64xf32, #tpu.memory_space<vmem>>, %arg12: memref<1x64xf32, #tpu.memory_space<vmem>>, %arg13: memref<1x64xf32, #tpu.memory_space<vmem>>, %arg14: memref<64x1xf32, #tpu.memory_space<vmem>>, %arg15: memref<1x1xf32, #tpu.memory_space<vmem>>, %arg16: memref<1x1xf32, #tpu.memory_space<vmem>>, %arg17: memref<4096x1xf32, #tpu.memory_space<vmem>>) attributes {dimension_semantics = [], scalar_prefetch = 0 : i64, scratch_operands = 0 : i64, tpu.core_type = #tpu.core_type<tc>} {
    %get3A = arith.constant 0 : index
    %get3A_0 = arith.constant 0 : index
    %get3A_1 = vector.load %arg0[%get3A, %get3A_0] : memref<4096x64xf32, #tpu.memory_space<vmem>>, vector<4096x64xf32>
    %mul3A = arith.constant 5.000000e-03 : f32
    %mul3A_2 = vector.broadcast %mul3A : f32 to vector<4096x64xf32>
    %mul3A_3 = arith.mulf %get3A_1, %mul3A_2 : vector<4096x64xf32>
    %get3A_4 = arith.constant 0 : index
    %get3A_5 = arith.constant 0 : index
    %get3A_6 = vector.load %arg2[%get3A_4, %get3A_5] : memref<64x64xf32, #tpu.memory_space<vmem>>, vector<64x64xf32>
    %dot_general3A = arith.constant dense<0.000000e+00> : vector<4096x64xf32>
    %dot_general3A_7 = tpu.matmul %mul3A_3, %get3A_6, %dot_general3A {dimension_numbers = #tpu.dot_dimension_numbers<[1], [0], [0], [1], [0, 0, 1, 1], [], []>, transpose_lhs_hint = false} : vector<4096x64xf32>, vector<64x64xf32>, vector<4096x64xf32> -> vector<4096x64xf32>
    %get3A_8 = arith.constant 0 : index
    %get3A_9 = arith.constant 0 : index
    %get3A_10 = vector.load %arg3[%get3A_8, %get3A_9] : memref<1x64xf32, #tpu.memory_space<vmem>>, vector<1x64xf32>
    %add3A = vector.broadcast %get3A_10 : vector<1x64xf32> to vector<4096x64xf32>
    %add3A_11 = arith.addf %dot_general3A_7, %add3A : vector<4096x64xf32>
    %get3A_12 = arith.constant 0 : index
    %get3A_13 = arith.constant 0 : index
    %get3A_14 = vector.load %arg4[%get3A_12, %get3A_13] : memref<1x64xf32, #tpu.memory_space<vmem>>, vector<1x64xf32>
    %get3A_15 = arith.constant 0 : index
    %get3A_16 = arith.constant 0 : index
    %get3A_17 = vector.load %arg5[%get3A_15, %get3A_16] : memref<1x64xf32, #tpu.memory_space<vmem>>, vector<1x64xf32>
    %reduce_sum3A = arith.constant dense<0.000000e+00> : vector<64xf32>
    %reduce_sum3A_18 = vector.multi_reduction <add>, %add3A_11, %reduce_sum3A [0] : vector<4096x64xf32> to vector<64xf32>
    %broadcast_in_dim3A = vector.shape_cast %reduce_sum3A_18 : vector<64xf32> to vector<1x64xf32>
    %div3A = arith.constant 4.096000e+03 : f32
    %div3A_19 = vector.broadcast %div3A : f32 to vector<1x64xf32>
    %div3A_20 = arith.divf %broadcast_in_dim3A, %div3A_19 : vector<1x64xf32>
    %sub3A = vector.broadcast %div3A_20 : vector<1x64xf32> to vector<4096x64xf32>
    %sub3A_21 = arith.subf %add3A_11, %sub3A : vector<4096x64xf32>
    %sub3A_22 = vector.broadcast %div3A_20 : vector<1x64xf32> to vector<4096x64xf32>
    %sub3A_23 = arith.subf %add3A_11, %sub3A_22 : vector<4096x64xf32>
    %mul3A_24 = arith.mulf %sub3A_21, %sub3A_23 : vector<4096x64xf32>
    %reduce_sum3A_25 = arith.constant dense<0.000000e+00> : vector<64xf32>
    %reduce_sum3A_26 = vector.multi_reduction <add>, %mul3A_24, %reduce_sum3A_25 [0] : vector<4096x64xf32> to vector<64xf32>
    %broadcast_in_dim3A_27 = vector.shape_cast %reduce_sum3A_26 : vector<64xf32> to vector<1x64xf32>
    %div3A_28 = arith.constant 4.096000e+03 : f32
    %div3A_29 = vector.broadcast %div3A_28 : f32 to vector<1x64xf32>
    %div3A_30 = arith.divf %broadcast_in_dim3A_27, %div3A_29 : vector<1x64xf32>
    %sub3A_31 = vector.broadcast %div3A_20 : vector<1x64xf32> to vector<4096x64xf32>
    %sub3A_32 = arith.subf %add3A_11, %sub3A_31 : vector<4096x64xf32>
    %mul3A_33 = vector.broadcast %get3A_14 : vector<1x64xf32> to vector<4096x64xf32>
    %mul3A_34 = arith.mulf %mul3A_33, %sub3A_32 : vector<4096x64xf32>
    %add3A_35 = arith.constant 9.99999974E-6 : f32
    %add3A_36 = vector.broadcast %add3A_35 : f32 to vector<1x64xf32>
    %add3A_37 = arith.addf %div3A_30, %add3A_36 : vector<1x64xf32>
    %sqrt3A = math.sqrt %add3A_37 : vector<1x64xf32>
    %div3A_38 = vector.broadcast %sqrt3A : vector<1x64xf32> to vector<4096x64xf32>
    %div3A_39 = arith.divf %mul3A_34, %div3A_38 : vector<4096x64xf32>
    %add3A_40 = vector.broadcast %get3A_17 : vector<1x64xf32> to vector<4096x64xf32>
    %add3A_41 = arith.addf %div3A_39, %add3A_40 : vector<4096x64xf32>
    %max3A = arith.constant 0.000000e+00 : f32
    %max3A_42 = vector.broadcast %max3A : f32 to vector<4096x64xf32>
    %max3A_43 = arith.maximumf %add3A_41, %max3A_42 : vector<4096x64xf32>
    %get3A_44 = arith.constant 0 : index
    %get3A_45 = arith.constant 0 : index
    %get3A_46 = vector.load %arg6[%get3A_44, %get3A_45] : memref<64x64xf32, #tpu.memory_space<vmem>>, vector<64x64xf32>
    %dot_general3A_47 = arith.constant dense<0.000000e+00> : vector<4096x64xf32>
    %dot_general3A_48 = tpu.matmul %max3A_43, %get3A_46, %dot_general3A_47 {dimension_numbers = #tpu.dot_dimension_numbers<[1], [0], [0], [1], [0, 0, 1, 1], [], []>, transpose_lhs_hint = false} : vector<4096x64xf32>, vector<64x64xf32>, vector<4096x64xf32> -> vector<4096x64xf32>
    %get3A_49 = arith.constant 0 : index
    %get3A_50 = arith.constant 0 : index
    %get3A_51 = vector.load %arg7[%get3A_49, %get3A_50] : memref<1x64xf32, #tpu.memory_space<vmem>>, vector<1x64xf32>
    %add3A_52 = vector.broadcast %get3A_51 : vector<1x64xf32> to vector<4096x64xf32>
    %add3A_53 = arith.addf %dot_general3A_48, %add3A_52 : vector<4096x64xf32>
    %get3A_54 = arith.constant 0 : index
    %get3A_55 = arith.constant 0 : index
    %get3A_56 = vector.load %arg8[%get3A_54, %get3A_55] : memref<1x64xf32, #tpu.memory_space<vmem>>, vector<1x64xf32>
    %get3A_57 = arith.constant 0 : index
    %get3A_58 = arith.constant 0 : index
    %get3A_59 = vector.load %arg9[%get3A_57, %get3A_58] : memref<1x64xf32, #tpu.memory_space<vmem>>, vector<1x64xf32>
    %reduce_sum3A_60 = arith.constant dense<0.000000e+00> : vector<64xf32>
    %reduce_sum3A_61 = vector.multi_reduction <add>, %add3A_53, %reduce_sum3A_60 [0] : vector<4096x64xf32> to vector<64xf32>
    %broadcast_in_dim3A_62 = vector.shape_cast %reduce_sum3A_61 : vector<64xf32> to vector<1x64xf32>
    %div3A_63 = arith.constant 4.096000e+03 : f32
    %div3A_64 = vector.broadcast %div3A_63 : f32 to vector<1x64xf32>
    %div3A_65 = arith.divf %broadcast_in_dim3A_62, %div3A_64 : vector<1x64xf32>
    %sub3A_66 = vector.broadcast %div3A_65 : vector<1x64xf32> to vector<4096x64xf32>
    %sub3A_67 = arith.subf %add3A_53, %sub3A_66 : vector<4096x64xf32>
    %sub3A_68 = vector.broadcast %div3A_65 : vector<1x64xf32> to vector<4096x64xf32>
    %sub3A_69 = arith.subf %add3A_53, %sub3A_68 : vector<4096x64xf32>
    %mul3A_70 = arith.mulf %sub3A_67, %sub3A_69 : vector<4096x64xf32>
    %reduce_sum3A_71 = arith.constant dense<0.000000e+00> : vector<64xf32>
    %reduce_sum3A_72 = vector.multi_reduction <add>, %mul3A_70, %reduce_sum3A_71 [0] : vector<4096x64xf32> to vector<64xf32>
    %broadcast_in_dim3A_73 = vector.shape_cast %reduce_sum3A_72 : vector<64xf32> to vector<1x64xf32>
    %div3A_74 = arith.constant 4.096000e+03 : f32
    %div3A_75 = vector.broadcast %div3A_74 : f32 to vector<1x64xf32>
    %div3A_76 = arith.divf %broadcast_in_dim3A_73, %div3A_75 : vector<1x64xf32>
    %sub3A_77 = vector.broadcast %div3A_65 : vector<1x64xf32> to vector<4096x64xf32>
    %sub3A_78 = arith.subf %add3A_53, %sub3A_77 : vector<4096x64xf32>
    %mul3A_79 = vector.broadcast %get3A_56 : vector<1x64xf32> to vector<4096x64xf32>
    %mul3A_80 = arith.mulf %mul3A_79, %sub3A_78 : vector<4096x64xf32>
    %add3A_81 = arith.constant 9.99999974E-6 : f32
    %add3A_82 = vector.broadcast %add3A_81 : f32 to vector<1x64xf32>
    %add3A_83 = arith.addf %div3A_76, %add3A_82 : vector<1x64xf32>
    %sqrt3A_84 = math.sqrt %add3A_83 : vector<1x64xf32>
    %div3A_85 = vector.broadcast %sqrt3A_84 : vector<1x64xf32> to vector<4096x64xf32>
    %div3A_86 = arith.divf %mul3A_80, %div3A_85 : vector<4096x64xf32>
    %add3A_87 = vector.broadcast %get3A_59 : vector<1x64xf32> to vector<4096x64xf32>
    %add3A_88 = arith.addf %div3A_86, %add3A_87 : vector<4096x64xf32>
    %max3A_89 = arith.constant 0.000000e+00 : f32
    %max3A_90 = vector.broadcast %max3A_89 : f32 to vector<4096x64xf32>
    %max3A_91 = arith.maximumf %add3A_88, %max3A_90 : vector<4096x64xf32>
    %get3A_92 = arith.constant 0 : index
    %get3A_93 = arith.constant 0 : index
    %get3A_94 = vector.load %arg10[%get3A_92, %get3A_93] : memref<64x64xf32, #tpu.memory_space<vmem>>, vector<64x64xf32>
    %dot_general3A_95 = arith.constant dense<0.000000e+00> : vector<4096x64xf32>
    %dot_general3A_96 = tpu.matmul %max3A_91, %get3A_94, %dot_general3A_95 {dimension_numbers = #tpu.dot_dimension_numbers<[1], [0], [0], [1], [0, 0, 1, 1], [], []>, transpose_lhs_hint = false} : vector<4096x64xf32>, vector<64x64xf32>, vector<4096x64xf32> -> vector<4096x64xf32>
    %get3A_97 = arith.constant 0 : index
    %get3A_98 = arith.constant 0 : index
    %get3A_99 = vector.load %arg11[%get3A_97, %get3A_98] : memref<1x64xf32, #tpu.memory_space<vmem>>, vector<1x64xf32>
    %add3A_100 = vector.broadcast %get3A_99 : vector<1x64xf32> to vector<4096x64xf32>
    %add3A_101 = arith.addf %dot_general3A_96, %add3A_100 : vector<4096x64xf32>
    %get3A_102 = arith.constant 0 : index
    %get3A_103 = arith.constant 0 : index
    %get3A_104 = vector.load %arg12[%get3A_102, %get3A_103] : memref<1x64xf32, #tpu.memory_space<vmem>>, vector<1x64xf32>
    %get3A_105 = arith.constant 0 : index
    %get3A_106 = arith.constant 0 : index
    %get3A_107 = vector.load %arg13[%get3A_105, %get3A_106] : memref<1x64xf32, #tpu.memory_space<vmem>>, vector<1x64xf32>
    %reduce_sum3A_108 = arith.constant dense<0.000000e+00> : vector<64xf32>
    %reduce_sum3A_109 = vector.multi_reduction <add>, %add3A_101, %reduce_sum3A_108 [0] : vector<4096x64xf32> to vector<64xf32>
    %broadcast_in_dim3A_110 = vector.shape_cast %reduce_sum3A_109 : vector<64xf32> to vector<1x64xf32>
    %div3A_111 = arith.constant 4.096000e+03 : f32
    %div3A_112 = vector.broadcast %div3A_111 : f32 to vector<1x64xf32>
    %div3A_113 = arith.divf %broadcast_in_dim3A_110, %div3A_112 : vector<1x64xf32>
    %sub3A_114 = vector.broadcast %div3A_113 : vector<1x64xf32> to vector<4096x64xf32>
    %sub3A_115 = arith.subf %add3A_101, %sub3A_114 : vector<4096x64xf32>
    %sub3A_116 = vector.broadcast %div3A_113 : vector<1x64xf32> to vector<4096x64xf32>
    %sub3A_117 = arith.subf %add3A_101, %sub3A_116 : vector<4096x64xf32>
    %mul3A_118 = arith.mulf %sub3A_115, %sub3A_117 : vector<4096x64xf32>
    %reduce_sum3A_119 = arith.constant dense<0.000000e+00> : vector<64xf32>
    %reduce_sum3A_120 = vector.multi_reduction <add>, %mul3A_118, %reduce_sum3A_119 [0] : vector<4096x64xf32> to vector<64xf32>
    %broadcast_in_dim3A_121 = vector.shape_cast %reduce_sum3A_120 : vector<64xf32> to vector<1x64xf32>
    %div3A_122 = arith.constant 4.096000e+03 : f32
    %div3A_123 = vector.broadcast %div3A_122 : f32 to vector<1x64xf32>
    %div3A_124 = arith.divf %broadcast_in_dim3A_121, %div3A_123 : vector<1x64xf32>
    %sub3A_125 = vector.broadcast %div3A_113 : vector<1x64xf32> to vector<4096x64xf32>
    %sub3A_126 = arith.subf %add3A_101, %sub3A_125 : vector<4096x64xf32>
    %mul3A_127 = vector.broadcast %get3A_104 : vector<1x64xf32> to vector<4096x64xf32>
    %mul3A_128 = arith.mulf %mul3A_127, %sub3A_126 : vector<4096x64xf32>
    %add3A_129 = arith.constant 9.99999974E-6 : f32
    %add3A_130 = vector.broadcast %add3A_129 : f32 to vector<1x64xf32>
    %add3A_131 = arith.addf %div3A_124, %add3A_130 : vector<1x64xf32>
    %sqrt3A_132 = math.sqrt %add3A_131 : vector<1x64xf32>
    %div3A_133 = vector.broadcast %sqrt3A_132 : vector<1x64xf32> to vector<4096x64xf32>
    %div3A_134 = arith.divf %mul3A_128, %div3A_133 : vector<4096x64xf32>
    %add3A_135 = vector.broadcast %get3A_107 : vector<1x64xf32> to vector<4096x64xf32>
    %add3A_136 = arith.addf %div3A_134, %add3A_135 : vector<4096x64xf32>
    %max3A_137 = arith.constant 0.000000e+00 : f32
    %max3A_138 = vector.broadcast %max3A_137 : f32 to vector<4096x64xf32>
    %max3A_139 = arith.maximumf %add3A_136, %max3A_138 : vector<4096x64xf32>
    %get3A_140 = arith.constant 0 : index
    %get3A_141 = arith.constant 0 : index
    %get3A_142 = vector.load %arg14[%get3A_140, %get3A_141] : memref<64x1xf32, #tpu.memory_space<vmem>>, vector<64x1xf32>
    %dot_general3A_143 = arith.constant dense<0.000000e+00> : vector<4096x1xf32>
    %dot_general3A_144 = tpu.matmul %max3A_139, %get3A_142, %dot_general3A_143 {dimension_numbers = #tpu.dot_dimension_numbers<[1], [0], [0], [1], [0, 0, 1, 1], [], []>, transpose_lhs_hint = false} : vector<4096x64xf32>, vector<64x1xf32>, vector<4096x1xf32> -> vector<4096x1xf32>
    %get3A_145 = arith.constant 0 : index
    %get3A_146 = arith.constant 0 : index
    %get3A_147 = vector.load %arg15[%get3A_145, %get3A_146] : memref<1x1xf32, #tpu.memory_space<vmem>>, vector<1x1xf32>
    %add3A_148 = vector.broadcast %get3A_147 : vector<1x1xf32> to vector<4096x1xf32>
    %add3A_149 = arith.addf %dot_general3A_144, %add3A_148 : vector<4096x1xf32>
    %swap3A = arith.constant 0 : index
    %swap3A_150 = arith.constant 0 : index
    %swap3A_151 = vector.load %arg17[%swap3A, %swap3A_150] : memref<4096x1xf32, #tpu.memory_space<vmem>>, vector<4096x1xf32>
    tpu.vector_store %arg17[%swap3A, %swap3A_150], %add3A_149 {strides = array<i32>} : memref<4096x1xf32, #tpu.memory_space<vmem>>, vector<4096x1xf32>,
    %get3A_152 = arith.constant 0 : index
    %get3A_153 = arith.constant 0 : index
    %get3A_154 = vector.load %arg1[%get3A_152, %get3A_153] : memref<4096x1xf32, #tpu.memory_space<vmem>>, vector<4096x1xf32>
    %max3A_155 = arith.constant 0.000000e+00 : f32
    %max3A_156 = vector.broadcast %max3A_155 : f32 to vector<4096x1xf32>
    %max3A_157 = arith.maximumf %add3A_149, %max3A_156 : vector<4096x1xf32>
    %mul3A_158 = arith.mulf %add3A_149, %get3A_154 : vector<4096x1xf32>
    %sub3A_159 = arith.subf %max3A_157, %mul3A_158 : vector<4096x1xf32>
    %abs3A = math.absf %add3A_149 : vector<4096x1xf32>
    %neg3A = arith.constant 0.000000e+00 : f32
    %neg3A_160 = vector.broadcast %neg3A : f32 to vector<4096x1xf32>
    %neg3A_161 = arith.subf %neg3A_160, %abs3A : vector<4096x1xf32>
    %exp3A = math.exp %neg3A_161 : vector<4096x1xf32>
    %log1p3A = math.log1p %exp3A : vector<4096x1xf32>
    %add3A_162 = arith.addf %sub3A_159, %log1p3A : vector<4096x1xf32>
    %reduce_sum3A_163 = vector.shape_cast %add3A_162 : vector<4096x1xf32> to vector<1x4096x1xf32>
    %reduce_sum3A_164 = arith.constant dense<0.000000e+00> : vector<1xf32>
    %reduce_sum3A_165 = vector.multi_reduction <add>, %reduce_sum3A_163, %reduce_sum3A_164 [1, 2] : vector<1x4096x1xf32> to vector<1xf32>
    %reduce_sum3A_166 = vector.shape_cast %reduce_sum3A_165 : vector<1xf32> to vector<1x1x1xf32>
    %reduce_sum3A_167 = vector.extract %reduce_sum3A_166[0, 0, 0] : f32 from vector<1x1x1xf32>
    %div3A_168 = arith.constant 4.096000e+03 : f32
    %div3A_169 = arith.divf %reduce_sum3A_167, %div3A_168 : f32
    %reshape3A = vector.broadcast %div3A_169 : f32 to vector<1x1xf32>
    %swap3A_170 = arith.constant 0 : index
    %swap3A_171 = arith.constant 0 : index
    %swap3A_172 = vector.load %arg16[%swap3A_170, %swap3A_171] : memref<1x1xf32, #tpu.memory_space<vmem>>, vector<1x1xf32>
    tpu.vector_store %arg16[%swap3A_170, %swap3A_171], %reshape3A {strides = array<i32>} : memref<1x1xf32, #tpu.memory_space<vmem>>, vector<1x1xf32>,
    return
  }
}

</mosaic_0001>

<sc_bundles>
// kernel: kernel.5.cloned.1.call-start
scs
__scs_entry_jumppad:
0x0: {  	(pc) =	sbr.rel $0x88, $3  }
0x1: {  	(tag) =	ssettag $0x0;
	lr =	simm.s32 $0x1  }
0x2: {  	[smem:$0x3F90] =	sst lr;
	_ =	strace $0xD0000000  }
0x3: {  	_ = 	snop  }
0x4: {  	_ = 	snop  }
0x5: {  	_ = 	snop  }
0x6: {  	_ = 	snop  }
0x7: {  	_ = 	snop  }
__scs_overlays_trampoline_lowered:
0x8: {  	[smem:$0x3F9F] =	sst s0  }
0x9: {  	[smem:$0x3FA0] =	sst s1  }
0xa: {  	[smem:$0x3FA1] =	sst s2  }
0xb: {  	[smem:$0x3FA2] =	sst s3  }
0xc: {  	[smem:$0x3FA3] =	sst s4  }
0xd: {  	[smem:$0x3FA4] =	sst s5  }
0xe: {  	[smem:$0x3FA5] =	sst s6  }
0xf: {  	[smem:$0x3FA6] =	sst s7  }
0x10: {  	[smem:$0x3FA7] =	sst s8  }
0x11: {  	[smem:$0x3FA8] =	sst s9;
	s0 =	simm.s32 @!p0 $0x0  }
0x12: {  	s1 =	sld [smem:$0x3F8E];
	s0 =	simm.s32 @p0 $0x1  }
0x13: {  	[smem:$0x3FA9] =	sst s0;
	s0 =	simm.s32 @!p1 $0x0  }
0x14: {  	s2 =	sld [smem:$0x3F8D];
	s0 =	simm.s32 @p1 $0x1  }
0x15: {  	[smem:$0x3FAA] =	sst s0;
	s0 =	simm.s32 @!p2 $0x0  }
0x16: {  	s3 =	sld [smem:$0x3FDB];
	s0 =	simm.s32 @p2 $0x1  }
0x17: {  	s4 =	simm.s32 $0x1BF5;
	[smem:$0x3FAC] =	sst s0  }
0x18: {  	s0 =	sld [smem:$0x3F8F];
	_ =	swait.ge [sflag:s4], $0x0  }
0x19: {  	s7 =	sld [smem:$0x3F90]  }
0x1a: {  	s8 =	sadd.s32 $0xFFFFE003, lr  }
0x1b: {  	s9 =	sadd.s32 $0xFFFFFEF7, lr;
	s5 =	simm.s32 $0xFFFFFFFF;
	p2 =	slt.u32 s8, $0xFFFFF086  }
0x1c: {  	p1 =	slt.u32 s9, $0xF7A;
	s5 =	simm.s32 @!p2 $0x0  }
0x1d: {  	s5 =	simm.s32 @p1 $0x1;
	p0 =	seq.s32 s7, s2  }
0x1e: {  	s7 =	smul.u32 @!p0 $0xF7A, s2;
	p2 =	seq.s32 @!p0 s5, $0x0  }
0x1f: {  	s9 =	smul.u32 $0xF7A, s1;
	s8 =	simm.s32 @!p0 $0x1BF5;
	p2 =	por !p2, p0  }
0x20: {  	[sflag:s8] =	ssyncset.s32 @!p0 $0xFFFFF086;
	s6 =	sadd.s32 @!p0 s3, s7;
	s7 =	simm.s32 @!p0 $0x108  }
0x21: {  	s3 =	sadd.s32 s3, s9;
	s6 =	sadd.s32 @!p0 $0x88, s6;
	s7 =	simm.s32 @p2 $0x1082  }
0x22: {  	[simem:s7], [sflag:s8] =	dma.local @!p0 [hbm:s6], $0xF7A  }
0x23: {  	s9 =	sor.u32 $0xD0000000, s2;
	s6 =	simm.s32 $0x108;
	_ =	swait.ge @!p0 [sflag:s8], $0x0  }
0x24: {  	s3 =	sadd.s32 $0x88, s3;
	s6 =	simm.s32 @!p1 $0x1082;
	[sflag:s4] =	ssyncset.s32 $0xFFFFF086  }
0x25: {  	[simem:s6], [sflag:s4] =	dma.local [hbm:s3], $0xF7A  }
0x26: {  	[smem:$0x3F90] =	sst s1;
	(tag) =	ssettag s2;
	_ =	strace s9  }
0x27: {  	s1 =	sld [smem:$0x3FA0]  }
0x28: {  	s2 =	sld [smem:$0x3FA1]  }
0x29: {  	s4 =	sld [smem:$0x3FA3]  }
0x2a: {  	p0 =	seq.s32 s5, $0x0;
	s5 =	sld [smem:$0x3FA4]  }
0x2b: {  	s6 =	sld [smem:$0x3FA5]  }
0x2c: {  	s7 =	sld [smem:$0x3FA6]  }
0x2d: {  	s3 =	simm.s32 $0x108;
	s8 =	sld [smem:$0x3FA7]  }
0x2e: {  	s3 =	simm.s32 @!p0 $0x1082;
	s9 =	sld [smem:$0x3FA8]  }
0x2f: {  	lr =	sadd.s32 s0, s3;
	s0 =	sld [smem:$0x3F9F]  }
0x30: {  	s3 =	sld [smem:$0x3FA2]  }
0x31: {  	[smem:$0x3FAB] =	sst s10  }
0x32: {  	s10 =	sld [smem:$0x3FA9];
	_ =	sdelay $0x3  }
0x33: {  	p0 =	seq.s32 s10, $0x1;
	s10 =	sld [smem:$0x3FAB];
	_ =	sdelay $0x3  }
0x34: {  	[smem:$0x3FAB] =	sst s10  }
0x35: {  	s10 =	sld [smem:$0x3FAA];
	_ =	sdelay $0x3  }
0x36: {  	p1 =	seq.s32 s10, $0x1;
	s10 =	sld [smem:$0x3FAB];
	_ =	sdelay $0x3  }
0x37: {  	[smem:$0x3FAB] =	sst s10  }
0x38: {  	s10 =	sld [smem:$0x3FAC]  }
0x39: {  	_ = 	snop;
	(pc) =	sbr.ind lr, $3  }
0x3a: {  	_ = 	snop  }
0x3b: {  	_ = 	snop  }
0x3c: {  	p2 =	seq.s32 s10, $0x1;
	s10 =	sld [smem:$0x3FAB]  }
0x3d: {  	_ =	shalt  }
0x3e: {  	_ =	shalt  }
0x3f: {  	_ =	shalt  }
0x40: {  	_ =	shalt  }
0x41: {  	_ =	shalt  }
0x42: {  	_ =	shalt  }
0x43: {  	_ =	shalt  }
0x44: {  	_ =	shalt  }
0x45: {  	_ =	shalt  }
0x46: {  	_ =	shalt  }
0x47: {  	_ =	shalt  }
0x48: {  	_ =	shalt  }
0x49: {  	_ =	shalt  }
0x4a: {  	_ =	shalt  }
0x4b: {  	_ =	shalt  }
0x4c: {  	_ =	shalt  }
0x4d: {  	_ =	shalt  }
0x4e: {  	_ =	shalt  }
0x4f: {  	_ =	shalt  }
0x50: {  	_ =	shalt  }
0x51: {  	_ =	shalt  }
0x52: {  	_ =	shalt  }
0x53: {  	_ =	shalt  }
0x54: {  	_ =	shalt  }
0x55: {  	_ =	shalt  }
0x56: {  	_ =	shalt  }
0x57: {  	_ =	shalt  }
0x58: {  	_ =	shalt  }
0x59: {  	_ =	shalt  }
0x5a: {  	_ =	shalt  }
0x5b: {  	_ =	shalt  }
0x5c: {  	_ =	shalt  }
0x5d: {  	_ =	shalt  }
0x5e: {  	_ =	shalt  }
0x5f: {  	_ =	shalt  }
0x60: {  	_ =	shalt  }
0x61: {  	_ =	shalt  }
0x62: {  	_ =	shalt  }
0x63: {  	_ =	shalt  }
0x64: {  	_ =	shalt  }
0x65: {  	_ =	shalt  }
0x66: {  	_ =	shalt  }
0x67: {  	_ =	shalt  }
0x68: {  	_ =	shalt  }
0x69: {  	_ =	shalt  }
0x6a: {  	_ =	shalt  }
0x6b: {  	_ =	shalt  }
0x6c: {  	_ =	shalt  }
0x6d: {  	_ =	shalt  }
0x6e: {  	_ =	shalt  }
0x6f: {  	_ =	shalt  }
0x70: {  	_ =	shalt  }
0x71: {  	_ =	shalt  }
0x72: {  	_ =	shalt  }
0x73: {  	_ =	shalt  }
0x74: {  	_ =	shalt  }
0x75: {  	_ =	shalt  }
0x76: {  	_ =	shalt  }
0x77: {  	_ =	shalt  }
0x78: {  	_ =	shalt  }
0x79: {  	_ =	shalt  }
0x7a: {  	_ =	shalt  }
0x7b: {  	_ =	shalt  }
0x7c: {  	_ =	shalt  }
0x7d: {  	_ =	shalt  }
0x7e: {  	_ =	shalt  }
0x7f: {  	_ =	shalt  }
0x80: {  	_ =	shalt  }
0x81: {  	_ =	shalt  }
0x82: {  	_ =	shalt  }
0x83: {  	_ =	shalt  }
0x84: {  	_ =	shalt  }
0x85: {  	_ =	shalt  }
0x86: {  	_ =	shalt  }
0x87: {  	_ =	shalt  }
.Lfunc_end0:
.L_simem_size_0:
called_computation_lowered:
.L_overlay_start_0:
0x88: {  	s2 =	sld [smem:$0x3FD9]  }
0x89: {  	s3 =	sld [smem:$0x3FFE];
	_ =	sdelay $0x1  }
0x8a: {  	s1 =	srdreg.scid  }
0x8b: {  	s0 =	sand.u32 $0x1, s1  }
0x8c: {  	s16 =	sshll.u32 s0, $0xA;
	s2 =	sadd.s32 s3, s2  }
0x8d: {  	s2 =	sadd.s32 s2, s16  }
0x8e: {  	[smem:$0x3FB7] =	sst s2  }
0x8f: {  	_ = 	snop  }
0x90: {  	(tm) =	ssettm $0x1  }
0x91: {  	s17 =	sld [smem:$0x3FFB];
	_ =	sdelay $0x3  }
0x92: {  	_ =	strace s17  }
0x93: {  	s2 =	sld [smem:$0x3FFC];
	_ =	sdelay $0x3  }
0x94: {  	_ =	strace s2  }
0x95: {  	s2 =	sld [smem:$0x3FFD];
	_ =	sdelay $0x3  }
0x96: {  	_ =	strace s2  }
0x97: {  	_ =	strace $0x8FFFFFFF  }
0x98: {  	s18 =	sld [smem:$0x3FDB];
	_ =	sdelay $0x1  }
0x99: {  	s19 =	simm.s32 $_scs_section_size  }
0x9a: {  	s4 =	simm.s32 $_size__tile_overlayer_lowered;
	s5 =	simm.s32 $_tile_overlayer_lowered  }
0x9b: {  	s22 =	simm.s32 $0x1BFF;
	s21 =	sshll.u32 s5, $0x1;
	s2 =	sadd.s32 s19, s18  }
0x9c: {  	s6 =	simm.s32 $0x0;
	s20 =	sshll.u32 s4, $0x1;
	s4 =	sadd.s32 s21, s2  }
0x9d: {  	[timem:s6], [sflag:s22] =	dma.local [hbm:s4], s20  }
0x9e: {  	_ =	swait.ge [sflag:s22], s20  }
0x9f: {  	s3 =	ssub.s32 $0x0, s20;
	[sflag:s22] =	ssyncset.done $0x0  }
0xa0: {  	[sflag:s22] =	ssyncadd.s32 s3;
	_ =	sdelay $0x1  }
0xa1: {  	s23 =	simm.s32 $0x1B8B  }
0xa2: {  	_ =	swait.ge [sflag:s23], $0x1  }
0xa3: {  	[sflag:s23] =	ssyncset.done $0x0  }
0xa4: {  	s25 =	simm.s32 $0x1B8E;
	s24 =	sld [smem:$0x3FFE];
	[sflag:s23] =	ssyncadd.s32 $0xFFFFFFFF  }
0xa5: {  	s26 =	simm.s32 $execute0_lowered;
	[smem:$0x3FD2] =	sst s25  }
0xa6: {  	s4 =	sshll.u32 s26, $0x1;
	_ =	strace $0x80000046;
	[dreg:$0x1] =	wrdreg $0xFFFFFFFF  }
0xa7: {  	s28 =	simm.s32 $_size_execute0_lowered;
	s2 =	sadd.s32 s2, s4;
	[dreg:$0x0] =	wrdreg $0x0  }
0xa8: {  	s4 =	sshll.u32 s28, $0x1;
	[dreg:$0x2] =	wrdreg s2  }
0xa9: {  	[dreg:$0x3] =	wrdreg s4  }
0xaa: {  	[dreg:$0x4] =	wrdreg $0xC0  }
0xab: {  	_ =	task [dreg:s6], $0x5FFFF  }
0xac: {  	[dreg:$0x1] =	wrdreg $0xFFFFFFFF  }
0xad: {  	[dreg:$0x0] =	wrdreg $0x60  }
0xae: {  	[dreg:$0x2] =	wrdreg s24  }
0xaf: {  	[dreg:$0x3] =	wrdreg $0x9  }
0xb0: {  	_ =	task.clear_ibuf [dreg:s6], $0x4FFFF;
	_ =	strace $0x90000046  }
0xb1: {  	s29 =	simm.s32 $0x9;
	_ =	strace $0x80000048  }
0xb2: {  	_ =	swait.ge [sflag:s29], $0x1  }
0xb3: {  	[sflag:s29] =	ssyncadd.s32 $0xFFFFFFFF  }
0xb4: {  	_ =	strace $0x90000048  }
0xb5: {  	_ =	sfence  }
0xb6: {  	s30 =	sld [smem:$0x0];
	_ =	sdelay $0x2  }
0xb7: {  	s31 =	sshll.u32 s1, $0xD;
	s1 =	sshrl.u32 s1, $0x2  }
0xb8: {  	s3 =	sand.u32 $0x4000, s31;
	s1 =	sadd.s32 s1, s30  }
0xb9: {  	s0 =	sor.u32 s3, s0;
	s1 =	sshll.u32 s1, $0x11  }
0xba: {  	s0 =	sor.u32 s1, s0  }
0xbb: {  	s0 =	sadd.s32 $0x8F2B, s0  }
0xbc: {  	[sflag:s0] =	ssyncadd.remote.s32 $0x1  }
0xbd: {  	_ =	sfence.sel $0xFFFF  }
0xbe: {  	[dreg:$0x0] =	wrdreg $0xFFFFFFFF;
	(pc) =	sbr.abs _section_cstart, $3  }
0xbf: {  	[dreg:$0x1] =	wrdreg $0xFFFFFFFF  }
0xc0: {  	_ =	task.clear_ibuf [dreg:s6], $0x2FFFF;
	_ =	strace $0x9FFFFFFF  }
0xc1: {  	(tm) =	ssettm $0x7FFFFFFF  }
tec
execute0_lowered:
.L_overlay_start_1:
0x0: {  	(tag) =	ssettag $0x1  }
0x1: {  	s0 =	srdreg.scid;
	s2 =	stileid.u32  }
0x2: {  	s1 =	rddreg [dreg:$0x0];
	s7 =	simm.s32 $0x4;
	s8 =	simm.s32 $0x80  }
0x3: {  	s9 =	simm.s32 $0x6400;
	s10 =	simm.s32 $0x6670;
	s11 =	simm.s32 $0x48  }
0x4: {  	s12 =	simm.s32 $0x6480;
	s13 =	simm.s32 $0x8670;
	s14 =	simm.s32 $0x64D0  }
0x5: {  	s15 =	simm.s32 $0x9870;
	s16 =	simm.s32 $0x6550;
	s17 =	simm.s32 $0xB870  }
0x6: {  	s18 =	simm.s32 $0x1;
	s19 =	simm.s32 $0x65A0;
	s20 =	simm.s32 $0xCA70  }
0x7: {  	s21 =	simm.s32 $0x6620;
	s22 =	simm.s32 $0xEA70;
	s23 =	simm.s32 $0x2  }
0x8: {  	s24 =	simm.s32 $0x3;
	s25 =	simm.s32 $0xFC70;
	s0 =	sand.u32 $0x1, s0  }
0x9: {  	s3 =	sshll.u32 s2, $0x8;
	s2 =	simm.s32 $0x0;
	s4 =	sshll.u32 s0, $0x7  }
0xa: {  	s26 =	simm.s32 $0x0;
	[smem:$0x7FF] =	sst s2;
	s3 =	sor.u32 s4, s3  }
0xb: {  	s0 =	ssub.s32 $0x2, s0;
	_ =	strace $0x80000047;
	s4 =	smul.u32 $0x19, s3  }
0xc: {  	s31 =	sshrl.u32 s0, $0x1;
	s5 =	sshll.u32 s3, $0x3;
	s3 =	sadd.s32 $0x1AE00, s1  }
0xd: {  	s0 =	ssub.s32 s0, s31;
	s4 =	sadd.s32 s4, s1;
	s1 =	sadd.s32 s5, s1  }
0xe: {  	s6 =	smax.u32 s0, $0x1;
	s4 =	sadd.s32 $0x1E00, s4;
	s5 =	sadd.s32 $0x81AE00, s1  }
.LBB2_1:
0xf: {  	[tilespmem:s2], [sflag:$0x4] =	stream.linear.gather [hbm4b:s4+s2], $0x6400, $0x38;
	[tilespmem:$0x11C70] =	vst v63  }
0x10: {  	_ =	swait.ge [sflag:s7], $0x6400  }
0x11: {  	[sflag:s7] =	ssyncset.done $0x0  }
0x12: {  	[sflag:s7] =	ssyncadd.s32 $0xFFFF9C00  }
0x13: {  	v0 =	vld [tilespmem:$0x0]  }
0x14: {  	v1 =	vld [tilespmem:$0x10]  }
0x15: {  	v2 =	vld [tilespmem:$0x20]  }
0x16: {  	v3 =	vld [tilespmem:$0x30]  }
0x17: {  	v5 =	vld [tilespmem:$0x40]  }
0x18: {  	v7 =	vld [tilespmem:$0x50]  }
0x19: {  	v37 =	vld [tilespmem:$0x60]  }
0x1a: {  	v9 =	vld [tilespmem:$0x70]  }
0x1b: {  	v4 =	vshll.u32 v0, $0x1;
	v6 =	vshll.u32 v1, $0x1;
	v0 =	vshrl.u32 v0, $0x13  }
0x1c: {  	v10 =	vld [tilespmem:$0x80];
	v1 =	vshrl.u32 v1, $0x13;
	v36 =	vshll.u32 v2, $0x1;
	v2 =	vshrl.u32 v2, $0x13  }
0x1d: {  	v8 =	vshll.u32 v3, $0x1;
	v39 =	vshll.u32 v5, $0x1;
	v3 =	vshrl.u32 v3, $0x13  }
0x1e: {  	v43 =	vld [tilespmem:$0x90];
	v5 =	vshrl.u32 v5, $0x13;
	v42 =	vshll.u32 v7, $0x1;
	v45 =	vshrl.u32 v7, $0x13  }
0x1f: {  	v46 =	vshll.u32 v37, $0x1;
	v49 =	vshll.u32 v9, $0x1;
	v4 =	vand.u32 $0xFFFFE, v4  }
0x20: {  	v50 =	vshrl.u32 v37, $0x13;
	v6 =	vand.u32 $0xFFFFE, v6;
	v0 =	vor.u32 v0, v4  }
0x21: {  	v47 =	vld [tilespmem:$0xA0];
	v54 =	vshll.u32 v10, $0x1;
	v38 =	vand.u32 $0xFFFFE, v8;
	v1 =	vor.u32 v1, v6;
	[tilespmem:$0x6400] =	vst v0  }
0x22: {  	v57 =	vshrl.u32 v10, $0x13;
	v8 =	vand.u32 $0xFFFFE, v39;
	v40 =	vor.u32 v3, v38;
	[tilespmem:$0x6410] =	vst v1  }
0x23: {  	v52 =	vld [tilespmem:$0xB0];
	v58 =	vshll.u32 v43, $0x1;
	v56 =	vand.u32 $0xFFFFE, v54;
	v41 =	vor.u32 v5, v8;
	[tilespmem:$0x6430] =	vst v40  }
0x24: {  	v62 =	vshrl.u32 v43, $0x13;
	v60 =	vand.u32 $0xFFFFE, v58;
	v59 =	vor.u32 v57, v56;
	[tilespmem:$0x6440] =	vst v41  }
0x25: {  	v55 =	vld [tilespmem:$0xB8];
	v51 =	vshrl.u32 v9, $0x13;
	v4 =	vand.u32 $0xFFFFE, v36;
	v6 =	vor.u32 v62, v60;
	[tilespmem:$0x6480] =	vst v59  }
0x26: {  	v61 =	vshll.u32 v47, $0x1;
	v44 =	vand.u32 $0xFFFFE, v42;
	v2 =	vor.u32 v2, v4;
	[tilespmem:$0x6490] =	vst v6  }
0x27: {  	v63 =	vshrl.u32 v47, $0x13;
	v48 =	vand.u32 $0xFFFFE, v46;
	v1 =	vor.u32 v45, v44;
	[tilespmem:$0x6420] =	vst v2  }
0x28: {  	v9 =	vshll.u32 v52, $0x1;
	v3 =	vand.u32 $0xFFFFE, v61;
	v0 =	vor.u32 v50, v48;
	[tilespmem:$0x6450] =	vst v1  }
0x29: {  	v11 =	vshrl.u32 v52, $0x13;
	v4 =	vand.u32 $0xFFFFE, v49;
	v8 =	vor.u32 v63, v3;
	[tilespmem:$0x6460] =	vst v0  }
0x2a: {  	v12 =	vshll.u32 v55, $0x1;
	v10 =	vand.u32 $0xFFFFE, v9;
	v53 =	vor.u32 v51, v4;
	[tilespmem:$0x64A0] =	vst v8  }
0x2b: {  	v14 =	vshrl.u32 v55, $0x13;
	v13 =	vand.u32 $0xFFFFE, v12;
	v0 =	vor.u32 v11, v10;
	[tilespmem:$0x6470] =	vst v53  }
0x2c: {  	v15 =	vor.u32 v14, v13;
	[tilespmem:$0x64B0] =	vst v0  }
0x2d: {  	[tilespmem:$0x64B8] =	vst v15  }
0x2e: {  	[tilespmem:s10], [sflag:$0x1] =	stream.indirect.gather [hbm4b:s3+s8], $0x40, s9, s8, $0xb8;
	[tilespmem:$0x11C70] =	vst v63  }
0x2f: {  	_ = 	snop  }
0x30: {  	[tilespmem:s13], [sflag:$0x1] =	stream.indirect.gather [hbm4b:s3+s11], $0x40, s12, s11, $0xb8;
	[tilespmem:$0x11C70] =	vst v63  }
0x31: {  	v16 =	vld [tilespmem:$0xC8]  }
0x32: {  	v17 =	vld [tilespmem:$0xD8]  }
0x33: {  	v18 =	vld [tilespmem:$0xE8]  }
0x34: {  	v19 =	vld [tilespmem:$0xF8]  }
0x35: {  	v21 =	vld [tilespmem:$0x108]  }
0x36: {  	v23 =	vld [tilespmem:$0x118]  }
0x37: {  	v25 =	vld [tilespmem:$0x128]  }
0x38: {  	v27 =	vld [tilespmem:$0x138]  }
0x39: {  	v20 =	vshll.u32 v16, $0x1;
	v22 =	vshll.u32 v17, $0x1;
	v0 =	vshrl.u32 v16, $0x13  }
0x3a: {  	v30 =	vld [tilespmem:$0x148];
	v1 =	vshrl.u32 v17, $0x13;
	v24 =	vshll.u32 v18, $0x1;
	v2 =	vshrl.u32 v18, $0x13  }
0x3b: {  	v26 =	vshll.u32 v19, $0x1;
	v29 =	vshll.u32 v21, $0x1;
	v3 =	vshrl.u32 v19, $0x13  }
0x3c: {  	v34 =	vld [tilespmem:$0x158];
	v5 =	vshrl.u32 v21, $0x13;
	v33 =	vshll.u32 v23, $0x1;
	v36 =	vshrl.u32 v23, $0x13  }
0x3d: {  	v37 =	vshll.u32 v25, $0x1;
	v40 =	vshll.u32 v27, $0x1;
	v4 =	vand.u32 $0xFFFFE, v20  }
0x3e: {  	v41 =	vshrl.u32 v25, $0x13;
	v6 =	vand.u32 $0xFFFFE, v22;
	v0 =	vor.u32 v0, v4  }
0x3f: {  	v38 =	vld [tilespmem:$0x168];
	v45 =	vshll.u32 v30, $0x1;
	v28 =	vand.u32 $0xFFFFE, v26;
	v1 =	vor.u32 v1, v6;
	[tilespmem:$0x64D0] =	vst v0  }
0x40: {  	v48 =	vshrl.u32 v30, $0x13;
	v8 =	vand.u32 $0xFFFFE, v29;
	v31 =	vor.u32 v3, v28;
	[tilespmem:$0x64E0] =	vst v1  }
0x41: {  	v43 =	vld [tilespmem:$0x178];
	v49 =	vshll.u32 v34, $0x1;
	v47 =	vand.u32 $0xFFFFE, v45;
	v32 =	vor.u32 v5, v8;
	[tilespmem:$0x6500] =	vst v31  }
0x42: {  	v53 =	vshrl.u32 v34, $0x13;
	v51 =	vand.u32 $0xFFFFE, v49;
	v50 =	vor.u32 v48, v47;
	[tilespmem:$0x6510] =	vst v32  }
0x43: {  	v46 =	vld [tilespmem:$0x180];
	v42 =	vshrl.u32 v27, $0x13;
	v4 =	vand.u32 $0xFFFFE, v24;
	v55 =	vor.u32 v53, v51;
	[tilespmem:$0x6550] =	vst v50  }
0x44: {  	v52 =	vshll.u32 v38, $0x1;
	v35 =	vand.u32 $0xFFFFE, v33;
	v2 =	vor.u32 v2, v4;
	[tilespmem:$0x6560] =	vst v55  }
0x45: {  	v54 =	vshrl.u32 v38, $0x13;
	v39 =	vand.u32 $0xFFFFE, v37;
	v1 =	vor.u32 v36, v35;
	[tilespmem:$0x64F0] =	vst v2  }
0x46: {  	v57 =	vshll.u32 v43, $0x1;
	v3 =	vand.u32 $0xFFFFE, v52;
	v0 =	vor.u32 v41, v39;
	[tilespmem:$0x6520] =	vst v1  }
0x47: {  	v59 =	vshrl.u32 v43, $0x13;
	v4 =	vand.u32 $0xFFFFE, v40;
	v56 =	vor.u32 v54, v3;
	[tilespmem:$0x6530] =	vst v0  }
0x48: {  	v60 =	vshll.u32 v46, $0x1;
	v58 =	vand.u32 $0xFFFFE, v57;
	v44 =	vor.u32 v42, v4;
	[tilespmem:$0x6570] =	vst v56  }
0x49: {  	v62 =	vshrl.u32 v46, $0x13;
	v61 =	vand.u32 $0xFFFFE, v60;
	v0 =	vor.u32 v59, v58;
	[tilespmem:$0x6540] =	vst v44  }
0x4a: {  	v63 =	vor.u32 v62, v61;
	[tilespmem:$0x6580] =	vst v0  }
0x4b: {  	[tilespmem:$0x6588] =	vst v63  }
0x4c: {  	[tilespmem:s15], [sflag:$0x2] =	stream.indirect.gather [hbm4b:s3+s8], $0x40, s14, s8, $0xb8;
	[tilespmem:$0x11C70] =	vst v63  }
0x4d: {  	s28 =	simm.s32 $0x0  }
0x4e: {  	[tilespmem:s17], [sflag:$0x2] =	stream.indirect.gather [hbm4b:s3+s11], $0x40, s16, s11, $0xb8;
	[tilespmem:$0x11C70] =	vst v63  }
.LBB2_2:
0x4f: {  	s0 =	smul.u32 $0x3, s28;
	_ =	sdelay $0x1  }
0x50: {  	s29 =	sadd.s32 $0x2, s0  }
0x51: {  	_ =	swait.ge [sflag:s18], $0x3200;
	s0 =	smul.u32 $0x320, s29  }
0x52: {  	[sflag:s18] =	ssyncset.done $0x0  }
0x53: {  	[sflag:s18] =	ssyncadd.s32 $0xFFFFCE00;
	s0 =	sshra.s32 s0, $0x2  }
0x54: {  	v0 =	vld [tilespmem:s0+$0x0];
	_ =	sdelay $0x4  }
0x55: {  	v1 =	vshll.u32 v0, $0x1  }
0x56: {  	v0 =	vshrl.u32 v0, $0x13;
	v1 =	vand.u32 $0xFFFFE, v1  }
0x57: {  	v0 =	vor.u32 v0, v1  }
0x58: {  	[tilespmem:$0x65A0] =	vst v0  }
0x59: {  	v0 =	vld [tilespmem:s0+$0x10];
	_ =	sdelay $0x4  }
0x5a: {  	v1 =	vshll.u32 v0, $0x1  }
0x5b: {  	v0 =	vshrl.u32 v0, $0x13;
	v1 =	vand.u32 $0xFFFFE, v1  }
0x5c: {  	v0 =	vor.u32 v0, v1  }
0x5d: {  	[tilespmem:$0x65B0] =	vst v0  }
0x5e: {  	v0 =	vld [tilespmem:s0+$0x20];
	_ =	sdelay $0x4  }
0x5f: {  	v1 =	vshll.u32 v0, $0x1  }
0x60: {  	v0 =	vshrl.u32 v0, $0x13;
	v1 =	vand.u32 $0xFFFFE, v1  }
0x61: {  	v0 =	vor.u32 v0, v1  }
0x62: {  	[tilespmem:$0x65C0] =	vst v0  }
0x63: {  	v0 =	vld [tilespmem:s0+$0x30];
	_ =	sdelay $0x4  }
0x64: {  	v1 =	vshll.u32 v0, $0x1  }
0x65: {  	v0 =	vshrl.u32 v0, $0x13;
	v1 =	vand.u32 $0xFFFFE, v1  }
0x66: {  	v0 =	vor.u32 v0, v1  }
0x67: {  	[tilespmem:$0x65D0] =	vst v0  }
0x68: {  	v0 =	vld [tilespmem:s0+$0x40];
	_ =	sdelay $0x4  }
0x69: {  	v1 =	vshll.u32 v0, $0x1  }
0x6a: {  	v0 =	vshrl.u32 v0, $0x13;
	v1 =	vand.u32 $0xFFFFE, v1  }
0x6b: {  	v0 =	vor.u32 v0, v1  }
0x6c: {  	[tilespmem:$0x65E0] =	vst v0  }
0x6d: {  	v0 =	vld [tilespmem:s0+$0x50];
	_ =	sdelay $0x4  }
0x6e: {  	v1 =	vshll.u32 v0, $0x1  }
0x6f: {  	v0 =	vshrl.u32 v0, $0x13;
	v1 =	vand.u32 $0xFFFFE, v1  }
0x70: {  	v0 =	vor.u32 v0, v1  }
0x71: {  	[tilespmem:$0x65F0] =	vst v0  }
0x72: {  	v0 =	vld [tilespmem:s0+$0x60];
	_ =	sdelay $0x4  }
0x73: {  	v1 =	vshll.u32 v0, $0x1  }
0x74: {  	v0 =	vshrl.u32 v0, $0x13;
	v1 =	vand.u32 $0xFFFFE, v1  }
0x75: {  	v0 =	vor.u32 v0, v1  }
0x76: {  	[tilespmem:$0x6600] =	vst v0  }
0x77: {  	v0 =	vld [tilespmem:s0+$0x70];
	_ =	sdelay $0x4  }
0x78: {  	v1 =	vshll.u32 v0, $0x1  }
0x79: {  	v0 =	vshrl.u32 v0, $0x13;
	v1 =	vand.u32 $0xFFFFE, v1  }
0x7a: {  	v0 =	vor.u32 v0, v1  }
0x7b: {  	[tilespmem:$0x6610] =	vst v0  }
0x7c: {  	v0 =	vld [tilespmem:s0+$0x80];
	_ =	sdelay $0x4  }
0x7d: {  	v1 =	vshll.u32 v0, $0x1  }
0x7e: {  	v0 =	vshrl.u32 v0, $0x13;
	v1 =	vand.u32 $0xFFFFE, v1  }
0x7f: {  	v0 =	vor.u32 v0, v1  }
0x80: {  	[tilespmem:$0x6620] =	vst v0  }
0x81: {  	v0 =	vld [tilespmem:s0+$0x90];
	_ =	sdelay $0x4  }
0x82: {  	v1 =	vshll.u32 v0, $0x1  }
0x83: {  	v0 =	vshrl.u32 v0, $0x13;
	v1 =	vand.u32 $0xFFFFE, v1  }
0x84: {  	v0 =	vor.u32 v0, v1  }
0x85: {  	[tilespmem:$0x6630] =	vst v0  }
0x86: {  	v0 =	vld [tilespmem:s0+$0xA0];
	_ =	sdelay $0x4  }
0x87: {  	v1 =	vshll.u32 v0, $0x1  }
0x88: {  	v0 =	vshrl.u32 v0, $0x13;
	v1 =	vand.u32 $0xFFFFE, v1  }
0x89: {  	v0 =	vor.u32 v0, v1  }
0x8a: {  	[tilespmem:$0x6640] =	vst v0  }
0x8b: {  	v0 =	vld [tilespmem:s0+$0xB0];
	_ =	sdelay $0x4  }
0x8c: {  	v1 =	vshll.u32 v0, $0x1  }
0x8d: {  	v0 =	vshrl.u32 v0, $0x13;
	v1 =	vand.u32 $0xFFFFE, v1  }
0x8e: {  	v0 =	vor.u32 v0, v1  }
0x8f: {  	[tilespmem:$0x6650] =	vst v0  }
0x90: {  	v0 =	vld [tilespmem:s0+$0xB8];
	_ =	sdelay $0x4  }
0x91: {  	v1 =	vshll.u32 v0, $0x1  }
0x92: {  	v0 =	vshrl.u32 v0, $0x13;
	v1 =	vand.u32 $0xFFFFE, v1  }
0x93: {  	v0 =	vor.u32 v0, v1  }
0x94: {  	[tilespmem:$0x6658] =	vst v0  }
0x95: {  	[tilespmem:s20], [sflag:$0x3] =	stream.indirect.gather [hbm4b:s3+s8], $0x40, s19, s8, $0xb8;
	[tilespmem:$0x11C70] =	vst v63  }
0x96: {  	s31 =	simm.s32 $0x6770  }
0x97: {  	[tilespmem:s22], [sflag:$0x3] =	stream.indirect.gather [hbm4b:s3+s11], $0x40, s21, s11, $0xb8;
	[tilespmem:$0x11C70] =	vst v63  }
0x98: {  	v0 =	vld [tilespmem:s31+$0xC0]  }
0x99: {  	v1 =	vld [tilespmem:s31+$0xD0]  }
0x9a: {  	v2 =	vld [tilespmem:s31+$0x80]  }
0x9b: {  	v3 =	vld [tilespmem:s31+$0x90]  }
0x9c: {  	v9 =	vld [tilespmem:s31+$0x40]  }
0x9d: {  	v12 =	vld [tilespmem:s31+$0x50]  }
0x9e: {  	v6 =	vld [tilespmem:s31+$0x0]  }
0x9f: {  	v8 =	vld [tilespmem:s31+$0x10]  }
0xa0: {  	v5 =	vld [tilespmem:s31+$0xFFFFFFC0]  }
0xa1: {  	v7 =	vld [tilespmem:s31+$0xFFFFFFD0]  }
0xa2: {  	v4 =	vld [tilespmem:s31+$0xFFFFFF80]  }
0xa3: {  	v10 =	vld [tilespmem:s31+$0xFFFFFF90]  }
0xa4: {  	v11 =	vld [tilespmem:s31+$0xFFFFFF40]  }
0xa5: {  	v13 =	vld [tilespmem:s31+$0xFFFFFF50]  }
0xa6: {  	v14 =	vld [tilespmem:s31+$0xFFFFFF00]  }
0xa7: {  	v15 =	vld [tilespmem:s31+$0xFFFFFF10]  }
0xa8: {  	v16 =	vld [tilespmem:s31+$0xFFFFFF20]  }
0xa9: {  	v17 =	vld [tilespmem:s31+$0xFFFFFF30]  }
0xaa: {  	v18 =	vld [tilespmem:s31+$0xFFFFFF60]  }
0xab: {  	v19 =	vld [tilespmem:s31+$0xFFFFFF70]  }
0xac: {  	v20 =	vimm.f32 $0.0e+00;
	v21 =	vld [tilespmem:s31+$0xFFFFFFA0]  }
0xad: {  	v22 =	vld [tilespmem:s31+$0xFFFFFFB0];
	v14 =	vadd.f32 v14, v20;
	v15 =	vadd.f32 v15, v20  }
0xae: {  	v59 =	vld [tilespmem:s31+$0xFFFFFFE0];
	v16 =	vadd.f32 v16, v20;
	v17 =	vadd.f32 v17, v20  }
0xaf: {  	v11 =	vadd.f32 v11, v14;
	v13 =	vadd.f32 v13, v15;
	v14 =	vld [tilespmem:s31+$0xFFFFFFF0]  }
0xb0: {  	v61 =	vld [tilespmem:s31+$0x20];
	v15 =	vadd.f32 v18, v16;
	v60 =	vadd.f32 v19, v17  }
0xb1: {  	v11 =	vadd.f32 v4, v11;
	v10 =	vadd.f32 v10, v13;
	v13 =	vld [tilespmem:s31+$0x30]  }
0xb2: {  	v15 =	vadd.f32 v21, v15;
	v16 =	vadd.f32 v22, v60;
	v4 =	vld [tilespmem:s31+$0x60]  }
0xb3: {  	v11 =	vadd.f32 v5, v11;
	v10 =	vadd.f32 v7, v10;
	v7 =	vld [tilespmem:s31+$0x70]  }
0xb4: {  	v15 =	vadd.f32 v59, v15;
	v5 =	vld [tilespmem:s31+$0xA0];
	v14 =	vadd.f32 v14, v16  }
0xb5: {  	v62 =	vadd.f32 v6, v11;
	v63 =	vadd.f32 v8, v10;
	v8 =	vld [tilespmem:s31+$0xB0]  }
0xb6: {  	v11 =	vadd.f32 v61, v15;
	v6 =	vld [tilespmem:s31+$0xE0];
	v10 =	vadd.f32 v13, v14  }
0xb7: {  	s30 =	simm.s32 $0x0;
	s1 =	simm.s32 $0x6970;
	v13 =	vadd.f32 v9, v62;
	v12 =	vadd.f32 v12, v63;
	v9 =	vld [tilespmem:s31+$0xF0]  }
.LBB2_3:
0xb8: {  	v14 =	vld [tilespmem:s1+$0xC0];
	v4 =	vadd.f32 v4, v11;
	v7 =	vadd.f32 v7, v10  }
0xb9: {  	v10 =	vld [tilespmem:s1+$0xD0];
	v11 =	vadd.f32 v2, v13;
	v12 =	vadd.f32 v3, v12  }
0xba: {  	v2 =	vld [tilespmem:s1+$0x80];
	v4 =	vadd.f32 v5, v4;
	v5 =	vadd.f32 v8, v7  }
0xbb: {  	v3 =	vld [tilespmem:s1+$0x90];
	v7 =	vadd.f32 v0, v11;
	v8 =	vadd.f32 v1, v12  }
0xbc: {  	v12 =	vld [tilespmem:s1+$0x40];
	v4 =	vadd.f32 v6, v4;
	v5 =	vadd.f32 v9, v5  }
0xbd: {  	v9 =	vld [tilespmem:s1+$0x50];
	v0 =	vmov v14  }
0xbe: {  	v6 =	vld [tilespmem:s1+$0x0];
	v1 =	vmov v10  }
0xbf: {  	v10 =	vld [tilespmem:s1+$0x10]  }
0xc0: {  	v11 =	vld [tilespmem:s1+$0xFFFFFFC0]  }
0xc1: {  	v13 =	vld [tilespmem:s1+$0xFFFFFFD0]  }
0xc2: {  	v14 =	vld [tilespmem:s1+$0xFFFFFF80]  }
0xc3: {  	v15 =	vld [tilespmem:s1+$0xFFFFFF90]  }
0xc4: {  	v16 =	vld [tilespmem:s1+$0xFFFFFF40]  }
0xc5: {  	v17 =	vld [tilespmem:s1+$0xFFFFFF50]  }
0xc6: {  	v18 =	vld [tilespmem:s1+$0xFFFFFF00]  }
0xc7: {  	v19 =	vld [tilespmem:s1+$0xFFFFFF10]  }
0xc8: {  	v20 =	vld [tilespmem:s1+$0xFFFFFF20]  }
0xc9: {  	s30 =	sadd.s32 $0x8, s30;
	v21 =	vld [tilespmem:s1+$0xFFFFFF30]  }
0xca: {  	p0 =	slt.u32 s30, $0xC0;
	v22 =	vld [tilespmem:s1+$0xFFFFFF60]  }
0xcb: {  	v23 =	vld [tilespmem:s1+$0xFFFFFF70]  }
0xcc: {  	v24 =	vld [tilespmem:s1+$0xFFFFFFA0]  }
0xcd: {  	v7 =	vadd.f32 v18, v7;
	v8 =	vadd.f32 v19, v8;
	v18 =	vld [tilespmem:s1+$0xFFFFFFB0]  }
0xce: {  	v4 =	vadd.f32 v20, v4;
	v5 =	vadd.f32 v21, v5;
	v19 =	vld [tilespmem:s1+$0xFFFFFFE0]  }
0xcf: {  	v7 =	vadd.f32 v16, v7;
	v8 =	vadd.f32 v17, v8;
	v16 =	vld [tilespmem:s1+$0xFFFFFFF0]  }
0xd0: {  	v4 =	vadd.f32 v22, v4;
	v5 =	vadd.f32 v23, v5;
	v17 =	vld [tilespmem:s1+$0x20]  }
0xd1: {  	v7 =	vadd.f32 v14, v7;
	v8 =	vadd.f32 v15, v8;
	v14 =	vld [tilespmem:s1+$0x30]  }
0xd2: {  	v15 =	vadd.f32 v24, v4;
	v5 =	vadd.f32 v18, v5;
	v4 =	vld [tilespmem:s1+$0x60]  }
.Ltmp0:
0xd3: {  	v11 =	vadd.f32 v11, v7;
	v8 =	vadd.f32 v13, v8;
	v7 =	vld [tilespmem:s1+$0x70];
	(pc) =	sbr.rel @p0 .LBB2_3-.Ltmp0, $4  }
0xd4: {  	v13 =	vadd.f32 v19, v15;
	v15 =	vadd.f32 v16, v5;
	v5 =	vld [tilespmem:s1+$0xA0]  }
0xd5: {  	v16 =	vadd.f32 v6, v11;
	v18 =	vadd.f32 v10, v8;
	v8 =	vld [tilespmem:s1+$0xB0]  }
0xd6: {  	v11 =	vadd.f32 v17, v13;
	v10 =	vadd.f32 v14, v15;
	v6 =	vld [tilespmem:s1+$0xE0]  }
0xd7: {  	v13 =	vadd.f32 v12, v16;
	v12 =	vadd.f32 v9, v18;
	v9 =	vld [tilespmem:s1+$0xF0];
	s1 =	sadd.s32 $0x200, s1  }
0xd8: {  	_ = 	snop  }
0xd9: {  	v4 =	vadd.f32 v4, v11;
	v2 =	vadd.f32 v2, v13  }
0xda: {  	v7 =	vadd.f32 v7, v10;
	s0 =	smul.u32 $0x300, s28;
	v3 =	vadd.f32 v3, v12  }
0xdb: {  	v4 =	vadd.f32 v5, v4;
	v0 =	vadd.f32 v0, v2  }
0xdc: {  	s31 =	sshra.s32 s0, $0x2;
	v2 =	vadd.f32 v8, v7;
	v1 =	vadd.f32 v1, v3  }
0xdd: {  	v3 =	vadd.f32 v6, v4;
	[tilespmem:s31+$0xFC70] =	vst v0  }
0xde: {  	v0 =	vadd.f32 v9, v2;
	[tilespmem:s31+$0xFC80] =	vst v1  }
0xdf: {  	[tilespmem:s31+$0xFC90] =	vst v3  }
0xe0: {  	[tilespmem:s31+$0xFCA0] =	vst v0  }
0xe1: {  	s1 =	smul.u32 $0x960, s28;
	_ =	swait.ge [sflag:s23], $0x3200  }
0xe2: {  	[sflag:s23] =	ssyncset.done $0x0  }
0xe3: {  	s30 =	sshra.s32 s1, $0x2;
	[sflag:s23] =	ssyncadd.s32 $0xFFFFCE00  }
0xe4: {  	v0 =	vld [tilespmem:s30+$0x258];
	_ =	sdelay $0x4  }
0xe5: {  	v1 =	vshll.u32 v0, $0x1  }
0xe6: {  	v0 =	vshrl.u32 v0, $0x13;
	v1 =	vand.u32 $0xFFFFE, v1  }
0xe7: {  	v0 =	vor.u32 v0, v1  }
0xe8: {  	[tilespmem:$0x6400] =	vst v0  }
0xe9: {  	v0 =	vld [tilespmem:s30+$0x268];
	_ =	sdelay $0x4  }
0xea: {  	v1 =	vshll.u32 v0, $0x1  }
0xeb: {  	v0 =	vshrl.u32 v0, $0x13;
	v1 =	vand.u32 $0xFFFFE, v1  }
0xec: {  	v0 =	vor.u32 v0, v1  }
0xed: {  	[tilespmem:$0x6410] =	vst v0  }
0xee: {  	v0 =	vld [tilespmem:s30+$0x278];
	_ =	sdelay $0x4  }
0xef: {  	v1 =	vshll.u32 v0, $0x1  }
0xf0: {  	v0 =	vshrl.u32 v0, $0x13;
	v1 =	vand.u32 $0xFFFFE, v1  }
0xf1: {  	v0 =	vor.u32 v0, v1  }
0xf2: {  	[tilespmem:$0x6420] =	vst v0  }
0xf3: {  	v0 =	vld [tilespmem:s30+$0x288];
	_ =	sdelay $0x4  }
0xf4: {  	v1 =	vshll.u32 v0, $0x1  }
0xf5: {  	v0 =	vshrl.u32 v0, $0x13;
	v1 =	vand.u32 $0xFFFFE, v1  }
0xf6: {  	v0 =	vor.u32 v0, v1  }
0xf7: {  	[tilespmem:$0x6430] =	vst v0  }
0xf8: {  	v0 =	vld [tilespmem:s30+$0x298];
	_ =	sdelay $0x4  }
0xf9: {  	v1 =	vshll.u32 v0, $0x1  }
0xfa: {  	v0 =	vshrl.u32 v0, $0x13;
	v1 =	vand.u32 $0xFFFFE, v1  }
0xfb: {  	v0 =	vor.u32 v0, v1  }
0xfc: {  	[tilespmem:$0x6440] =	vst v0  }
0xfd: {  	v0 =	vld [tilespmem:s30+$0x2A8];
	_ =	sdelay $0x4  }
0xfe: {  	v1 =	vshll.u32 v0, $0x1  }
0xff: {  	v0 =	vshrl.u32 v0, $0x13;
	v1 =	vand.u32 $0xFFFFE, v1  }
0x100: {  	v0 =	vor.u32 v0, v1  }
0x101: {  	[tilespmem:$0x6450] =	vst v0  }
0x102: {  	v0 =	vld [tilespmem:s30+$0x2B8];
	_ =	sdelay $0x4  }
0x103: {  	v1 =	vshll.u32 v0, $0x1  }
0x104: {  	v0 =	vshrl.u32 v0, $0x13;
	v1 =	vand.u32 $0xFFFFE, v1  }
0x105: {  	v0 =	vor.u32 v0, v1  }
0x106: {  	[tilespmem:$0x6460] =	vst v0  }
0x107: {  	v0 =	vld [tilespmem:s30+$0x2C8];
	_ =	sdelay $0x4  }
0x108: {  	v1 =	vshll.u32 v0, $0x1  }
0x109: {  	v0 =	vshrl.u32 v0, $0x13;
	v1 =	vand.u32 $0xFFFFE, v1  }
0x10a: {  	v0 =	vor.u32 v0, v1  }
0x10b: {  	[tilespmem:$0x6470] =	vst v0  }
0x10c: {  	v0 =	vld [tilespmem:s30+$0x2D8];
	_ =	sdelay $0x4  }
0x10d: {  	v1 =	vshll.u32 v0, $0x1  }
0x10e: {  	v0 =	vshrl.u32 v0, $0x13;
	v1 =	vand.u32 $0xFFFFE, v1  }
0x10f: {  	v0 =	vor.u32 v0, v1  }
0x110: {  	[tilespmem:$0x6480] =	vst v0  }
0x111: {  	v0 =	vld [tilespmem:s30+$0x2E8];
	_ =	sdelay $0x4  }
0x112: {  	v1 =	vshll.u32 v0, $0x1  }
0x113: {  	v0 =	vshrl.u32 v0, $0x13;
	v1 =	vand.u32 $0xFFFFE, v1  }
0x114: {  	v0 =	vor.u32 v0, v1  }
0x115: {  	[tilespmem:$0x6490] =	vst v0  }
0x116: {  	v0 =	vld [tilespmem:s30+$0x2F8];
	_ =	sdelay $0x4  }
0x117: {  	v1 =	vshll.u32 v0, $0x1  }
0x118: {  	v0 =	vshrl.u32 v0, $0x13;
	v1 =	vand.u32 $0xFFFFE, v1  }
0x119: {  	v0 =	vor.u32 v0, v1  }
0x11a: {  	[tilespmem:$0x64A0] =	vst v0  }
0x11b: {  	v0 =	vld [tilespmem:s30+$0x308];
	_ =	sdelay $0x4  }
0x11c: {  	v1 =	vshll.u32 v0, $0x1  }
0x11d: {  	v0 =	vshrl.u32 v0, $0x13;
	v1 =	vand.u32 $0xFFFFE, v1  }
0x11e: {  	v0 =	vor.u32 v0, v1  }
0x11f: {  	[tilespmem:$0x64B0] =	vst v0  }
0x120: {  	v0 =	vld [tilespmem:s30+$0x310];
	_ =	sdelay $0x4  }
0x121: {  	v1 =	vshll.u32 v0, $0x1  }
0x122: {  	v0 =	vshrl.u32 v0, $0x13;
	v1 =	vand.u32 $0xFFFFE, v1  }
0x123: {  	v0 =	vor.u32 v0, v1  }
0x124: {  	[tilespmem:$0x64B8] =	vst v0  }
0x125: {  	[tilespmem:s10], [sflag:$0x1] =	stream.indirect.gather [hbm4b:s3+s8], $0x40, s9, s8, $0xb8;
	[tilespmem:$0x11C70] =	vst v63  }
0x126: {  	s0 =	simm.s32 $0x9A60  }
0x127: {  	[tilespmem:s13], [sflag:$0x1] =	stream.indirect.gather [hbm4b:s3+s11], $0x40, s12, s11, $0xb8;
	[tilespmem:$0x11C70] =	vst v63  }
0x128: {  	v0 =	vld [tilespmem:s0+$0xFFFFFFD0]  }
0x129: {  	v1 =	vld [tilespmem:s0+$0xFFFFFFE0]  }
0x12a: {  	v2 =	vld [tilespmem:s0+$0xFFFFFF90]  }
0x12b: {  	v3 =	vld [tilespmem:s0+$0xFFFFFFA0]  }
0x12c: {  	v9 =	vld [tilespmem:s0+$0xFFFFFF50]  }
0x12d: {  	v12 =	vld [tilespmem:s0+$0xFFFFFF60]  }
0x12e: {  	v7 =	vld [tilespmem:s0+$0xFFFFFF10]  }
0x12f: {  	v8 =	vld [tilespmem:s0+$0xFFFFFF20]  }
0x130: {  	v5 =	vld [tilespmem:s0+$0xFFFFFED0]  }
0x131: {  	v6 =	vld [tilespmem:s0+$0xFFFFFEE0]  }
0x132: {  	v4 =	vld [tilespmem:s0+$0xFFFFFE90]  }
0x133: {  	v10 =	vld [tilespmem:s0+$0xFFFFFEA0]  }
0x134: {  	v11 =	vld [tilespmem:s0+$0xFFFFFE50]  }
0x135: {  	v13 =	vld [tilespmem:s0+$0xFFFFFE60]  }
0x136: {  	v14 =	vld [tilespmem:s0+$0xFFFFFE10]  }
0x137: {  	v15 =	vld [tilespmem:s0+$0xFFFFFE20]  }
0x138: {  	v16 =	vld [tilespmem:s0+$0xFFFFFE30]  }
0x139: {  	v17 =	vld [tilespmem:s0+$0xFFFFFE40]  }
0x13a: {  	v18 =	vld [tilespmem:s0+$0xFFFFFE70]  }
0x13b: {  	v19 =	vld [tilespmem:s0+$0xFFFFFE80]  }
0x13c: {  	v20 =	vimm.f32 $0.0e+00;
	v21 =	vld [tilespmem:s0+$0xFFFFFEB0]  }
0x13d: {  	v22 =	vld [tilespmem:s0+$0xFFFFFEC0];
	v14 =	vadd.f32 v14, v20;
	v15 =	vadd.f32 v15, v20  }
0x13e: {  	v59 =	vld [tilespmem:s0+$0xFFFFFEF0];
	v16 =	vadd.f32 v16, v20;
	v17 =	vadd.f32 v17, v20  }
0x13f: {  	v11 =	vadd.f32 v11, v14;
	v13 =	vadd.f32 v13, v15;
	v14 =	vld [tilespmem:s0+$0xFFFFFF00]  }
0x140: {  	v61 =	vld [tilespmem:s0+$0xFFFFFF30];
	v15 =	vadd.f32 v18, v16;
	v60 =	vadd.f32 v19, v17  }
0x141: {  	v11 =	vadd.f32 v4, v11;
	v10 =	vadd.f32 v10, v13;
	v13 =	vld [tilespmem:s0+$0xFFFFFF40]  }
0x142: {  	v15 =	vadd.f32 v21, v15;
	v16 =	vadd.f32 v22, v60;
	v4 =	vld [tilespmem:s0+$0xFFFFFF70]  }
0x143: {  	v11 =	vadd.f32 v5, v11;
	v10 =	vadd.f32 v6, v10;
	v6 =	vld [tilespmem:s0+$0xFFFFFF80]  }
0x144: {  	v15 =	vadd.f32 v59, v15;
	v5 =	vld [tilespmem:s0+$0xFFFFFFB0];
	v14 =	vadd.f32 v14, v16  }
0x145: {  	v62 =	vadd.f32 v7, v11;
	v63 =	vadd.f32 v8, v10;
	v8 =	vld [tilespmem:s0+$0xFFFFFFC0]  }
0x146: {  	v11 =	vadd.f32 v61, v15;
	v7 =	vld [tilespmem:s0+$0xFFFFFFF0];
	v10 =	vadd.f32 v13, v14  }
0x147: {  	s1 =	simm.s32 $0x0;
	v13 =	vadd.f32 v9, v62;
	v12 =	vadd.f32 v12, v63;
	v9 =	vld [tilespmem:s0+$0x0];
	s0 =	simm.s32 $0x9C60  }
.LBB2_5:
0x148: {  	v14 =	vld [tilespmem:s0+$0xFFFFFFD0];
	v4 =	vadd.f32 v4, v11;
	v6 =	vadd.f32 v6, v10  }
0x149: {  	v10 =	vld [tilespmem:s0+$0xFFFFFFE0];
	v11 =	vadd.f32 v2, v13;
	v12 =	vadd.f32 v3, v12  }
0x14a: {  	v2 =	vld [tilespmem:s0+$0xFFFFFF90];
	v4 =	vadd.f32 v5, v4;
	v5 =	vadd.f32 v8, v6  }
0x14b: {  	v3 =	vld [tilespmem:s0+$0xFFFFFFA0];
	v6 =	vadd.f32 v0, v11;
	v8 =	vadd.f32 v1, v12  }
0x14c: {  	v12 =	vld [tilespmem:s0+$0xFFFFFF50];
	v4 =	vadd.f32 v7, v4;
	v5 =	vadd.f32 v9, v5  }
0x14d: {  	v9 =	vld [tilespmem:s0+$0xFFFFFF60];
	v0 =	vmov v14  }
0x14e: {  	v7 =	vld [tilespmem:s0+$0xFFFFFF10];
	v1 =	vmov v10  }
0x14f: {  	v10 =	vld [tilespmem:s0+$0xFFFFFF20]  }
0x150: {  	v11 =	vld [tilespmem:s0+$0xFFFFFED0]  }
0x151: {  	v13 =	vld [tilespmem:s0+$0xFFFFFEE0]  }
0x152: {  	v14 =	vld [tilespmem:s0+$0xFFFFFE90]  }
0x153: {  	v15 =	vld [tilespmem:s0+$0xFFFFFEA0]  }
0x154: {  	v16 =	vld [tilespmem:s0+$0xFFFFFE50]  }
0x155: {  	v17 =	vld [tilespmem:s0+$0xFFFFFE60]  }
0x156: {  	v18 =	vld [tilespmem:s0+$0xFFFFFE10]  }
0x157: {  	v19 =	vld [tilespmem:s0+$0xFFFFFE20]  }
0x158: {  	v20 =	vld [tilespmem:s0+$0xFFFFFE30]  }
0x159: {  	s1 =	sadd.s32 $0x8, s1;
	v21 =	vld [tilespmem:s0+$0xFFFFFE40]  }
0x15a: {  	p0 =	slt.u32 s1, $0xC0;
	v22 =	vld [tilespmem:s0+$0xFFFFFE70]  }
0x15b: {  	v23 =	vld [tilespmem:s0+$0xFFFFFE80]  }
0x15c: {  	v24 =	vld [tilespmem:s0+$0xFFFFFEB0]  }
0x15d: {  	v6 =	vadd.f32 v18, v6;
	v8 =	vadd.f32 v19, v8;
	v18 =	vld [tilespmem:s0+$0xFFFFFEC0]  }
0x15e: {  	v4 =	vadd.f32 v20, v4;
	v5 =	vadd.f32 v21, v5;
	v19 =	vld [tilespmem:s0+$0xFFFFFEF0]  }
0x15f: {  	v6 =	vadd.f32 v16, v6;
	v8 =	vadd.f32 v17, v8;
	v16 =	vld [tilespmem:s0+$0xFFFFFF00]  }
0x160: {  	v4 =	vadd.f32 v22, v4;
	v5 =	vadd.f32 v23, v5;
	v17 =	vld [tilespmem:s0+$0xFFFFFF30]  }
0x161: {  	v6 =	vadd.f32 v14, v6;
	v8 =	vadd.f32 v15, v8;
	v14 =	vld [tilespmem:s0+$0xFFFFFF40]  }
0x162: {  	v15 =	vadd.f32 v24, v4;
	v5 =	vadd.f32 v18, v5;
	v4 =	vld [tilespmem:s0+$0xFFFFFF70]  }
.Ltmp1:
0x163: {  	v11 =	vadd.f32 v11, v6;
	v8 =	vadd.f32 v13, v8;
	v6 =	vld [tilespmem:s0+$0xFFFFFF80];
	(pc) =	sbr.rel @p0 .LBB2_5-.Ltmp1, $4  }
0x164: {  	v13 =	vadd.f32 v19, v15;
	v15 =	vadd.f32 v16, v5;
	v5 =	vld [tilespmem:s0+$0xFFFFFFB0]  }
0x165: {  	v16 =	vadd.f32 v7, v11;
	v18 =	vadd.f32 v10, v8;
	v8 =	vld [tilespmem:s0+$0xFFFFFFC0]  }
0x166: {  	v11 =	vadd.f32 v17, v13;
	v10 =	vadd.f32 v14, v15;
	v7 =	vld [tilespmem:s0+$0xFFFFFFF0]  }
0x167: {  	v13 =	vadd.f32 v12, v16;
	v12 =	vadd.f32 v9, v18;
	v9 =	vld [tilespmem:s0+$0x0];
	s0 =	sadd.s32 $0x200, s0  }
0x168: {  	_ = 	snop  }
0x169: {  	v4 =	vadd.f32 v4, v11;
	v2 =	vadd.f32 v2, v13  }
0x16a: {  	v6 =	vadd.f32 v6, v10;
	v3 =	vadd.f32 v3, v12  }
0x16b: {  	v4 =	vadd.f32 v5, v4;
	v0 =	vadd.f32 v0, v2  }
0x16c: {  	v2 =	vadd.f32 v8, v6;
	v1 =	vadd.f32 v1, v3  }
0x16d: {  	v3 =	vadd.f32 v7, v4;
	[tilespmem:s31+$0xFCB0] =	vst v0  }
0x16e: {  	v0 =	vadd.f32 v9, v2;
	[tilespmem:s31+$0xFCC0] =	vst v1  }
0x16f: {  	[tilespmem:s31+$0xFCD0] =	vst v3  }
0x170: {  	[tilespmem:s31+$0xFCE0] =	vst v0  }
0x171: {  	_ =	swait.ge [sflag:s24], $0x3200  }
0x172: {  	[sflag:s24] =	ssyncset.done $0x0  }
0x173: {  	[sflag:s24] =	ssyncadd.s32 $0xFFFFCE00  }
0x174: {  	v0 =	vld [tilespmem:s30+$0x320];
	_ =	sdelay $0x4  }
0x175: {  	v1 =	vshll.u32 v0, $0x1  }
0x176: {  	v0 =	vshrl.u32 v0, $0x13;
	v1 =	vand.u32 $0xFFFFE, v1  }
0x177: {  	v0 =	vor.u32 v0, v1  }
0x178: {  	[tilespmem:$0x64D0] =	vst v0  }
0x179: {  	v0 =	vld [tilespmem:s30+$0x330];
	_ =	sdelay $0x4  }
0x17a: {  	v1 =	vshll.u32 v0, $0x1  }
0x17b: {  	v0 =	vshrl.u32 v0, $0x13;
	v1 =	vand.u32 $0xFFFFE, v1  }
0x17c: {  	v0 =	vor.u32 v0, v1  }
0x17d: {  	[tilespmem:$0x64E0] =	vst v0  }
0x17e: {  	v0 =	vld [tilespmem:s30+$0x340];
	_ =	sdelay $0x4  }
0x17f: {  	v1 =	vshll.u32 v0, $0x1  }
0x180: {  	v0 =	vshrl.u32 v0, $0x13;
	v1 =	vand.u32 $0xFFFFE, v1  }
0x181: {  	v0 =	vor.u32 v0, v1  }
0x182: {  	[tilespmem:$0x64F0] =	vst v0  }
0x183: {  	v0 =	vld [tilespmem:s30+$0x350];
	_ =	sdelay $0x4  }
0x184: {  	v1 =	vshll.u32 v0, $0x1  }
0x185: {  	v0 =	vshrl.u32 v0, $0x13;
	v1 =	vand.u32 $0xFFFFE, v1  }
0x186: {  	v0 =	vor.u32 v0, v1  }
0x187: {  	[tilespmem:$0x6500] =	vst v0  }
0x188: {  	v0 =	vld [tilespmem:s30+$0x360];
	_ =	sdelay $0x4  }
0x189: {  	v1 =	vshll.u32 v0, $0x1  }
0x18a: {  	v0 =	vshrl.u32 v0, $0x13;
	v1 =	vand.u32 $0xFFFFE, v1  }
0x18b: {  	v0 =	vor.u32 v0, v1  }
0x18c: {  	[tilespmem:$0x6510] =	vst v0  }
0x18d: {  	v0 =	vld [tilespmem:s30+$0x370];
	_ =	sdelay $0x4  }
0x18e: {  	v1 =	vshll.u32 v0, $0x1  }
0x18f: {  	v0 =	vshrl.u32 v0, $0x13;
	v1 =	vand.u32 $0xFFFFE, v1  }
0x190: {  	v0 =	vor.u32 v0, v1  }
0x191: {  	[tilespmem:$0x6520] =	vst v0  }
0x192: {  	v0 =	vld [tilespmem:s30+$0x380];
	_ =	sdelay $0x4  }
0x193: {  	v1 =	vshll.u32 v0, $0x1  }
0x194: {  	v0 =	vshrl.u32 v0, $0x13;
	v1 =	vand.u32 $0xFFFFE, v1  }
0x195: {  	v0 =	vor.u32 v0, v1  }
0x196: {  	[tilespmem:$0x6530] =	vst v0  }
0x197: {  	v0 =	vld [tilespmem:s30+$0x390];
	_ =	sdelay $0x4  }
0x198: {  	v1 =	vshll.u32 v0, $0x1  }
0x199: {  	v0 =	vshrl.u32 v0, $0x13;
	v1 =	vand.u32 $0xFFFFE, v1  }
0x19a: {  	v0 =	vor.u32 v0, v1  }
0x19b: {  	[tilespmem:$0x6540] =	vst v0  }
0x19c: {  	v0 =	vld [tilespmem:s30+$0x3A0];
	_ =	sdelay $0x4  }
0x19d: {  	v1 =	vshll.u32 v0, $0x1  }
0x19e: {  	v0 =	vshrl.u32 v0, $0x13;
	v1 =	vand.u32 $0xFFFFE, v1  }
0x19f: {  	v0 =	vor.u32 v0, v1  }
0x1a0: {  	[tilespmem:$0x6550] =	vst v0  }
0x1a1: {  	v0 =	vld [tilespmem:s30+$0x3B0];
	_ =	sdelay $0x4  }
0x1a2: {  	v1 =	vshll.u32 v0, $0x1  }
0x1a3: {  	v0 =	vshrl.u32 v0, $0x13;
	v1 =	vand.u32 $0xFFFFE, v1  }
0x1a4: {  	v0 =	vor.u32 v0, v1  }
0x1a5: {  	[tilespmem:$0x6560] =	vst v0  }
0x1a6: {  	v0 =	vld [tilespmem:s30+$0x3C0];
	_ =	sdelay $0x4  }
0x1a7: {  	v1 =	vshll.u32 v0, $0x1  }
0x1a8: {  	v0 =	vshrl.u32 v0, $0x13;
	v1 =	vand.u32 $0xFFFFE, v1  }
0x1a9: {  	v0 =	vor.u32 v0, v1  }
0x1aa: {  	[tilespmem:$0x6570] =	vst v0  }
0x1ab: {  	v0 =	vld [tilespmem:s30+$0x3D0];
	_ =	sdelay $0x4  }
0x1ac: {  	v1 =	vshll.u32 v0, $0x1  }
0x1ad: {  	v0 =	vshrl.u32 v0, $0x13;
	v1 =	vand.u32 $0xFFFFE, v1  }
0x1ae: {  	v0 =	vor.u32 v0, v1  }
0x1af: {  	[tilespmem:$0x6580] =	vst v0  }
0x1b0: {  	v0 =	vld [tilespmem:s30+$0x3D8];
	_ =	sdelay $0x4  }
0x1b1: {  	v1 =	vshll.u32 v0, $0x1  }
0x1b2: {  	v0 =	vshrl.u32 v0, $0x13;
	v1 =	vand.u32 $0xFFFFE, v1  }
0x1b3: {  	v0 =	vor.u32 v0, v1  }
0x1b4: {  	[tilespmem:$0x6588] =	vst v0  }
0x1b5: {  	[tilespmem:s15], [sflag:$0x2] =	stream.indirect.gather [hbm4b:s3+s8], $0x40, s14, s8, $0xb8;
	[tilespmem:$0x11C70] =	vst v63  }
0x1b6: {  	s0 =	simm.s32 $0xCA70  }
0x1b7: {  	[tilespmem:s17], [sflag:$0x2] =	stream.indirect.gather [hbm4b:s3+s11], $0x40, s16, s11, $0xb8;
	[tilespmem:$0x11C70] =	vst v63  }
0x1b8: {  	v0 =	vld [tilespmem:s0+$0x1C0]  }
0x1b9: {  	v1 =	vld [tilespmem:s0+$0x1D0]  }
0x1ba: {  	v2 =	vld [tilespmem:s0+$0x180]  }
0x1bb: {  	v3 =	vld [tilespmem:s0+$0x190]  }
0x1bc: {  	v9 =	vld [tilespmem:s0+$0x140]  }
0x1bd: {  	v12 =	vld [tilespmem:s0+$0x150]  }
0x1be: {  	v6 =	vld [tilespmem:s0+$0x100]  }
0x1bf: {  	v8 =	vld [tilespmem:s0+$0x110]  }
0x1c0: {  	v5 =	vld [tilespmem:s0+$0xC0]  }
0x1c1: {  	v7 =	vld [tilespmem:s0+$0xD0]  }
0x1c2: {  	v4 =	vld [tilespmem:s0+$0x80]  }
0x1c3: {  	v10 =	vld [tilespmem:s0+$0x90]  }
0x1c4: {  	v11 =	vld [tilespmem:s0+$0x40]  }
0x1c5: {  	v13 =	vld [tilespmem:s0+$0x50]  }
0x1c6: {  	v14 =	vld [tilespmem:s0+$0x0]  }
0x1c7: {  	v15 =	vld [tilespmem:s0+$0x10]  }
0x1c8: {  	v16 =	vld [tilespmem:s0+$0x20]  }
0x1c9: {  	v17 =	vld [tilespmem:s0+$0x30]  }
0x1ca: {  	v18 =	vld [tilespmem:s0+$0x60]  }
0x1cb: {  	v19 =	vld [tilespmem:s0+$0x70]  }
0x1cc: {  	v20 =	vimm.f32 $0.0e+00;
	v21 =	vld [tilespmem:s0+$0xA0]  }
0x1cd: {  	v22 =	vld [tilespmem:s0+$0xB0];
	v14 =	vadd.f32 v14, v20;
	v15 =	vadd.f32 v15, v20  }
0x1ce: {  	v59 =	vld [tilespmem:s0+$0xE0];
	v16 =	vadd.f32 v16, v20;
	v17 =	vadd.f32 v17, v20  }
0x1cf: {  	v11 =	vadd.f32 v11, v14;
	v13 =	vadd.f32 v13, v15;
	v14 =	vld [tilespmem:s0+$0xF0]  }
0x1d0: {  	v61 =	vld [tilespmem:s0+$0x120];
	v15 =	vadd.f32 v18, v16;
	v60 =	vadd.f32 v19, v17  }
0x1d1: {  	v11 =	vadd.f32 v4, v11;
	v10 =	vadd.f32 v10, v13;
	v13 =	vld [tilespmem:s0+$0x130]  }
0x1d2: {  	v15 =	vadd.f32 v21, v15;
	v16 =	vadd.f32 v22, v60;
	v4 =	vld [tilespmem:s0+$0x160]  }
0x1d3: {  	v11 =	vadd.f32 v5, v11;
	v10 =	vadd.f32 v7, v10;
	v7 =	vld [tilespmem:s0+$0x170]  }
0x1d4: {  	v15 =	vadd.f32 v59, v15;
	v5 =	vld [tilespmem:s0+$0x1A0];
	v14 =	vadd.f32 v14, v16  }
0x1d5: {  	v62 =	vadd.f32 v6, v11;
	v63 =	vadd.f32 v8, v10;
	v8 =	vld [tilespmem:s0+$0x1B0]  }
0x1d6: {  	v11 =	vadd.f32 v61, v15;
	v6 =	vld [tilespmem:s0+$0x1E0];
	v10 =	vadd.f32 v13, v14  }
0x1d7: {  	s1 =	simm.s32 $0x0;
	v13 =	vadd.f32 v9, v62;
	v12 =	vadd.f32 v12, v63;
	v9 =	vld [tilespmem:s0+$0x1F0];
	s0 =	simm.s32 $0xCC70  }
.LBB2_7:
0x1d8: {  	v14 =	vld [tilespmem:s0+$0x1C0];
	v4 =	vadd.f32 v4, v11;
	v7 =	vadd.f32 v7, v10  }
0x1d9: {  	v10 =	vld [tilespmem:s0+$0x1D0];
	v11 =	vadd.f32 v2, v13;
	v12 =	vadd.f32 v3, v12  }
0x1da: {  	v2 =	vld [tilespmem:s0+$0x180];
	v4 =	vadd.f32 v5, v4;
	v5 =	vadd.f32 v8, v7  }
0x1db: {  	v3 =	vld [tilespmem:s0+$0x190];
	v7 =	vadd.f32 v0, v11;
	v8 =	vadd.f32 v1, v12  }
0x1dc: {  	v12 =	vld [tilespmem:s0+$0x140];
	v4 =	vadd.f32 v6, v4;
	v5 =	vadd.f32 v9, v5  }
0x1dd: {  	v9 =	vld [tilespmem:s0+$0x150];
	v0 =	vmov v14  }
0x1de: {  	v6 =	vld [tilespmem:s0+$0x100];
	v1 =	vmov v10  }
0x1df: {  	v10 =	vld [tilespmem:s0+$0x110]  }
0x1e0: {  	v11 =	vld [tilespmem:s0+$0xC0]  }
0x1e1: {  	v13 =	vld [tilespmem:s0+$0xD0]  }
0x1e2: {  	v14 =	vld [tilespmem:s0+$0x80]  }
0x1e3: {  	v15 =	vld [tilespmem:s0+$0x90]  }
0x1e4: {  	v16 =	vld [tilespmem:s0+$0x40]  }
0x1e5: {  	v17 =	vld [tilespmem:s0+$0x50]  }
0x1e6: {  	v18 =	vld [tilespmem:s0+$0x0]  }
0x1e7: {  	v19 =	vld [tilespmem:s0+$0x10]  }
0x1e8: {  	v20 =	vld [tilespmem:s0+$0x20]  }
0x1e9: {  	s1 =	sadd.s32 $0x8, s1;
	v21 =	vld [tilespmem:s0+$0x30]  }
0x1ea: {  	p0 =	slt.u32 s1, $0xC0;
	v22 =	vld [tilespmem:s0+$0x60]  }
0x1eb: {  	v23 =	vld [tilespmem:s0+$0x70]  }
0x1ec: {  	v24 =	vld [tilespmem:s0+$0xA0]  }
0x1ed: {  	v7 =	vadd.f32 v18, v7;
	v8 =	vadd.f32 v19, v8;
	v18 =	vld [tilespmem:s0+$0xB0]  }
0x1ee: {  	v4 =	vadd.f32 v20, v4;
	v5 =	vadd.f32 v21, v5;
	v19 =	vld [tilespmem:s0+$0xE0]  }
0x1ef: {  	v7 =	vadd.f32 v16, v7;
	v8 =	vadd.f32 v17, v8;
	v16 =	vld [tilespmem:s0+$0xF0]  }
0x1f0: {  	v4 =	vadd.f32 v22, v4;
	v5 =	vadd.f32 v23, v5;
	v17 =	vld [tilespmem:s0+$0x120]  }
0x1f1: {  	v7 =	vadd.f32 v14, v7;
	v8 =	vadd.f32 v15, v8;
	v14 =	vld [tilespmem:s0+$0x130]  }
0x1f2: {  	v15 =	vadd.f32 v24, v4;
	v5 =	vadd.f32 v18, v5;
	v4 =	vld [tilespmem:s0+$0x160]  }
.Ltmp2:
0x1f3: {  	v11 =	vadd.f32 v11, v7;
	v8 =	vadd.f32 v13, v8;
	v7 =	vld [tilespmem:s0+$0x170];
	(pc) =	sbr.rel @p0 .LBB2_7-.Ltmp2, $4  }
0x1f4: {  	v13 =	vadd.f32 v19, v15;
	v15 =	vadd.f32 v16, v5;
	v5 =	vld [tilespmem:s0+$0x1A0]  }
0x1f5: {  	v16 =	vadd.f32 v6, v11;
	v18 =	vadd.f32 v10, v8;
	v8 =	vld [tilespmem:s0+$0x1B0]  }
0x1f6: {  	v11 =	vadd.f32 v17, v13;
	v10 =	vadd.f32 v14, v15;
	v6 =	vld [tilespmem:s0+$0x1E0]  }
0x1f7: {  	v13 =	vadd.f32 v12, v16;
	v12 =	vadd.f32 v9, v18;
	v9 =	vld [tilespmem:s0+$0x1F0];
	s0 =	sadd.s32 $0x200, s0  }
0x1f8: {  	_ = 	snop  }
0x1f9: {  	v4 =	vadd.f32 v4, v11;
	v2 =	vadd.f32 v2, v13  }
0x1fa: {  	v7 =	vadd.f32 v7, v10;
	s28 =	sadd.s32 $0x1, s28;
	v3 =	vadd.f32 v3, v12  }
0x1fb: {  	s0 =	sshll.u32 s29, $0x6;
	p0 =	sne.s32 s28, $0x2A;
	v4 =	vadd.f32 v5, v4;
	v0 =	vadd.f32 v0, v2  }
.Ltmp3:
0x1fc: {  	s0 =	sand.u32 $0x3FFFFFC0, s0;
	v61 =	vadd.f32 v8, v7;
	v1 =	vadd.f32 v1, v3;
	(pc) =	sbr.rel @p0 .LBB2_2-.Ltmp3, $4  }
0x1fd: {  	v62 =	vadd.f32 v6, v4;
	[tilespmem:s0+$0xFC70] =	vst v0  }
0x1fe: {  	v63 =	vadd.f32 v9, v61;
	[tilespmem:s0+$0xFC80] =	vst v1  }
0x1ff: {  	[tilespmem:s0+$0xFC90] =	vst v62  }
0x200: {  	[tilespmem:s0+$0xFCA0] =	vst v63  }
0x201: {  	_ =	swait.ge [sflag:s18], $0x3200  }
0x202: {  	[sflag:s18] =	ssyncset.done $0x0  }
0x203: {  	s0 =	simm.s32 $0x6770;
	[sflag:s18] =	ssyncadd.s32 $0xFFFFCE00  }
0x204: {  	v0 =	vld [tilespmem:s0+$0xC0]  }
0x205: {  	v1 =	vld [tilespmem:s0+$0xD0]  }
0x206: {  	v2 =	vld [tilespmem:s0+$0x80]  }
0x207: {  	v3 =	vld [tilespmem:s0+$0x90]  }
0x208: {  	v9 =	vld [tilespmem:s0+$0x40]  }
0x209: {  	v12 =	vld [tilespmem:s0+$0x50]  }
0x20a: {  	v7 =	vld [tilespmem:s0+$0x0]  }
0x20b: {  	v8 =	vld [tilespmem:s0+$0x10]  }
0x20c: {  	v5 =	vld [tilespmem:s0+$0xFFFFFFC0]  }
0x20d: {  	v6 =	vld [tilespmem:s0+$0xFFFFFFD0]  }
0x20e: {  	v4 =	vld [tilespmem:s0+$0xFFFFFF80]  }
0x20f: {  	v10 =	vld [tilespmem:s0+$0xFFFFFF90]  }
0x210: {  	v11 =	vld [tilespmem:s0+$0xFFFFFF40]  }
0x211: {  	v13 =	vld [tilespmem:s0+$0xFFFFFF50]  }
0x212: {  	v14 =	vld [tilespmem:s0+$0xFFFFFF00]  }
0x213: {  	v15 =	vld [tilespmem:s0+$0xFFFFFF10]  }
0x214: {  	v16 =	vld [tilespmem:s0+$0xFFFFFF20]  }
0x215: {  	v17 =	vld [tilespmem:s0+$0xFFFFFF30]  }
0x216: {  	v18 =	vld [tilespmem:s0+$0xFFFFFF60]  }
0x217: {  	v19 =	vld [tilespmem:s0+$0xFFFFFF70]  }
0x218: {  	v20 =	vimm.f32 $0.0e+00;
	v21 =	vld [tilespmem:s0+$0xFFFFFFA0]  }
0x219: {  	v22 =	vld [tilespmem:s0+$0xFFFFFFB0];
	v14 =	vadd.f32 v14, v20;
	v15 =	vadd.f32 v15, v20  }
0x21a: {  	v59 =	vld [tilespmem:s0+$0xFFFFFFE0];
	v16 =	vadd.f32 v16, v20;
	v17 =	vadd.f32 v17, v20  }
0x21b: {  	v11 =	vadd.f32 v11, v14;
	v13 =	vadd.f32 v13, v15;
	v14 =	vld [tilespmem:s0+$0xFFFFFFF0]  }
0x21c: {  	v61 =	vld [tilespmem:s0+$0x20];
	v15 =	vadd.f32 v18, v16;
	v60 =	vadd.f32 v19, v17  }
0x21d: {  	v11 =	vadd.f32 v4, v11;
	v10 =	vadd.f32 v10, v13;
	v13 =	vld [tilespmem:s0+$0x30]  }
0x21e: {  	v15 =	vadd.f32 v21, v15;
	v16 =	vadd.f32 v22, v60;
	v4 =	vld [tilespmem:s0+$0x60]  }
0x21f: {  	v11 =	vadd.f32 v5, v11;
	v10 =	vadd.f32 v6, v10;
	v6 =	vld [tilespmem:s0+$0x70]  }
0x220: {  	v15 =	vadd.f32 v59, v15;
	v5 =	vld [tilespmem:s0+$0xA0];
	v14 =	vadd.f32 v14, v16  }
0x221: {  	v62 =	vadd.f32 v7, v11;
	v63 =	vadd.f32 v8, v10;
	v8 =	vld [tilespmem:s0+$0xB0]  }
0x222: {  	v11 =	vadd.f32 v61, v15;
	v7 =	vld [tilespmem:s0+$0xE0];
	v10 =	vadd.f32 v13, v14  }
0x223: {  	s1 =	simm.s32 $0x0;
	v13 =	vadd.f32 v9, v62;
	v12 =	vadd.f32 v12, v63;
	v9 =	vld [tilespmem:s0+$0xF0];
	s0 =	simm.s32 $0x6970  }
.LBB2_10:
0x224: {  	v14 =	vld [tilespmem:s0+$0xC0];
	v4 =	vadd.f32 v4, v11;
	v6 =	vadd.f32 v6, v10  }
0x225: {  	v10 =	vld [tilespmem:s0+$0xD0];
	v11 =	vadd.f32 v2, v13;
	v12 =	vadd.f32 v3, v12  }
0x226: {  	v2 =	vld [tilespmem:s0+$0x80];
	v4 =	vadd.f32 v5, v4;
	v5 =	vadd.f32 v8, v6  }
0x227: {  	v3 =	vld [tilespmem:s0+$0x90];
	v6 =	vadd.f32 v0, v11;
	v8 =	vadd.f32 v1, v12  }
0x228: {  	v12 =	vld [tilespmem:s0+$0x40];
	v4 =	vadd.f32 v7, v4;
	v5 =	vadd.f32 v9, v5  }
0x229: {  	v9 =	vld [tilespmem:s0+$0x50];
	v0 =	vmov v14  }
0x22a: {  	v7 =	vld [tilespmem:s0+$0x0];
	v1 =	vmov v10  }
0x22b: {  	v10 =	vld [tilespmem:s0+$0x10]  }
0x22c: {  	v11 =	vld [tilespmem:s0+$0xFFFFFFC0]  }
0x22d: {  	v13 =	vld [tilespmem:s0+$0xFFFFFFD0]  }
0x22e: {  	v14 =	vld [tilespmem:s0+$0xFFFFFF80]  }
0x22f: {  	v15 =	vld [tilespmem:s0+$0xFFFFFF90]  }
0x230: {  	v16 =	vld [tilespmem:s0+$0xFFFFFF40]  }
0x231: {  	v17 =	vld [tilespmem:s0+$0xFFFFFF50]  }
0x232: {  	v18 =	vld [tilespmem:s0+$0xFFFFFF00]  }
0x233: {  	v19 =	vld [tilespmem:s0+$0xFFFFFF10]  }
0x234: {  	v20 =	vld [tilespmem:s0+$0xFFFFFF20]  }
0x235: {  	s1 =	sadd.s32 $0x8, s1;
	v21 =	vld [tilespmem:s0+$0xFFFFFF30]  }
0x236: {  	p0 =	slt.u32 s1, $0xC0;
	v22 =	vld [tilespmem:s0+$0xFFFFFF60]  }
0x237: {  	v23 =	vld [tilespmem:s0+$0xFFFFFF70]  }
0x238: {  	v24 =	vld [tilespmem:s0+$0xFFFFFFA0]  }
0x239: {  	v6 =	vadd.f32 v18, v6;
	v8 =	vadd.f32 v19, v8;
	v18 =	vld [tilespmem:s0+$0xFFFFFFB0]  }
0x23a: {  	v4 =	vadd.f32 v20, v4;
	v5 =	vadd.f32 v21, v5;
	v19 =	vld [tilespmem:s0+$0xFFFFFFE0]  }
0x23b: {  	v6 =	vadd.f32 v16, v6;
	v8 =	vadd.f32 v17, v8;
	v16 =	vld [tilespmem:s0+$0xFFFFFFF0]  }
0x23c: {  	v4 =	vadd.f32 v22, v4;
	v5 =	vadd.f32 v23, v5;
	v17 =	vld [tilespmem:s0+$0x20]  }
0x23d: {  	v6 =	vadd.f32 v14, v6;
	v8 =	vadd.f32 v15, v8;
	v14 =	vld [tilespmem:s0+$0x30]  }
0x23e: {  	v15 =	vadd.f32 v24, v4;
	v5 =	vadd.f32 v18, v5;
	v4 =	vld [tilespmem:s0+$0x60]  }
.Ltmp4:
0x23f: {  	v11 =	vadd.f32 v11, v6;
	v8 =	vadd.f32 v13, v8;
	v6 =	vld [tilespmem:s0+$0x70];
	(pc) =	sbr.rel @p0 .LBB2_10-.Ltmp4, $4  }
0x240: {  	v13 =	vadd.f32 v19, v15;
	v15 =	vadd.f32 v16, v5;
	v5 =	vld [tilespmem:s0+$0xA0]  }
0x241: {  	v16 =	vadd.f32 v7, v11;
	v18 =	vadd.f32 v10, v8;
	v8 =	vld [tilespmem:s0+$0xB0]  }
0x242: {  	v11 =	vadd.f32 v17, v13;
	v10 =	vadd.f32 v14, v15;
	v7 =	vld [tilespmem:s0+$0xE0]  }
0x243: {  	v13 =	vadd.f32 v12, v16;
	v12 =	vadd.f32 v9, v18;
	v9 =	vld [tilespmem:s0+$0xF0];
	s0 =	sadd.s32 $0x200, s0  }
0x244: {  	_ = 	snop  }
0x245: {  	v4 =	vadd.f32 v4, v11;
	v2 =	vadd.f32 v2, v13  }
0x246: {  	v6 =	vadd.f32 v6, v10;
	v3 =	vadd.f32 v3, v12  }
0x247: {  	v4 =	vadd.f32 v5, v4;
	v0 =	vadd.f32 v0, v2  }
0x248: {  	v2 =	vadd.f32 v8, v6;
	v1 =	vadd.f32 v1, v3  }
0x249: {  	v3 =	vadd.f32 v7, v4;
	[tilespmem:$0x11BF0] =	vst v0  }
0x24a: {  	v0 =	vadd.f32 v9, v2;
	[tilespmem:$0x11C00] =	vst v1  }
0x24b: {  	[tilespmem:$0x11C10] =	vst v3  }
0x24c: {  	[tilespmem:$0x11C20] =	vst v0  }
0x24d: {  	_ =	swait.ge [sflag:s23], $0x3200  }
0x24e: {  	[sflag:s23] =	ssyncset.done $0x0  }
0x24f: {  	s0 =	simm.s32 $0x9A60;
	[sflag:s23] =	ssyncadd.s32 $0xFFFFCE00  }
0x250: {  	v0 =	vld [tilespmem:s0+$0xFFFFFFD0]  }
0x251: {  	v1 =	vld [tilespmem:s0+$0xFFFFFFE0]  }
0x252: {  	v2 =	vld [tilespmem:s0+$0xFFFFFF90]  }
0x253: {  	v3 =	vld [tilespmem:s0+$0xFFFFFFA0]  }
0x254: {  	v9 =	vld [tilespmem:s0+$0xFFFFFF50]  }
0x255: {  	v12 =	vld [tilespmem:s0+$0xFFFFFF60]  }
0x256: {  	v7 =	vld [tilespmem:s0+$0xFFFFFF10]  }
0x257: {  	v8 =	vld [tilespmem:s0+$0xFFFFFF20]  }
0x258: {  	v5 =	vld [tilespmem:s0+$0xFFFFFED0]  }
0x259: {  	v6 =	vld [tilespmem:s0+$0xFFFFFEE0]  }
0x25a: {  	v4 =	vld [tilespmem:s0+$0xFFFFFE90]  }
0x25b: {  	v10 =	vld [tilespmem:s0+$0xFFFFFEA0]  }
0x25c: {  	v11 =	vld [tilespmem:s0+$0xFFFFFE50]  }
0x25d: {  	v13 =	vld [tilespmem:s0+$0xFFFFFE60]  }
0x25e: {  	v14 =	vld [tilespmem:s0+$0xFFFFFE10]  }
0x25f: {  	v15 =	vld [tilespmem:s0+$0xFFFFFE20]  }
0x260: {  	v16 =	vld [tilespmem:s0+$0xFFFFFE30]  }
0x261: {  	v17 =	vld [tilespmem:s0+$0xFFFFFE40]  }
0x262: {  	v18 =	vld [tilespmem:s0+$0xFFFFFE70]  }
0x263: {  	v19 =	vld [tilespmem:s0+$0xFFFFFE80]  }
0x264: {  	v20 =	vimm.f32 $0.0e+00;
	v21 =	vld [tilespmem:s0+$0xFFFFFEB0]  }
0x265: {  	v22 =	vld [tilespmem:s0+$0xFFFFFEC0];
	v14 =	vadd.f32 v14, v20;
	v15 =	vadd.f32 v15, v20  }
0x266: {  	v59 =	vld [tilespmem:s0+$0xFFFFFEF0];
	v16 =	vadd.f32 v16, v20;
	v17 =	vadd.f32 v17, v20  }
0x267: {  	v11 =	vadd.f32 v11, v14;
	v13 =	vadd.f32 v13, v15;
	v14 =	vld [tilespmem:s0+$0xFFFFFF00]  }
0x268: {  	v61 =	vld [tilespmem:s0+$0xFFFFFF30];
	v15 =	vadd.f32 v18, v16;
	v60 =	vadd.f32 v19, v17  }
0x269: {  	v11 =	vadd.f32 v4, v11;
	v10 =	vadd.f32 v10, v13;
	v13 =	vld [tilespmem:s0+$0xFFFFFF40]  }
0x26a: {  	v15 =	vadd.f32 v21, v15;
	v16 =	vadd.f32 v22, v60;
	v4 =	vld [tilespmem:s0+$0xFFFFFF70]  }
0x26b: {  	v11 =	vadd.f32 v5, v11;
	v10 =	vadd.f32 v6, v10;
	v6 =	vld [tilespmem:s0+$0xFFFFFF80]  }
0x26c: {  	v15 =	vadd.f32 v59, v15;
	v5 =	vld [tilespmem:s0+$0xFFFFFFB0];
	v14 =	vadd.f32 v14, v16  }
0x26d: {  	v62 =	vadd.f32 v7, v11;
	v63 =	vadd.f32 v8, v10;
	v8 =	vld [tilespmem:s0+$0xFFFFFFC0]  }
0x26e: {  	v11 =	vadd.f32 v61, v15;
	v7 =	vld [tilespmem:s0+$0xFFFFFFF0];
	v10 =	vadd.f32 v13, v14  }
0x26f: {  	s1 =	simm.s32 $0x0;
	v13 =	vadd.f32 v9, v62;
	v12 =	vadd.f32 v12, v63;
	v9 =	vld [tilespmem:s0+$0x0];
	s0 =	simm.s32 $0x9C60  }
.LBB2_12:
0x270: {  	v14 =	vld [tilespmem:s0+$0xFFFFFFD0];
	v4 =	vadd.f32 v4, v11;
	v6 =	vadd.f32 v6, v10  }
0x271: {  	v10 =	vld [tilespmem:s0+$0xFFFFFFE0];
	v11 =	vadd.f32 v2, v13;
	v12 =	vadd.f32 v3, v12  }
0x272: {  	v2 =	vld [tilespmem:s0+$0xFFFFFF90];
	v4 =	vadd.f32 v5, v4;
	v5 =	vadd.f32 v8, v6  }
0x273: {  	v3 =	vld [tilespmem:s0+$0xFFFFFFA0];
	v6 =	vadd.f32 v0, v11;
	v8 =	vadd.f32 v1, v12  }
0x274: {  	v12 =	vld [tilespmem:s0+$0xFFFFFF50];
	v4 =	vadd.f32 v7, v4;
	v5 =	vadd.f32 v9, v5  }
0x275: {  	v9 =	vld [tilespmem:s0+$0xFFFFFF60];
	v0 =	vmov v14  }
0x276: {  	v7 =	vld [tilespmem:s0+$0xFFFFFF10];
	v1 =	vmov v10  }
0x277: {  	v10 =	vld [tilespmem:s0+$0xFFFFFF20]  }
0x278: {  	v11 =	vld [tilespmem:s0+$0xFFFFFED0]  }
0x279: {  	v13 =	vld [tilespmem:s0+$0xFFFFFEE0]  }
0x27a: {  	v14 =	vld [tilespmem:s0+$0xFFFFFE90]  }
0x27b: {  	v15 =	vld [tilespmem:s0+$0xFFFFFEA0]  }
0x27c: {  	v16 =	vld [tilespmem:s0+$0xFFFFFE50]  }
0x27d: {  	v17 =	vld [tilespmem:s0+$0xFFFFFE60]  }
0x27e: {  	v18 =	vld [tilespmem:s0+$0xFFFFFE10]  }
0x27f: {  	v19 =	vld [tilespmem:s0+$0xFFFFFE20]  }
0x280: {  	v20 =	vld [tilespmem:s0+$0xFFFFFE30]  }
0x281: {  	s1 =	sadd.s32 $0x8, s1;
	v21 =	vld [tilespmem:s0+$0xFFFFFE40]  }
0x282: {  	p0 =	slt.u32 s1, $0xC0;
	v22 =	vld [tilespmem:s0+$0xFFFFFE70]  }
0x283: {  	v23 =	vld [tilespmem:s0+$0xFFFFFE80]  }
0x284: {  	v24 =	vld [tilespmem:s0+$0xFFFFFEB0]  }
0x285: {  	v6 =	vadd.f32 v18, v6;
	v8 =	vadd.f32 v19, v8;
	v18 =	vld [tilespmem:s0+$0xFFFFFEC0]  }
0x286: {  	v4 =	vadd.f32 v20, v4;
	v5 =	vadd.f32 v21, v5;
	v19 =	vld [tilespmem:s0+$0xFFFFFEF0]  }
0x287: {  	v6 =	vadd.f32 v16, v6;
	v8 =	vadd.f32 v17, v8;
	v16 =	vld [tilespmem:s0+$0xFFFFFF00]  }
0x288: {  	v4 =	vadd.f32 v22, v4;
	v5 =	vadd.f32 v23, v5;
	v17 =	vld [tilespmem:s0+$0xFFFFFF30]  }
0x289: {  	v6 =	vadd.f32 v14, v6;
	v8 =	vadd.f32 v15, v8;
	v14 =	vld [tilespmem:s0+$0xFFFFFF40]  }
0x28a: {  	v15 =	vadd.f32 v24, v4;
	v5 =	vadd.f32 v18, v5;
	v4 =	vld [tilespmem:s0+$0xFFFFFF70]  }
.Ltmp5:
0x28b: {  	v11 =	vadd.f32 v11, v6;
	v8 =	vadd.f32 v13, v8;
	v6 =	vld [tilespmem:s0+$0xFFFFFF80];
	(pc) =	sbr.rel @p0 .LBB2_12-.Ltmp5, $4  }
0x28c: {  	v13 =	vadd.f32 v19, v15;
	v15 =	vadd.f32 v16, v5;
	v5 =	vld [tilespmem:s0+$0xFFFFFFB0]  }
0x28d: {  	v16 =	vadd.f32 v7, v11;
	v18 =	vadd.f32 v10, v8;
	v8 =	vld [tilespmem:s0+$0xFFFFFFC0]  }
0x28e: {  	v11 =	vadd.f32 v17, v13;
	v10 =	vadd.f32 v14, v15;
	v7 =	vld [tilespmem:s0+$0xFFFFFFF0]  }
0x28f: {  	v13 =	vadd.f32 v12, v16;
	v12 =	vadd.f32 v9, v18;
	v9 =	vld [tilespmem:s0+$0x0];
	s0 =	sadd.s32 $0x200, s0  }
0x290: {  	_ = 	snop  }
0x291: {  	v4 =	vadd.f32 v4, v11;
	v2 =	vadd.f32 v2, v13  }
0x292: {  	v6 =	vadd.f32 v6, v10;
	v3 =	vadd.f32 v3, v12  }
0x293: {  	v4 =	vadd.f32 v5, v4;
	v0 =	vadd.f32 v0, v2  }
0x294: {  	v61 =	vadd.f32 v8, v6;
	v1 =	vadd.f32 v1, v3  }
0x295: {  	v62 =	vadd.f32 v7, v4;
	[tilespmem:$0x11C30] =	vst v0  }
0x296: {  	s26 =	sadd.s32 $0x1, s26;
	v63 =	vadd.f32 v9, v61;
	[tilespmem:$0x11C40] =	vst v1  }
0x297: {  	p0 =	sne.s32 s26, s6;
	[tilespmem:$0x11C50] =	vst v62  }
.Ltmp6:
0x298: {  	[tilespmem:$0x11C60] =	vst v63;
	(pc) =	sbr.rel @p0 .LBB2_1-.Ltmp6, $4  }
0x299: {  	[hbm4b:s5+s2] =	stream.linear.scatter [tilespmem:s25], [sflag:$0x4], $0x2000, $0x38;
	[tilespmem:$0x11C70] =	vst v63  }
0x29a: {  	_ =	swait.ge [sflag:s7], $0x2000  }
0x29b: {  	[sflag:s7] =	ssyncset.done $0x0  }
0x29c: {  	[sflag:s7] =	ssyncadd.s32 $0xFFFFE000  }
0x29d: {  	_ =	sfence.sel $0x180000  }
0x29e: {  	[bflag:$0x0] =	sbarrier.arrive $0xFFFF  }
0x29f: {  	_ =	strace $0x90000047  }
0x2a0: {  	s0 =	stileid.u32;
	[bflag:$0x2] =	sbarrier.arrive $0xFFFF  }
0x2a1: {  	p0 =	sne.s32 s0, $0x0;
	s0 =	rddreg [dreg:$0x1]  }
0x2a2: {  	s0 =	sadd.s32 @!p0 $0x100000, s0  }
0x2a3: {  	[sflag:s0] =	ssyncadd.tile.s32 @!p0 $0x1;
	_ =	shalt  }
.Lfunc_end2:
_tile_overlayer_lowered:
.L_overlay_start_2:
0x2a4: {  	(tag) =	ssettag $0x2  }
0x2a5: {  	s0 =	rddreg [dreg:$0x0];
	s2 =	stileid.u32  }
0x2a6: {  	s1 =	rddreg [dreg:$0x1];
	p0 =	sne.s32 s2, $0x0  }
0x2a7: {  	s3 =	rddreg [dreg:$0x2];
	[bflag:$0x3] =	sbarrier.arrive $0xFFFF;
	s2 =	simm.s32 @!p0 $0x1C04  }
0x2a8: {  	[timem:s3], [sflag:s2] =	dma.local @!p0 [hbm:s0], s1  }
0x2a9: {  	s0 =	simm.s32 @!p0 $0x4  }
0x2aa: {  	_ =	swait.ge @!p0 [sflag:s0], s1  }
0x2ab: {  	s1 =	ssub.s32 @!p0 $0x0, s1;
	[sflag:s0] =	ssyncset.done @!p0 $0x0  }
0x2ac: {  	[sflag:s0] =	ssyncadd.s32 @!p0 s1  }
0x2ad: {  	[bflag:$0x3] =	sbarrier.arrive $0xFFFF  }
0x2ae: {  	_ =	shalt  }

</sc_bundles>
